<compile_context>
chip_gen: v7x
topology: tpu7x:2x2x1
jax: 0.10.2.dev20260603
libtpu: 0.0.44.dev20260713+nightly
codegen_flags: <defaults>
</compile_context>

<pallas_src>
import jax
import jax.numpy as jnp
from jax import lax
from jax.experimental import pallas as pl
from jax.experimental.pallas import tpu as pltpu
from jax.experimental.pallas import tpu_sc as plsc

N = 10000
D = 128
NUM_Z = 100
NUM_GRAPHS = 64

NC = 2
NS = 16
LANES = 16

PER_W = 640
CHUNK = 128
NCHUNK = PER_W // CHUNK
HALF = (NUM_GRAPHS // NC) * NUM_Z
ACC_ROWS = 3328
TRASH = HALF
ZROWS = 16
ZSLABS = (ACC_ROWS // NS) // ZROWS
OUT_PER_S = HALF // NS


def _pool_body(out_hbm, z_hbm, b_hbm, pooled_hbm,
               rows_v, z_v, b_v, idx_v, zero_v, acc_sh, ld_sem, sc_sem):
    c = lax.axis_index("c")
    s = lax.axis_index("s")

    base = jnp.minimum(s * PER_W, N - PER_W).astype(jnp.int32)

    pltpu.sync_copy(z_hbm.at[pl.ds(base, PER_W)], z_v)
    pltpu.sync_copy(b_hbm.at[pl.ds(base, PER_W)], b_v)

    own_lo = s * PER_W
    half_lo = c * HALF
    for t in range(NCHUNK):
        trash = TRASH + s * NCHUNK + t
        for jj in range(CHUNK // LANES):
            off = t * CHUNK + jj * LANES
            gid = base + off + lax.iota(jnp.int32, LANES)
            zv = z_v[pl.ds(off, LANES)]
            bv = b_v[pl.ds(off, LANES)]
            local = bv * NUM_Z + zv - 1 - half_lo
            valid = (gid >= own_lo) & (local >= 0) & (local < HALF)
            idx_v[t, pl.ds(jj * LANES, LANES)] = jnp.where(valid, local, trash)

    loads = [pltpu.make_async_copy(out_hbm.at[pl.ds(base + t * CHUNK, CHUNK)],
                                   rows_v.at[pl.ds(t * CHUNK, CHUNK)], ld_sem)
             for t in range(NCHUNK)]
    for t in range(NCHUNK):
        loads[t].start()

    zvec = jnp.zeros((LANES,), jnp.float32)
    for r in range(ZROWS):
        for k in range(D // LANES):
            zero_v[r, pl.ds(k * LANES, LANES)] = zvec
    for t in range(ZSLABS):
        pltpu.sync_copy(zero_v, acc_sh.at[pl.ds(s * (ZSLABS * ZROWS) + t * ZROWS, ZROWS)])

    for t in range(NCHUNK):
        loads[t].wait()

    plsc.subcore_barrier()

    scats = [pltpu.make_async_copy(rows_v.at[pl.ds(t * CHUNK, CHUNK)],
                                   acc_sh.at[idx_v.at[t]], sc_sem)
             for t in range(NCHUNK)]
    for t in range(NCHUNK):
        scats[t].start(add=True)
    for t in range(NCHUNK):
        scats[t].wait()

    plsc.subcore_barrier()

    pltpu.sync_copy(acc_sh.at[pl.ds(s * OUT_PER_S, OUT_PER_S)],
                    pooled_hbm.at[pl.ds(c * HALF + s * OUT_PER_S, OUT_PER_S)])


@jax.jit
def _pooled(out, z_rv, x_rv_batch):
    mesh = plsc.VectorSubcoreMesh(core_axis_name="c", subcore_axis_name="s")
    run = pl.kernel(
        _pool_body,
        out_type=jax.ShapeDtypeStruct((NUM_GRAPHS * NUM_Z, D), jnp.float32),
        mesh=mesh,
        scratch_types=[
            pltpu.VMEM((PER_W, D), jnp.float32),
            pltpu.VMEM((PER_W,), jnp.int32),
            pltpu.VMEM((PER_W,), jnp.int32),
            pltpu.VMEM((NCHUNK, CHUNK), jnp.int32),
            pltpu.VMEM((ZROWS, D), jnp.float32),
            pltpu.VMEM_SHARED((ACC_ROWS, D), jnp.float32),
            pltpu.SemaphoreType.DMA,
            pltpu.SemaphoreType.DMA,
        ],
    )
    return run(out, z_rv, x_rv_batch)


def kernel(out, z_rv, x_rv_batch):
    pooled = _pooled(out, z_rv, x_rv_batch)
    return pooled.reshape(NUM_GRAPHS, NUM_Z * D)

# --- scband reference (transcript-rebuilt; emitter-appended) ---
"""Pipeline reference for scband-atomic-number-pooling-76974403879560 (READ-ONLY COPY).

The authoritative reference and input builder live on the scoring server;
editing this copy changes nothing except your own understanding.
"""

import jax, jax.numpy as jnp
import numpy as np

N = 10000
D = 128
NUM_Z = 100
NUM_GRAPHS = 64


def setup_inputs(seed: int = 0) -> dict:
    key = jax.random.key(seed)
    k1, k2, k3 = jax.random.split(key, 3)
    out = jax.random.normal(k1, (N, D), dtype=jnp.float32)
    # atomic numbers are 1..100 (the module indexes with z_rv - 1)
    z_rv = jax.random.randint(k2, (N,), 1, NUM_Z + 1, dtype=jnp.int32)
    x_rv_batch = jnp.sort(jax.random.randint(k3, (N,), 0, NUM_GRAPHS, dtype=jnp.int32))
    return {"out": out, "z_rv": z_rv, "x_rv_batch": x_rv_batch}


def reference(out, z_rv, x_rv_batch):
    n, d = out.shape
    # elem_pool: [N, d*100]; scatter each node's embedding into the slot for its atomic number
    cols = jnp.arange(d, dtype=jnp.int32)[None, :] + ((z_rv - 1) * d)[:, None]
    rows = jnp.arange(n, dtype=jnp.int32)[:, None]
    elem_pool = jnp.zeros((n, d * NUM_Z), dtype=out.dtype)
    elem_pool = elem_pool.at[rows, cols].set(out)
    # global_add_pool over graph batch assignment
    pooled = jax.ops.segment_sum(elem_pool, x_rv_batch, num_segments=NUM_GRAPHS)
    return pooled

if __name__ == "__main__":
    import jax
    _d = setup_inputs()
    print(jax.jit(kernel)(*tuple(_d.values())))

</pallas_src>

<mosaic_0001>
#map = affine_map<(d0, d1) -> (0, 0)>
#map1 = affine_map<(d0, d1) -> (0)>
module attributes {stable_mosaic.version = 14 : i64} {
  func.func @_pool_body(%arg0: i32, %arg1: i32, %arg2: memref<10000x128xf32, #tpu.memory_space<hbm>>, %arg3: memref<10000xi32, #tpu.memory_space<hbm>>, %arg4: memref<10000xi32, #tpu.memory_space<hbm>>, %arg5: memref<6400x128xf32, #tpu.memory_space<hbm>>, %arg6: memref<640x128xf32, #tpu.memory_space<vmem>>, %arg7: memref<640xi32, #tpu.memory_space<vmem>>, %arg8: memref<640xi32, #tpu.memory_space<vmem>>, %arg9: memref<5x128xi32, #tpu.memory_space<vmem>>, %arg10: memref<16x128xf32, #tpu.memory_space<vmem>>, %arg11: memref<3328x128xf32, #tpu.memory_space<vmem_shared>>, %arg12: memref<!tpu.dma_semaphore, #tpu.memory_space<semaphore_mem>>, %arg13: memref<!tpu.dma_semaphore, #tpu.memory_space<semaphore_mem>>) attributes {dimension_semantics = [#tpu.dimension_semantics<core_parallel>, #tpu.dimension_semantics<subcore_parallel>], iteration_bounds = array<i64: 2, 16>, scalar_prefetch = 0 : i64, scratch_operands = 8 : i64, tpu.core_type = #tpu.core_type<sc_vector_subcore>, window_params = [{transform_indices = #map}, {transform_indices = #map1}, {transform_indices = #map1}, {transform_indices = #map}]} {
    %mul3A = arith.constant 640 : i32
    %mul3A_0 = arith.muli %arg1, %mul3A : i32
    %min3A = arith.constant 9360 : i32
    %min3A_1 = arith.minsi %mul3A_0, %min3A : i32
    "tpu.region"() ({
      %run_scoped3A = tpu.sem_alloc : memref<!tpu.dma_semaphore, #tpu.memory_space<semaphore_mem>>
      %dma_start3A_2584 = tpu.memref_slice %arg3[%min3A_1] : memref<10000xi32, #tpu.memory_space<hbm>> -> memref<640xi32, #tpu.memory_space<hbm>>
      %dma_start3A_2585 = tpu.memref_slice %arg3[%min3A_1] : memref<10000xi32, #tpu.memory_space<hbm>> -> memref<640xi32, #tpu.memory_space<hbm>>
      tpu.enqueue_dma source(%dma_start3A_2585 : memref<640xi32, #tpu.memory_space<hbm>>) target(%arg7 : memref<640xi32, #tpu.memory_space<vmem>>) target_semaphore(%run_scoped3A : memref<!tpu.dma_semaphore, #tpu.memory_space<semaphore_mem>>)
      %dma_wait3A_2586 = tpu.memref_slice %arg3[%min3A_1] : memref<10000xi32, #tpu.memory_space<hbm>> -> memref<640xi32, #tpu.memory_space<hbm>>
      %dma_wait3A_2587 = tpu.memref_slice %arg3[%min3A_1] : memref<10000xi32, #tpu.memory_space<hbm>> -> memref<640xi32, #tpu.memory_space<hbm>>
      tpu.wait_dma2 semaphore(%run_scoped3A : memref<!tpu.dma_semaphore, #tpu.memory_space<semaphore_mem>>) src(%dma_wait3A_2587 : memref<640xi32, #tpu.memory_space<hbm>>) dst(%arg7 : memref<640xi32, #tpu.memory_space<vmem>>)
      tpu.yield
    }) : () -> ()
    "tpu.region"() ({
      %run_scoped3A = tpu.sem_alloc : memref<!tpu.dma_semaphore, #tpu.memory_space<semaphore_mem>>
      %dma_start3A_2584 = tpu.memref_slice %arg4[%min3A_1] : memref<10000xi32, #tpu.memory_space<hbm>> -> memref<640xi32, #tpu.memory_space<hbm>>
      %dma_start3A_2585 = tpu.memref_slice %arg4[%min3A_1] : memref<10000xi32, #tpu.memory_space<hbm>> -> memref<640xi32, #tpu.memory_space<hbm>>
      tpu.enqueue_dma source(%dma_start3A_2585 : memref<640xi32, #tpu.memory_space<hbm>>) target(%arg8 : memref<640xi32, #tpu.memory_space<vmem>>) target_semaphore(%run_scoped3A : memref<!tpu.dma_semaphore, #tpu.memory_space<semaphore_mem>>)
      %dma_wait3A_2586 = tpu.memref_slice %arg4[%min3A_1] : memref<10000xi32, #tpu.memory_space<hbm>> -> memref<640xi32, #tpu.memory_space<hbm>>
      %dma_wait3A_2587 = tpu.memref_slice %arg4[%min3A_1] : memref<10000xi32, #tpu.memory_space<hbm>> -> memref<640xi32, #tpu.memory_space<hbm>>
      tpu.wait_dma2 semaphore(%run_scoped3A : memref<!tpu.dma_semaphore, #tpu.memory_space<semaphore_mem>>) src(%dma_wait3A_2587 : memref<640xi32, #tpu.memory_space<hbm>>) dst(%arg8 : memref<640xi32, #tpu.memory_space<vmem>>)
      tpu.yield
    }) : () -> ()
    %mul3A_2 = arith.constant 640 : i32
    %mul3A_3 = arith.muli %arg1, %mul3A_2 : i32
    %mul3A_4 = arith.constant 3200 : i32
    %mul3A_5 = arith.muli %arg0, %mul3A_4 : i32
    %mul3A_6 = arith.constant 5 : i32
    %mul3A_7 = arith.muli %arg1, %mul3A_6 : i32
    %add3A = arith.constant 3200 : i32
    %add3A_8 = arith.addi %add3A, %mul3A_7 : i32
    %add3A_9 = arith.constant 0 : i32
    %add3A_10 = arith.addi %add3A_8, %add3A_9 : i32
    %add3A_11 = arith.constant 0 : i32
    %add3A_12 = arith.addi %min3A_1, %add3A_11 : i32
    %iota3A = tpu.iota {dimensions = array<i32: 0>} : vector<16xi32>
    %add3A_13 = vector.broadcast %add3A_12 : i32 to vector<16xi32>
    %add3A_14 = arith.addi %add3A_13, %iota3A : vector<16xi32>
    %get3A = arith.constant 0 : index
    %get3A_15 = tpu.vector_load %arg7[%get3A] {strides = array<i32>} : memref<640xi32, #tpu.memory_space<vmem>>, vector<16xi32>,
    %get3A_16 = vector.shape_cast %get3A_15 : vector<16xi32> to vector<16xi32>
    %get3A_17 = arith.constant 0 : index
    %get3A_18 = tpu.vector_load %arg8[%get3A_17] {strides = array<i32>} : memref<640xi32, #tpu.memory_space<vmem>>, vector<16xi32>,
    %get3A_19 = vector.shape_cast %get3A_18 : vector<16xi32> to vector<16xi32>
    %mul3A_20 = arith.constant 100 : i32
    %mul3A_21 = vector.broadcast %mul3A_20 : i32 to vector<16xi32>
    %mul3A_22 = arith.muli %get3A_19, %mul3A_21 : vector<16xi32>
    %add3A_23 = arith.addi %mul3A_22, %get3A_16 : vector<16xi32>
    %sub3A = arith.constant 1 : i32
    %sub3A_24 = vector.broadcast %sub3A : i32 to vector<16xi32>
    %sub3A_25 = arith.subi %add3A_23, %sub3A_24 : vector<16xi32>
    %sub3A_26 = vector.broadcast %mul3A_5 : i32 to vector<16xi32>
    %sub3A_27 = arith.subi %sub3A_25, %sub3A_26 : vector<16xi32>
    %ge3A = vector.broadcast %mul3A_3 : i32 to vector<16xi32>
    %ge3A_28 = arith.cmpi sge, %add3A_14, %ge3A : vector<16xi32>
    %ge3A_29 = arith.constant 0 : i32
    %ge3A_30 = vector.broadcast %ge3A_29 : i32 to vector<16xi32>
    %ge3A_31 = arith.cmpi sge, %sub3A_27, %ge3A_30 : vector<16xi32>
    %and3A = arith.andi %ge3A_28, %ge3A_31 : vector<16xi1>
    %lt3A = arith.constant 3200 : i32
    %lt3A_32 = vector.broadcast %lt3A : i32 to vector<16xi32>
    %lt3A_33 = arith.cmpi slt, %sub3A_27, %lt3A_32 : vector<16xi32>
    %and3A_34 = arith.andi %and3A, %lt3A_33 : vector<16xi1>
    %broadcast_in_dim3A = vector.broadcast %add3A_10 : i32 to vector<16xi32>
    %select_n3A = arith.select %and3A_34, %sub3A_27, %broadcast_in_dim3A : vector<16xi1>, vector<16xi32>
    %swap3A = arith.constant 0 : i32
    %swap3A_35 = arith.index_cast %swap3A : i32 to index
    %swap3A_36 = arith.constant 0 : index
    %swap3A_37 = tpu.vector_load %arg9[%swap3A_35, %swap3A_36] {strides = array<i32>} : memref<5x128xi32, #tpu.memory_space<vmem>>, vector<1x16xi32>,
    %swap3A_38 = vector.shape_cast %swap3A_37 : vector<1x16xi32> to vector<16xi32>
    %swap3A_39 = vector.shape_cast %select_n3A : vector<16xi32> to vector<1x16xi32>
    tpu.vector_store %arg9[%swap3A_35, %swap3A_36], %swap3A_39 {strides = array<i32>} : memref<5x128xi32, #tpu.memory_space<vmem>>, vector<1x16xi32>,
    %add3A_40 = arith.constant 16 : i32
    %add3A_41 = arith.addi %min3A_1, %add3A_40 : i32
    %iota3A_42 = tpu.iota {dimensions = array<i32: 0>} : vector<16xi32>
    %add3A_43 = vector.broadcast %add3A_41 : i32 to vector<16xi32>
    %add3A_44 = arith.addi %add3A_43, %iota3A_42 : vector<16xi32>
    %get3A_45 = arith.constant 16 : index
    %get3A_46 = tpu.vector_load %arg7[%get3A_45] {strides = array<i32>} : memref<640xi32, #tpu.memory_space<vmem>>, vector<16xi32>,
    %get3A_47 = vector.shape_cast %get3A_46 : vector<16xi32> to vector<16xi32>
    %get3A_48 = arith.constant 16 : index
    %get3A_49 = tpu.vector_load %arg8[%get3A_48] {strides = array<i32>} : memref<640xi32, #tpu.memory_space<vmem>>, vector<16xi32>,
    %get3A_50 = vector.shape_cast %get3A_49 : vector<16xi32> to vector<16xi32>
    %mul3A_51 = arith.constant 100 : i32
    %mul3A_52 = vector.broadcast %mul3A_51 : i32 to vector<16xi32>
    %mul3A_53 = arith.muli %get3A_50, %mul3A_52 : vector<16xi32>
    %add3A_54 = arith.addi %mul3A_53, %get3A_47 : vector<16xi32>
    %sub3A_55 = arith.constant 1 : i32
    %sub3A_56 = vector.broadcast %sub3A_55 : i32 to vector<16xi32>
    %sub3A_57 = arith.subi %add3A_54, %sub3A_56 : vector<16xi32>
    %sub3A_58 = vector.broadcast %mul3A_5 : i32 to vector<16xi32>
    %sub3A_59 = arith.subi %sub3A_57, %sub3A_58 : vector<16xi32>
    %ge3A_60 = vector.broadcast %mul3A_3 : i32 to vector<16xi32>
    %ge3A_61 = arith.cmpi sge, %add3A_44, %ge3A_60 : vector<16xi32>
    %ge3A_62 = arith.constant 0 : i32
    %ge3A_63 = vector.broadcast %ge3A_62 : i32 to vector<16xi32>
    %ge3A_64 = arith.cmpi sge, %sub3A_59, %ge3A_63 : vector<16xi32>
    %and3A_65 = arith.andi %ge3A_61, %ge3A_64 : vector<16xi1>
    %lt3A_66 = arith.constant 3200 : i32
    %lt3A_67 = vector.broadcast %lt3A_66 : i32 to vector<16xi32>
    %lt3A_68 = arith.cmpi slt, %sub3A_59, %lt3A_67 : vector<16xi32>
    %and3A_69 = arith.andi %and3A_65, %lt3A_68 : vector<16xi1>
    %broadcast_in_dim3A_70 = vector.broadcast %add3A_10 : i32 to vector<16xi32>
    %select_n3A_71 = arith.select %and3A_69, %sub3A_59, %broadcast_in_dim3A_70 : vector<16xi1>, vector<16xi32>
    %swap3A_72 = arith.constant 0 : i32
    %swap3A_73 = arith.index_cast %swap3A_72 : i32 to index
    %swap3A_74 = arith.constant 16 : index
    %swap3A_75 = tpu.vector_load %arg9[%swap3A_73, %swap3A_74] {strides = array<i32>} : memref<5x128xi32, #tpu.memory_space<vmem>>, vector<1x16xi32>,
    %swap3A_76 = vector.shape_cast %swap3A_75 : vector<1x16xi32> to vector<16xi32>
    %swap3A_77 = vector.shape_cast %select_n3A_71 : vector<16xi32> to vector<1x16xi32>
    tpu.vector_store %arg9[%swap3A_73, %swap3A_74], %swap3A_77 {strides = array<i32>} : memref<5x128xi32, #tpu.memory_space<vmem>>, vector<1x16xi32>,
    %add3A_78 = arith.constant 32 : i32
    %add3A_79 = arith.addi %min3A_1, %add3A_78 : i32
    %iota3A_80 = tpu.iota {dimensions = array<i32: 0>} : vector<16xi32>
    %add3A_81 = vector.broadcast %add3A_79 : i32 to vector<16xi32>
    %add3A_82 = arith.addi %add3A_81, %iota3A_80 : vector<16xi32>
    %get3A_83 = arith.constant 32 : index
    %get3A_84 = tpu.vector_load %arg7[%get3A_83] {strides = array<i32>} : memref<640xi32, #tpu.memory_space<vmem>>, vector<16xi32>,
    %get3A_85 = vector.shape_cast %get3A_84 : vector<16xi32> to vector<16xi32>
    %get3A_86 = arith.constant 32 : index
    %get3A_87 = tpu.vector_load %arg8[%get3A_86] {strides = array<i32>} : memref<640xi32, #tpu.memory_space<vmem>>, vector<16xi32>,
    %get3A_88 = vector.shape_cast %get3A_87 : vector<16xi32> to vector<16xi32>
    %mul3A_89 = arith.constant 100 : i32
    %mul3A_90 = vector.broadcast %mul3A_89 : i32 to vector<16xi32>
    %mul3A_91 = arith.muli %get3A_88, %mul3A_90 : vector<16xi32>
    %add3A_92 = arith.addi %mul3A_91, %get3A_85 : vector<16xi32>
    %sub3A_93 = arith.constant 1 : i32
    %sub3A_94 = vector.broadcast %sub3A_93 : i32 to vector<16xi32>
    %sub3A_95 = arith.subi %add3A_92, %sub3A_94 : vector<16xi32>
    %sub3A_96 = vector.broadcast %mul3A_5 : i32 to vector<16xi32>
    %sub3A_97 = arith.subi %sub3A_95, %sub3A_96 : vector<16xi32>
    %ge3A_98 = vector.broadcast %mul3A_3 : i32 to vector<16xi32>
    %ge3A_99 = arith.cmpi sge, %add3A_82, %ge3A_98 : vector<16xi32>
    %ge3A_100 = arith.constant 0 : i32
    %ge3A_101 = vector.broadcast %ge3A_100 : i32 to vector<16xi32>
    %ge3A_102 = arith.cmpi sge, %sub3A_97, %ge3A_101 : vector<16xi32>
    %and3A_103 = arith.andi %ge3A_99, %ge3A_102 : vector<16xi1>
    %lt3A_104 = arith.constant 3200 : i32
    %lt3A_105 = vector.broadcast %lt3A_104 : i32 to vector<16xi32>
    %lt3A_106 = arith.cmpi slt, %sub3A_97, %lt3A_105 : vector<16xi32>
    %and3A_107 = arith.andi %and3A_103, %lt3A_106 : vector<16xi1>
    %broadcast_in_dim3A_108 = vector.broadcast %add3A_10 : i32 to vector<16xi32>
    %select_n3A_109 = arith.select %and3A_107, %sub3A_97, %broadcast_in_dim3A_108 : vector<16xi1>, vector<16xi32>
    %swap3A_110 = arith.constant 0 : i32
    %swap3A_111 = arith.index_cast %swap3A_110 : i32 to index
    %swap3A_112 = arith.constant 32 : index
    %swap3A_113 = tpu.vector_load %arg9[%swap3A_111, %swap3A_112] {strides = array<i32>} : memref<5x128xi32, #tpu.memory_space<vmem>>, vector<1x16xi32>,
    %swap3A_114 = vector.shape_cast %swap3A_113 : vector<1x16xi32> to vector<16xi32>
    %swap3A_115 = vector.shape_cast %select_n3A_109 : vector<16xi32> to vector<1x16xi32>
    tpu.vector_store %arg9[%swap3A_111, %swap3A_112], %swap3A_115 {strides = array<i32>} : memref<5x128xi32, #tpu.memory_space<vmem>>, vector<1x16xi32>,
    %add3A_116 = arith.constant 48 : i32
    %add3A_117 = arith.addi %min3A_1, %add3A_116 : i32
    %iota3A_118 = tpu.iota {dimensions = array<i32: 0>} : vector<16xi32>
    %add3A_119 = vector.broadcast %add3A_117 : i32 to vector<16xi32>
    %add3A_120 = arith.addi %add3A_119, %iota3A_118 : vector<16xi32>
    %get3A_121 = arith.constant 48 : index
    %get3A_122 = tpu.vector_load %arg7[%get3A_121] {strides = array<i32>} : memref<640xi32, #tpu.memory_space<vmem>>, vector<16xi32>,
    %get3A_123 = vector.shape_cast %get3A_122 : vector<16xi32> to vector<16xi32>
    %get3A_124 = arith.constant 48 : index
    %get3A_125 = tpu.vector_load %arg8[%get3A_124] {strides = array<i32>} : memref<640xi32, #tpu.memory_space<vmem>>, vector<16xi32>,
    %get3A_126 = vector.shape_cast %get3A_125 : vector<16xi32> to vector<16xi32>
    %mul3A_127 = arith.constant 100 : i32
    %mul3A_128 = vector.broadcast %mul3A_127 : i32 to vector<16xi32>
    %mul3A_129 = arith.muli %get3A_126, %mul3A_128 : vector<16xi32>
    %add3A_130 = arith.addi %mul3A_129, %get3A_123 : vector<16xi32>
    %sub3A_131 = arith.constant 1 : i32
    %sub3A_132 = vector.broadcast %sub3A_131 : i32 to vector<16xi32>
    %sub3A_133 = arith.subi %add3A_130, %sub3A_132 : vector<16xi32>
    %sub3A_134 = vector.broadcast %mul3A_5 : i32 to vector<16xi32>
    %sub3A_135 = arith.subi %sub3A_133, %sub3A_134 : vector<16xi32>
    %ge3A_136 = vector.broadcast %mul3A_3 : i32 to vector<16xi32>
    %ge3A_137 = arith.cmpi sge, %add3A_120, %ge3A_136 : vector<16xi32>
    %ge3A_138 = arith.constant 0 : i32
    %ge3A_139 = vector.broadcast %ge3A_138 : i32 to vector<16xi32>
    %ge3A_140 = arith.cmpi sge, %sub3A_135, %ge3A_139 : vector<16xi32>
    %and3A_141 = arith.andi %ge3A_137, %ge3A_140 : vector<16xi1>
    %lt3A_142 = arith.constant 3200 : i32
    %lt3A_143 = vector.broadcast %lt3A_142 : i32 to vector<16xi32>
    %lt3A_144 = arith.cmpi slt, %sub3A_135, %lt3A_143 : vector<16xi32>
    %and3A_145 = arith.andi %and3A_141, %lt3A_144 : vector<16xi1>
    %broadcast_in_dim3A_146 = vector.broadcast %add3A_10 : i32 to vector<16xi32>
    %select_n3A_147 = arith.select %and3A_145, %sub3A_135, %broadcast_in_dim3A_146 : vector<16xi1>, vector<16xi32>
    %swap3A_148 = arith.constant 0 : i32
    %swap3A_149 = arith.index_cast %swap3A_148 : i32 to index
    %swap3A_150 = arith.constant 48 : index
    %swap3A_151 = tpu.vector_load %arg9[%swap3A_149, %swap3A_150] {strides = array<i32>} : memref<5x128xi32, #tpu.memory_space<vmem>>, vector<1x16xi32>,
    %swap3A_152 = vector.shape_cast %swap3A_151 : vector<1x16xi32> to vector<16xi32>
    %swap3A_153 = vector.shape_cast %select_n3A_147 : vector<16xi32> to vector<1x16xi32>
    tpu.vector_store %arg9[%swap3A_149, %swap3A_150], %swap3A_153 {strides = array<i32>} : memref<5x128xi32, #tpu.memory_space<vmem>>, vector<1x16xi32>,
    %add3A_154 = arith.constant 64 : i32
    %add3A_155 = arith.addi %min3A_1, %add3A_154 : i32
    %iota3A_156 = tpu.iota {dimensions = array<i32: 0>} : vector<16xi32>
    %add3A_157 = vector.broadcast %add3A_155 : i32 to vector<16xi32>
    %add3A_158 = arith.addi %add3A_157, %iota3A_156 : vector<16xi32>
    %get3A_159 = arith.constant 64 : index
    %get3A_160 = tpu.vector_load %arg7[%get3A_159] {strides = array<i32>} : memref<640xi32, #tpu.memory_space<vmem>>, vector<16xi32>,
    %get3A_161 = vector.shape_cast %get3A_160 : vector<16xi32> to vector<16xi32>
    %get3A_162 = arith.constant 64 : index
    %get3A_163 = tpu.vector_load %arg8[%get3A_162] {strides = array<i32>} : memref<640xi32, #tpu.memory_space<vmem>>, vector<16xi32>,
    %get3A_164 = vector.shape_cast %get3A_163 : vector<16xi32> to vector<16xi32>
    %mul3A_165 = arith.constant 100 : i32
    %mul3A_166 = vector.broadcast %mul3A_165 : i32 to vector<16xi32>
    %mul3A_167 = arith.muli %get3A_164, %mul3A_166 : vector<16xi32>
    %add3A_168 = arith.addi %mul3A_167, %get3A_161 : vector<16xi32>
    %sub3A_169 = arith.constant 1 : i32
    %sub3A_170 = vector.broadcast %sub3A_169 : i32 to vector<16xi32>
    %sub3A_171 = arith.subi %add3A_168, %sub3A_170 : vector<16xi32>
    %sub3A_172 = vector.broadcast %mul3A_5 : i32 to vector<16xi32>
    %sub3A_173 = arith.subi %sub3A_171, %sub3A_172 : vector<16xi32>
    %ge3A_174 = vector.broadcast %mul3A_3 : i32 to vector<16xi32>
    %ge3A_175 = arith.cmpi sge, %add3A_158, %ge3A_174 : vector<16xi32>
    %ge3A_176 = arith.constant 0 : i32
    %ge3A_177 = vector.broadcast %ge3A_176 : i32 to vector<16xi32>
    %ge3A_178 = arith.cmpi sge, %sub3A_173, %ge3A_177 : vector<16xi32>
    %and3A_179 = arith.andi %ge3A_175, %ge3A_178 : vector<16xi1>
    %lt3A_180 = arith.constant 3200 : i32
    %lt3A_181 = vector.broadcast %lt3A_180 : i32 to vector<16xi32>
    %lt3A_182 = arith.cmpi slt, %sub3A_173, %lt3A_181 : vector<16xi32>
    %and3A_183 = arith.andi %and3A_179, %lt3A_182 : vector<16xi1>
    %broadcast_in_dim3A_184 = vector.broadcast %add3A_10 : i32 to vector<16xi32>
    %select_n3A_185 = arith.select %and3A_183, %sub3A_173, %broadcast_in_dim3A_184 : vector<16xi1>, vector<16xi32>
    %swap3A_186 = arith.constant 0 : i32
    %swap3A_187 = arith.index_cast %swap3A_186 : i32 to index
    %swap3A_188 = arith.constant 64 : index
    %swap3A_189 = tpu.vector_load %arg9[%swap3A_187, %swap3A_188] {strides = array<i32>} : memref<5x128xi32, #tpu.memory_space<vmem>>, vector<1x16xi32>,
    %swap3A_190 = vector.shape_cast %swap3A_189 : vector<1x16xi32> to vector<16xi32>
    %swap3A_191 = vector.shape_cast %select_n3A_185 : vector<16xi32> to vector<1x16xi32>
    tpu.vector_store %arg9[%swap3A_187, %swap3A_188], %swap3A_191 {strides = array<i32>} : memref<5x128xi32, #tpu.memory_space<vmem>>, vector<1x16xi32>,
    %add3A_192 = arith.constant 80 : i32
    %add3A_193 = arith.addi %min3A_1, %add3A_192 : i32
    %iota3A_194 = tpu.iota {dimensions = array<i32: 0>} : vector<16xi32>
    %add3A_195 = vector.broadcast %add3A_193 : i32 to vector<16xi32>
    %add3A_196 = arith.addi %add3A_195, %iota3A_194 : vector<16xi32>
    %get3A_197 = arith.constant 80 : index
    %get3A_198 = tpu.vector_load %arg7[%get3A_197] {strides = array<i32>} : memref<640xi32, #tpu.memory_space<vmem>>, vector<16xi32>,
    %get3A_199 = vector.shape_cast %get3A_198 : vector<16xi32> to vector<16xi32>
    %get3A_200 = arith.constant 80 : index
    %get3A_201 = tpu.vector_load %arg8[%get3A_200] {strides = array<i32>} : memref<640xi32, #tpu.memory_space<vmem>>, vector<16xi32>,
    %get3A_202 = vector.shape_cast %get3A_201 : vector<16xi32> to vector<16xi32>
    %mul3A_203 = arith.constant 100 : i32
    %mul3A_204 = vector.broadcast %mul3A_203 : i32 to vector<16xi32>
    %mul3A_205 = arith.muli %get3A_202, %mul3A_204 : vector<16xi32>
    %add3A_206 = arith.addi %mul3A_205, %get3A_199 : vector<16xi32>
    %sub3A_207 = arith.constant 1 : i32
    %sub3A_208 = vector.broadcast %sub3A_207 : i32 to vector<16xi32>
    %sub3A_209 = arith.subi %add3A_206, %sub3A_208 : vector<16xi32>
    %sub3A_210 = vector.broadcast %mul3A_5 : i32 to vector<16xi32>
    %sub3A_211 = arith.subi %sub3A_209, %sub3A_210 : vector<16xi32>
    %ge3A_212 = vector.broadcast %mul3A_3 : i32 to vector<16xi32>
    %ge3A_213 = arith.cmpi sge, %add3A_196, %ge3A_212 : vector<16xi32>
    %ge3A_214 = arith.constant 0 : i32
    %ge3A_215 = vector.broadcast %ge3A_214 : i32 to vector<16xi32>
    %ge3A_216 = arith.cmpi sge, %sub3A_211, %ge3A_215 : vector<16xi32>
    %and3A_217 = arith.andi %ge3A_213, %ge3A_216 : vector<16xi1>
    %lt3A_218 = arith.constant 3200 : i32
    %lt3A_219 = vector.broadcast %lt3A_218 : i32 to vector<16xi32>
    %lt3A_220 = arith.cmpi slt, %sub3A_211, %lt3A_219 : vector<16xi32>
    %and3A_221 = arith.andi %and3A_217, %lt3A_220 : vector<16xi1>
    %broadcast_in_dim3A_222 = vector.broadcast %add3A_10 : i32 to vector<16xi32>
    %select_n3A_223 = arith.select %and3A_221, %sub3A_211, %broadcast_in_dim3A_222 : vector<16xi1>, vector<16xi32>
    %swap3A_224 = arith.constant 0 : i32
    %swap3A_225 = arith.index_cast %swap3A_224 : i32 to index
    %swap3A_226 = arith.constant 80 : index
    %swap3A_227 = tpu.vector_load %arg9[%swap3A_225, %swap3A_226] {strides = array<i32>} : memref<5x128xi32, #tpu.memory_space<vmem>>, vector<1x16xi32>,
    %swap3A_228 = vector.shape_cast %swap3A_227 : vector<1x16xi32> to vector<16xi32>
    %swap3A_229 = vector.shape_cast %select_n3A_223 : vector<16xi32> to vector<1x16xi32>
    tpu.vector_store %arg9[%swap3A_225, %swap3A_226], %swap3A_229 {strides = array<i32>} : memref<5x128xi32, #tpu.memory_space<vmem>>, vector<1x16xi32>,
    %add3A_230 = arith.constant 96 : i32
    %add3A_231 = arith.addi %min3A_1, %add3A_230 : i32
    %iota3A_232 = tpu.iota {dimensions = array<i32: 0>} : vector<16xi32>
    %add3A_233 = vector.broadcast %add3A_231 : i32 to vector<16xi32>
    %add3A_234 = arith.addi %add3A_233, %iota3A_232 : vector<16xi32>
    %get3A_235 = arith.constant 96 : index
    %get3A_236 = tpu.vector_load %arg7[%get3A_235] {strides = array<i32>} : memref<640xi32, #tpu.memory_space<vmem>>, vector<16xi32>,
    %get3A_237 = vector.shape_cast %get3A_236 : vector<16xi32> to vector<16xi32>
    %get3A_238 = arith.constant 96 : index
    %get3A_239 = tpu.vector_load %arg8[%get3A_238] {strides = array<i32>} : memref<640xi32, #tpu.memory_space<vmem>>, vector<16xi32>,
    %get3A_240 = vector.shape_cast %get3A_239 : vector<16xi32> to vector<16xi32>
    %mul3A_241 = arith.constant 100 : i32
    %mul3A_242 = vector.broadcast %mul3A_241 : i32 to vector<16xi32>
    %mul3A_243 = arith.muli %get3A_240, %mul3A_242 : vector<16xi32>
    %add3A_244 = arith.addi %mul3A_243, %get3A_237 : vector<16xi32>
    %sub3A_245 = arith.constant 1 : i32
    %sub3A_246 = vector.broadcast %sub3A_245 : i32 to vector<16xi32>
    %sub3A_247 = arith.subi %add3A_244, %sub3A_246 : vector<16xi32>
    %sub3A_248 = vector.broadcast %mul3A_5 : i32 to vector<16xi32>
    %sub3A_249 = arith.subi %sub3A_247, %sub3A_248 : vector<16xi32>
    %ge3A_250 = vector.broadcast %mul3A_3 : i32 to vector<16xi32>
    %ge3A_251 = arith.cmpi sge, %add3A_234, %ge3A_250 : vector<16xi32>
    %ge3A_252 = arith.constant 0 : i32
    %ge3A_253 = vector.broadcast %ge3A_252 : i32 to vector<16xi32>
    %ge3A_254 = arith.cmpi sge, %sub3A_249, %ge3A_253 : vector<16xi32>
    %and3A_255 = arith.andi %ge3A_251, %ge3A_254 : vector<16xi1>
    %lt3A_256 = arith.constant 3200 : i32
    %lt3A_257 = vector.broadcast %lt3A_256 : i32 to vector<16xi32>
    %lt3A_258 = arith.cmpi slt, %sub3A_249, %lt3A_257 : vector<16xi32>
    %and3A_259 = arith.andi %and3A_255, %lt3A_258 : vector<16xi1>
    %broadcast_in_dim3A_260 = vector.broadcast %add3A_10 : i32 to vector<16xi32>
    %select_n3A_261 = arith.select %and3A_259, %sub3A_249, %broadcast_in_dim3A_260 : vector<16xi1>, vector<16xi32>
    %swap3A_262 = arith.constant 0 : i32
    %swap3A_263 = arith.index_cast %swap3A_262 : i32 to index
    %swap3A_264 = arith.constant 96 : index
    %swap3A_265 = tpu.vector_load %arg9[%swap3A_263, %swap3A_264] {strides = array<i32>} : memref<5x128xi32, #tpu.memory_space<vmem>>, vector<1x16xi32>,
    %swap3A_266 = vector.shape_cast %swap3A_265 : vector<1x16xi32> to vector<16xi32>
    %swap3A_267 = vector.shape_cast %select_n3A_261 : vector<16xi32> to vector<1x16xi32>
    tpu.vector_store %arg9[%swap3A_263, %swap3A_264], %swap3A_267 {strides = array<i32>} : memref<5x128xi32, #tpu.memory_space<vmem>>, vector<1x16xi32>,
    %add3A_268 = arith.constant 112 : i32
    %add3A_269 = arith.addi %min3A_1, %add3A_268 : i32
    %iota3A_270 = tpu.iota {dimensions = array<i32: 0>} : vector<16xi32>
    %add3A_271 = vector.broadcast %add3A_269 : i32 to vector<16xi32>
    %add3A_272 = arith.addi %add3A_271, %iota3A_270 : vector<16xi32>
    %get3A_273 = arith.constant 112 : index
    %get3A_274 = tpu.vector_load %arg7[%get3A_273] {strides = array<i32>} : memref<640xi32, #tpu.memory_space<vmem>>, vector<16xi32>,
    %get3A_275 = vector.shape_cast %get3A_274 : vector<16xi32> to vector<16xi32>
    %get3A_276 = arith.constant 112 : index
    %get3A_277 = tpu.vector_load %arg8[%get3A_276] {strides = array<i32>} : memref<640xi32, #tpu.memory_space<vmem>>, vector<16xi32>,
    %get3A_278 = vector.shape_cast %get3A_277 : vector<16xi32> to vector<16xi32>
    %mul3A_279 = arith.constant 100 : i32
    %mul3A_280 = vector.broadcast %mul3A_279 : i32 to vector<16xi32>
    %mul3A_281 = arith.muli %get3A_278, %mul3A_280 : vector<16xi32>
    %add3A_282 = arith.addi %mul3A_281, %get3A_275 : vector<16xi32>
    %sub3A_283 = arith.constant 1 : i32
    %sub3A_284 = vector.broadcast %sub3A_283 : i32 to vector<16xi32>
    %sub3A_285 = arith.subi %add3A_282, %sub3A_284 : vector<16xi32>
    %sub3A_286 = vector.broadcast %mul3A_5 : i32 to vector<16xi32>
    %sub3A_287 = arith.subi %sub3A_285, %sub3A_286 : vector<16xi32>
    %ge3A_288 = vector.broadcast %mul3A_3 : i32 to vector<16xi32>
    %ge3A_289 = arith.cmpi sge, %add3A_272, %ge3A_288 : vector<16xi32>
    %ge3A_290 = arith.constant 0 : i32
    %ge3A_291 = vector.broadcast %ge3A_290 : i32 to vector<16xi32>
    %ge3A_292 = arith.cmpi sge, %sub3A_287, %ge3A_291 : vector<16xi32>
    %and3A_293 = arith.andi %ge3A_289, %ge3A_292 : vector<16xi1>
    %lt3A_294 = arith.constant 3200 : i32
    %lt3A_295 = vector.broadcast %lt3A_294 : i32 to vector<16xi32>
    %lt3A_296 = arith.cmpi slt, %sub3A_287, %lt3A_295 : vector<16xi32>
    %and3A_297 = arith.andi %and3A_293, %lt3A_296 : vector<16xi1>
    %broadcast_in_dim3A_298 = vector.broadcast %add3A_10 : i32 to vector<16xi32>
    %select_n3A_299 = arith.select %and3A_297, %sub3A_287, %broadcast_in_dim3A_298 : vector<16xi1>, vector<16xi32>
    %swap3A_300 = arith.constant 0 : i32
    %swap3A_301 = arith.index_cast %swap3A_300 : i32 to index
    %swap3A_302 = arith.constant 112 : index
    %swap3A_303 = tpu.vector_load %arg9[%swap3A_301, %swap3A_302] {strides = array<i32>} : memref<5x128xi32, #tpu.memory_space<vmem>>, vector<1x16xi32>,
    %swap3A_304 = vector.shape_cast %swap3A_303 : vector<1x16xi32> to vector<16xi32>
    %swap3A_305 = vector.shape_cast %select_n3A_299 : vector<16xi32> to vector<1x16xi32>
    tpu.vector_store %arg9[%swap3A_301, %swap3A_302], %swap3A_305 {strides = array<i32>} : memref<5x128xi32, #tpu.memory_space<vmem>>, vector<1x16xi32>,
    %mul3A_306 = arith.constant 5 : i32
    %mul3A_307 = arith.muli %arg1, %mul3A_306 : i32
    %add3A_308 = arith.constant 3200 : i32
    %add3A_309 = arith.addi %add3A_308, %mul3A_307 : i32
    %add3A_310 = arith.constant 1 : i32
    %add3A_311 = arith.addi %add3A_309, %add3A_310 : i32
    %add3A_312 = arith.constant 128 : i32
    %add3A_313 = arith.addi %min3A_1, %add3A_312 : i32
    %iota3A_314 = tpu.iota {dimensions = array<i32: 0>} : vector<16xi32>
    %add3A_315 = vector.broadcast %add3A_313 : i32 to vector<16xi32>
    %add3A_316 = arith.addi %add3A_315, %iota3A_314 : vector<16xi32>
    %get3A_317 = arith.constant 128 : index
    %get3A_318 = tpu.vector_load %arg7[%get3A_317] {strides = array<i32>} : memref<640xi32, #tpu.memory_space<vmem>>, vector<16xi32>,
    %get3A_319 = vector.shape_cast %get3A_318 : vector<16xi32> to vector<16xi32>
    %get3A_320 = arith.constant 128 : index
    %get3A_321 = tpu.vector_load %arg8[%get3A_320] {strides = array<i32>} : memref<640xi32, #tpu.memory_space<vmem>>, vector<16xi32>,
    %get3A_322 = vector.shape_cast %get3A_321 : vector<16xi32> to vector<16xi32>
    %mul3A_323 = arith.constant 100 : i32
    %mul3A_324 = vector.broadcast %mul3A_323 : i32 to vector<16xi32>
    %mul3A_325 = arith.muli %get3A_322, %mul3A_324 : vector<16xi32>
    %add3A_326 = arith.addi %mul3A_325, %get3A_319 : vector<16xi32>
    %sub3A_327 = arith.constant 1 : i32
    %sub3A_328 = vector.broadcast %sub3A_327 : i32 to vector<16xi32>
    %sub3A_329 = arith.subi %add3A_326, %sub3A_328 : vector<16xi32>
    %sub3A_330 = vector.broadcast %mul3A_5 : i32 to vector<16xi32>
    %sub3A_331 = arith.subi %sub3A_329, %sub3A_330 : vector<16xi32>
    %ge3A_332 = vector.broadcast %mul3A_3 : i32 to vector<16xi32>
    %ge3A_333 = arith.cmpi sge, %add3A_316, %ge3A_332 : vector<16xi32>
    %ge3A_334 = arith.constant 0 : i32
    %ge3A_335 = vector.broadcast %ge3A_334 : i32 to vector<16xi32>
    %ge3A_336 = arith.cmpi sge, %sub3A_331, %ge3A_335 : vector<16xi32>
    %and3A_337 = arith.andi %ge3A_333, %ge3A_336 : vector<16xi1>
    %lt3A_338 = arith.constant 3200 : i32
    %lt3A_339 = vector.broadcast %lt3A_338 : i32 to vector<16xi32>
    %lt3A_340 = arith.cmpi slt, %sub3A_331, %lt3A_339 : vector<16xi32>
    %and3A_341 = arith.andi %and3A_337, %lt3A_340 : vector<16xi1>
    %broadcast_in_dim3A_342 = vector.broadcast %add3A_311 : i32 to vector<16xi32>
    %select_n3A_343 = arith.select %and3A_341, %sub3A_331, %broadcast_in_dim3A_342 : vector<16xi1>, vector<16xi32>
    %swap3A_344 = arith.constant 1 : i32
    %swap3A_345 = arith.index_cast %swap3A_344 : i32 to index
    %swap3A_346 = arith.constant 0 : index
    %swap3A_347 = tpu.vector_load %arg9[%swap3A_345, %swap3A_346] {strides = array<i32>} : memref<5x128xi32, #tpu.memory_space<vmem>>, vector<1x16xi32>,
    %swap3A_348 = vector.shape_cast %swap3A_347 : vector<1x16xi32> to vector<16xi32>
    %swap3A_349 = vector.shape_cast %select_n3A_343 : vector<16xi32> to vector<1x16xi32>
    tpu.vector_store %arg9[%swap3A_345, %swap3A_346], %swap3A_349 {strides = array<i32>} : memref<5x128xi32, #tpu.memory_space<vmem>>, vector<1x16xi32>,
    %add3A_350 = arith.constant 144 : i32
    %add3A_351 = arith.addi %min3A_1, %add3A_350 : i32
    %iota3A_352 = tpu.iota {dimensions = array<i32: 0>} : vector<16xi32>
    %add3A_353 = vector.broadcast %add3A_351 : i32 to vector<16xi32>
    %add3A_354 = arith.addi %add3A_353, %iota3A_352 : vector<16xi32>
    %get3A_355 = arith.constant 144 : index
    %get3A_356 = tpu.vector_load %arg7[%get3A_355] {strides = array<i32>} : memref<640xi32, #tpu.memory_space<vmem>>, vector<16xi32>,
    %get3A_357 = vector.shape_cast %get3A_356 : vector<16xi32> to vector<16xi32>
    %get3A_358 = arith.constant 144 : index
    %get3A_359 = tpu.vector_load %arg8[%get3A_358] {strides = array<i32>} : memref<640xi32, #tpu.memory_space<vmem>>, vector<16xi32>,
    %get3A_360 = vector.shape_cast %get3A_359 : vector<16xi32> to vector<16xi32>
    %mul3A_361 = arith.constant 100 : i32
    %mul3A_362 = vector.broadcast %mul3A_361 : i32 to vector<16xi32>
    %mul3A_363 = arith.muli %get3A_360, %mul3A_362 : vector<16xi32>
    %add3A_364 = arith.addi %mul3A_363, %get3A_357 : vector<16xi32>
    %sub3A_365 = arith.constant 1 : i32
    %sub3A_366 = vector.broadcast %sub3A_365 : i32 to vector<16xi32>
    %sub3A_367 = arith.subi %add3A_364, %sub3A_366 : vector<16xi32>
    %sub3A_368 = vector.broadcast %mul3A_5 : i32 to vector<16xi32>
    %sub3A_369 = arith.subi %sub3A_367, %sub3A_368 : vector<16xi32>
    %ge3A_370 = vector.broadcast %mul3A_3 : i32 to vector<16xi32>
    %ge3A_371 = arith.cmpi sge, %add3A_354, %ge3A_370 : vector<16xi32>
    %ge3A_372 = arith.constant 0 : i32
    %ge3A_373 = vector.broadcast %ge3A_372 : i32 to vector<16xi32>
    %ge3A_374 = arith.cmpi sge, %sub3A_369, %ge3A_373 : vector<16xi32>
    %and3A_375 = arith.andi %ge3A_371, %ge3A_374 : vector<16xi1>
    %lt3A_376 = arith.constant 3200 : i32
    %lt3A_377 = vector.broadcast %lt3A_376 : i32 to vector<16xi32>
    %lt3A_378 = arith.cmpi slt, %sub3A_369, %lt3A_377 : vector<16xi32>
    %and3A_379 = arith.andi %and3A_375, %lt3A_378 : vector<16xi1>
    %broadcast_in_dim3A_380 = vector.broadcast %add3A_311 : i32 to vector<16xi32>
    %select_n3A_381 = arith.select %and3A_379, %sub3A_369, %broadcast_in_dim3A_380 : vector<16xi1>, vector<16xi32>
    %swap3A_382 = arith.constant 1 : i32
    %swap3A_383 = arith.index_cast %swap3A_382 : i32 to index
    %swap3A_384 = arith.constant 16 : index
    %swap3A_385 = tpu.vector_load %arg9[%swap3A_383, %swap3A_384] {strides = array<i32>} : memref<5x128xi32, #tpu.memory_space<vmem>>, vector<1x16xi32>,
    %swap3A_386 = vector.shape_cast %swap3A_385 : vector<1x16xi32> to vector<16xi32>
    %swap3A_387 = vector.shape_cast %select_n3A_381 : vector<16xi32> to vector<1x16xi32>
    tpu.vector_store %arg9[%swap3A_383, %swap3A_384], %swap3A_387 {strides = array<i32>} : memref<5x128xi32, #tpu.memory_space<vmem>>, vector<1x16xi32>,
    %add3A_388 = arith.constant 160 : i32
    %add3A_389 = arith.addi %min3A_1, %add3A_388 : i32
    %iota3A_390 = tpu.iota {dimensions = array<i32: 0>} : vector<16xi32>
    %add3A_391 = vector.broadcast %add3A_389 : i32 to vector<16xi32>
    %add3A_392 = arith.addi %add3A_391, %iota3A_390 : vector<16xi32>
    %get3A_393 = arith.constant 160 : index
    %get3A_394 = tpu.vector_load %arg7[%get3A_393] {strides = array<i32>} : memref<640xi32, #tpu.memory_space<vmem>>, vector<16xi32>,
    %get3A_395 = vector.shape_cast %get3A_394 : vector<16xi32> to vector<16xi32>
    %get3A_396 = arith.constant 160 : index
    %get3A_397 = tpu.vector_load %arg8[%get3A_396] {strides = array<i32>} : memref<640xi32, #tpu.memory_space<vmem>>, vector<16xi32>,
    %get3A_398 = vector.shape_cast %get3A_397 : vector<16xi32> to vector<16xi32>
    %mul3A_399 = arith.constant 100 : i32
    %mul3A_400 = vector.broadcast %mul3A_399 : i32 to vector<16xi32>
    %mul3A_401 = arith.muli %get3A_398, %mul3A_400 : vector<16xi32>
    %add3A_402 = arith.addi %mul3A_401, %get3A_395 : vector<16xi32>
    %sub3A_403 = arith.constant 1 : i32
    %sub3A_404 = vector.broadcast %sub3A_403 : i32 to vector<16xi32>
    %sub3A_405 = arith.subi %add3A_402, %sub3A_404 : vector<16xi32>
    %sub3A_406 = vector.broadcast %mul3A_5 : i32 to vector<16xi32>
    %sub3A_407 = arith.subi %sub3A_405, %sub3A_406 : vector<16xi32>
    %ge3A_408 = vector.broadcast %mul3A_3 : i32 to vector<16xi32>
    %ge3A_409 = arith.cmpi sge, %add3A_392, %ge3A_408 : vector<16xi32>
    %ge3A_410 = arith.constant 0 : i32
    %ge3A_411 = vector.broadcast %ge3A_410 : i32 to vector<16xi32>
    %ge3A_412 = arith.cmpi sge, %sub3A_407, %ge3A_411 : vector<16xi32>
    %and3A_413 = arith.andi %ge3A_409, %ge3A_412 : vector<16xi1>
    %lt3A_414 = arith.constant 3200 : i32
    %lt3A_415 = vector.broadcast %lt3A_414 : i32 to vector<16xi32>
    %lt3A_416 = arith.cmpi slt, %sub3A_407, %lt3A_415 : vector<16xi32>
    %and3A_417 = arith.andi %and3A_413, %lt3A_416 : vector<16xi1>
    %broadcast_in_dim3A_418 = vector.broadcast %add3A_311 : i32 to vector<16xi32>
    %select_n3A_419 = arith.select %and3A_417, %sub3A_407, %broadcast_in_dim3A_418 : vector<16xi1>, vector<16xi32>
    %swap3A_420 = arith.constant 1 : i32
    %swap3A_421 = arith.index_cast %swap3A_420 : i32 to index
    %swap3A_422 = arith.constant 32 : index
    %swap3A_423 = tpu.vector_load %arg9[%swap3A_421, %swap3A_422] {strides = array<i32>} : memref<5x128xi32, #tpu.memory_space<vmem>>, vector<1x16xi32>,
    %swap3A_424 = vector.shape_cast %swap3A_423 : vector<1x16xi32> to vector<16xi32>
    %swap3A_425 = vector.shape_cast %select_n3A_419 : vector<16xi32> to vector<1x16xi32>
    tpu.vector_store %arg9[%swap3A_421, %swap3A_422], %swap3A_425 {strides = array<i32>} : memref<5x128xi32, #tpu.memory_space<vmem>>, vector<1x16xi32>,
    %add3A_426 = arith.constant 176 : i32
    %add3A_427 = arith.addi %min3A_1, %add3A_426 : i32
    %iota3A_428 = tpu.iota {dimensions = array<i32: 0>} : vector<16xi32>
    %add3A_429 = vector.broadcast %add3A_427 : i32 to vector<16xi32>
    %add3A_430 = arith.addi %add3A_429, %iota3A_428 : vector<16xi32>
    %get3A_431 = arith.constant 176 : index
    %get3A_432 = tpu.vector_load %arg7[%get3A_431] {strides = array<i32>} : memref<640xi32, #tpu.memory_space<vmem>>, vector<16xi32>,
    %get3A_433 = vector.shape_cast %get3A_432 : vector<16xi32> to vector<16xi32>
    %get3A_434 = arith.constant 176 : index
    %get3A_435 = tpu.vector_load %arg8[%get3A_434] {strides = array<i32>} : memref<640xi32, #tpu.memory_space<vmem>>, vector<16xi32>,
    %get3A_436 = vector.shape_cast %get3A_435 : vector<16xi32> to vector<16xi32>
    %mul3A_437 = arith.constant 100 : i32
    %mul3A_438 = vector.broadcast %mul3A_437 : i32 to vector<16xi32>
    %mul3A_439 = arith.muli %get3A_436, %mul3A_438 : vector<16xi32>
    %add3A_440 = arith.addi %mul3A_439, %get3A_433 : vector<16xi32>
    %sub3A_441 = arith.constant 1 : i32
    %sub3A_442 = vector.broadcast %sub3A_441 : i32 to vector<16xi32>
    %sub3A_443 = arith.subi %add3A_440, %sub3A_442 : vector<16xi32>
    %sub3A_444 = vector.broadcast %mul3A_5 : i32 to vector<16xi32>
    %sub3A_445 = arith.subi %sub3A_443, %sub3A_444 : vector<16xi32>
    %ge3A_446 = vector.broadcast %mul3A_3 : i32 to vector<16xi32>
    %ge3A_447 = arith.cmpi sge, %add3A_430, %ge3A_446 : vector<16xi32>
    %ge3A_448 = arith.constant 0 : i32
    %ge3A_449 = vector.broadcast %ge3A_448 : i32 to vector<16xi32>
    %ge3A_450 = arith.cmpi sge, %sub3A_445, %ge3A_449 : vector<16xi32>
    %and3A_451 = arith.andi %ge3A_447, %ge3A_450 : vector<16xi1>
    %lt3A_452 = arith.constant 3200 : i32
    %lt3A_453 = vector.broadcast %lt3A_452 : i32 to vector<16xi32>
    %lt3A_454 = arith.cmpi slt, %sub3A_445, %lt3A_453 : vector<16xi32>
    %and3A_455 = arith.andi %and3A_451, %lt3A_454 : vector<16xi1>
    %broadcast_in_dim3A_456 = vector.broadcast %add3A_311 : i32 to vector<16xi32>
    %select_n3A_457 = arith.select %and3A_455, %sub3A_445, %broadcast_in_dim3A_456 : vector<16xi1>, vector<16xi32>
    %swap3A_458 = arith.constant 1 : i32
    %swap3A_459 = arith.index_cast %swap3A_458 : i32 to index
    %swap3A_460 = arith.constant 48 : index
    %swap3A_461 = tpu.vector_load %arg9[%swap3A_459, %swap3A_460] {strides = array<i32>} : memref<5x128xi32, #tpu.memory_space<vmem>>, vector<1x16xi32>,
    %swap3A_462 = vector.shape_cast %swap3A_461 : vector<1x16xi32> to vector<16xi32>
    %swap3A_463 = vector.shape_cast %select_n3A_457 : vector<16xi32> to vector<1x16xi32>
    tpu.vector_store %arg9[%swap3A_459, %swap3A_460], %swap3A_463 {strides = array<i32>} : memref<5x128xi32, #tpu.memory_space<vmem>>, vector<1x16xi32>,
    %add3A_464 = arith.constant 192 : i32
    %add3A_465 = arith.addi %min3A_1, %add3A_464 : i32
    %iota3A_466 = tpu.iota {dimensions = array<i32: 0>} : vector<16xi32>
    %add3A_467 = vector.broadcast %add3A_465 : i32 to vector<16xi32>
    %add3A_468 = arith.addi %add3A_467, %iota3A_466 : vector<16xi32>
    %get3A_469 = arith.constant 192 : index
    %get3A_470 = tpu.vector_load %arg7[%get3A_469] {strides = array<i32>} : memref<640xi32, #tpu.memory_space<vmem>>, vector<16xi32>,
    %get3A_471 = vector.shape_cast %get3A_470 : vector<16xi32> to vector<16xi32>
    %get3A_472 = arith.constant 192 : index
    %get3A_473 = tpu.vector_load %arg8[%get3A_472] {strides = array<i32>} : memref<640xi32, #tpu.memory_space<vmem>>, vector<16xi32>,
    %get3A_474 = vector.shape_cast %get3A_473 : vector<16xi32> to vector<16xi32>
    %mul3A_475 = arith.constant 100 : i32
    %mul3A_476 = vector.broadcast %mul3A_475 : i32 to vector<16xi32>
    %mul3A_477 = arith.muli %get3A_474, %mul3A_476 : vector<16xi32>
    %add3A_478 = arith.addi %mul3A_477, %get3A_471 : vector<16xi32>
    %sub3A_479 = arith.constant 1 : i32
    %sub3A_480 = vector.broadcast %sub3A_479 : i32 to vector<16xi32>
    %sub3A_481 = arith.subi %add3A_478, %sub3A_480 : vector<16xi32>
    %sub3A_482 = vector.broadcast %mul3A_5 : i32 to vector<16xi32>
    %sub3A_483 = arith.subi %sub3A_481, %sub3A_482 : vector<16xi32>
    %ge3A_484 = vector.broadcast %mul3A_3 : i32 to vector<16xi32>
    %ge3A_485 = arith.cmpi sge, %add3A_468, %ge3A_484 : vector<16xi32>
    %ge3A_486 = arith.constant 0 : i32
    %ge3A_487 = vector.broadcast %ge3A_486 : i32 to vector<16xi32>
    %ge3A_488 = arith.cmpi sge, %sub3A_483, %ge3A_487 : vector<16xi32>
    %and3A_489 = arith.andi %ge3A_485, %ge3A_488 : vector<16xi1>
    %lt3A_490 = arith.constant 3200 : i32
    %lt3A_491 = vector.broadcast %lt3A_490 : i32 to vector<16xi32>
    %lt3A_492 = arith.cmpi slt, %sub3A_483, %lt3A_491 : vector<16xi32>
    %and3A_493 = arith.andi %and3A_489, %lt3A_492 : vector<16xi1>
    %broadcast_in_dim3A_494 = vector.broadcast %add3A_311 : i32 to vector<16xi32>
    %select_n3A_495 = arith.select %and3A_493, %sub3A_483, %broadcast_in_dim3A_494 : vector<16xi1>, vector<16xi32>
    %swap3A_496 = arith.constant 1 : i32
    %swap3A_497 = arith.index_cast %swap3A_496 : i32 to index
    %swap3A_498 = arith.constant 64 : index
    %swap3A_499 = tpu.vector_load %arg9[%swap3A_497, %swap3A_498] {strides = array<i32>} : memref<5x128xi32, #tpu.memory_space<vmem>>, vector<1x16xi32>,
    %swap3A_500 = vector.shape_cast %swap3A_499 : vector<1x16xi32> to vector<16xi32>
    %swap3A_501 = vector.shape_cast %select_n3A_495 : vector<16xi32> to vector<1x16xi32>
    tpu.vector_store %arg9[%swap3A_497, %swap3A_498], %swap3A_501 {strides = array<i32>} : memref<5x128xi32, #tpu.memory_space<vmem>>, vector<1x16xi32>,
    %add3A_502 = arith.constant 208 : i32
    %add3A_503 = arith.addi %min3A_1, %add3A_502 : i32
    %iota3A_504 = tpu.iota {dimensions = array<i32: 0>} : vector<16xi32>
    %add3A_505 = vector.broadcast %add3A_503 : i32 to vector<16xi32>
    %add3A_506 = arith.addi %add3A_505, %iota3A_504 : vector<16xi32>
    %get3A_507 = arith.constant 208 : index
    %get3A_508 = tpu.vector_load %arg7[%get3A_507] {strides = array<i32>} : memref<640xi32, #tpu.memory_space<vmem>>, vector<16xi32>,
    %get3A_509 = vector.shape_cast %get3A_508 : vector<16xi32> to vector<16xi32>
    %get3A_510 = arith.constant 208 : index
    %get3A_511 = tpu.vector_load %arg8[%get3A_510] {strides = array<i32>} : memref<640xi32, #tpu.memory_space<vmem>>, vector<16xi32>,
    %get3A_512 = vector.shape_cast %get3A_511 : vector<16xi32> to vector<16xi32>
    %mul3A_513 = arith.constant 100 : i32
    %mul3A_514 = vector.broadcast %mul3A_513 : i32 to vector<16xi32>
    %mul3A_515 = arith.muli %get3A_512, %mul3A_514 : vector<16xi32>
    %add3A_516 = arith.addi %mul3A_515, %get3A_509 : vector<16xi32>
    %sub3A_517 = arith.constant 1 : i32
    %sub3A_518 = vector.broadcast %sub3A_517 : i32 to vector<16xi32>
    %sub3A_519 = arith.subi %add3A_516, %sub3A_518 : vector<16xi32>
    %sub3A_520 = vector.broadcast %mul3A_5 : i32 to vector<16xi32>
    %sub3A_521 = arith.subi %sub3A_519, %sub3A_520 : vector<16xi32>
    %ge3A_522 = vector.broadcast %mul3A_3 : i32 to vector<16xi32>
    %ge3A_523 = arith.cmpi sge, %add3A_506, %ge3A_522 : vector<16xi32>
    %ge3A_524 = arith.constant 0 : i32
    %ge3A_525 = vector.broadcast %ge3A_524 : i32 to vector<16xi32>
    %ge3A_526 = arith.cmpi sge, %sub3A_521, %ge3A_525 : vector<16xi32>
    %and3A_527 = arith.andi %ge3A_523, %ge3A_526 : vector<16xi1>
    %lt3A_528 = arith.constant 3200 : i32
    %lt3A_529 = vector.broadcast %lt3A_528 : i32 to vector<16xi32>
    %lt3A_530 = arith.cmpi slt, %sub3A_521, %lt3A_529 : vector<16xi32>
    %and3A_531 = arith.andi %and3A_527, %lt3A_530 : vector<16xi1>
    %broadcast_in_dim3A_532 = vector.broadcast %add3A_311 : i32 to vector<16xi32>
    %select_n3A_533 = arith.select %and3A_531, %sub3A_521, %broadcast_in_dim3A_532 : vector<16xi1>, vector<16xi32>
    %swap3A_534 = arith.constant 1 : i32
    %swap3A_535 = arith.index_cast %swap3A_534 : i32 to index
    %swap3A_536 = arith.constant 80 : index
    %swap3A_537 = tpu.vector_load %arg9[%swap3A_535, %swap3A_536] {strides = array<i32>} : memref<5x128xi32, #tpu.memory_space<vmem>>, vector<1x16xi32>,
    %swap3A_538 = vector.shape_cast %swap3A_537 : vector<1x16xi32> to vector<16xi32>
    %swap3A_539 = vector.shape_cast %select_n3A_533 : vector<16xi32> to vector<1x16xi32>
    tpu.vector_store %arg9[%swap3A_535, %swap3A_536], %swap3A_539 {strides = array<i32>} : memref<5x128xi32, #tpu.memory_space<vmem>>, vector<1x16xi32>,
    %add3A_540 = arith.constant 224 : i32
    %add3A_541 = arith.addi %min3A_1, %add3A_540 : i32
    %iota3A_542 = tpu.iota {dimensions = array<i32: 0>} : vector<16xi32>
    %add3A_543 = vector.broadcast %add3A_541 : i32 to vector<16xi32>
    %add3A_544 = arith.addi %add3A_543, %iota3A_542 : vector<16xi32>
    %get3A_545 = arith.constant 224 : index
    %get3A_546 = tpu.vector_load %arg7[%get3A_545] {strides = array<i32>} : memref<640xi32, #tpu.memory_space<vmem>>, vector<16xi32>,
    %get3A_547 = vector.shape_cast %get3A_546 : vector<16xi32> to vector<16xi32>
    %get3A_548 = arith.constant 224 : index
    %get3A_549 = tpu.vector_load %arg8[%get3A_548] {strides = array<i32>} : memref<640xi32, #tpu.memory_space<vmem>>, vector<16xi32>,
    %get3A_550 = vector.shape_cast %get3A_549 : vector<16xi32> to vector<16xi32>
    %mul3A_551 = arith.constant 100 : i32
    %mul3A_552 = vector.broadcast %mul3A_551 : i32 to vector<16xi32>
    %mul3A_553 = arith.muli %get3A_550, %mul3A_552 : vector<16xi32>
    %add3A_554 = arith.addi %mul3A_553, %get3A_547 : vector<16xi32>
    %sub3A_555 = arith.constant 1 : i32
    %sub3A_556 = vector.broadcast %sub3A_555 : i32 to vector<16xi32>
    %sub3A_557 = arith.subi %add3A_554, %sub3A_556 : vector<16xi32>
    %sub3A_558 = vector.broadcast %mul3A_5 : i32 to vector<16xi32>
    %sub3A_559 = arith.subi %sub3A_557, %sub3A_558 : vector<16xi32>
    %ge3A_560 = vector.broadcast %mul3A_3 : i32 to vector<16xi32>
    %ge3A_561 = arith.cmpi sge, %add3A_544, %ge3A_560 : vector<16xi32>
    %ge3A_562 = arith.constant 0 : i32
    %ge3A_563 = vector.broadcast %ge3A_562 : i32 to vector<16xi32>
    %ge3A_564 = arith.cmpi sge, %sub3A_559, %ge3A_563 : vector<16xi32>
    %and3A_565 = arith.andi %ge3A_561, %ge3A_564 : vector<16xi1>
    %lt3A_566 = arith.constant 3200 : i32
    %lt3A_567 = vector.broadcast %lt3A_566 : i32 to vector<16xi32>
    %lt3A_568 = arith.cmpi slt, %sub3A_559, %lt3A_567 : vector<16xi32>
    %and3A_569 = arith.andi %and3A_565, %lt3A_568 : vector<16xi1>
    %broadcast_in_dim3A_570 = vector.broadcast %add3A_311 : i32 to vector<16xi32>
    %select_n3A_571 = arith.select %and3A_569, %sub3A_559, %broadcast_in_dim3A_570 : vector<16xi1>, vector<16xi32>
    %swap3A_572 = arith.constant 1 : i32
    %swap3A_573 = arith.index_cast %swap3A_572 : i32 to index
    %swap3A_574 = arith.constant 96 : index
    %swap3A_575 = tpu.vector_load %arg9[%swap3A_573, %swap3A_574] {strides = array<i32>} : memref<5x128xi32, #tpu.memory_space<vmem>>, vector<1x16xi32>,
    %swap3A_576 = vector.shape_cast %swap3A_575 : vector<1x16xi32> to vector<16xi32>
    %swap3A_577 = vector.shape_cast %select_n3A_571 : vector<16xi32> to vector<1x16xi32>
    tpu.vector_store %arg9[%swap3A_573, %swap3A_574], %swap3A_577 {strides = array<i32>} : memref<5x128xi32, #tpu.memory_space<vmem>>, vector<1x16xi32>,
    %add3A_578 = arith.constant 240 : i32
    %add3A_579 = arith.addi %min3A_1, %add3A_578 : i32
    %iota3A_580 = tpu.iota {dimensions = array<i32: 0>} : vector<16xi32>
    %add3A_581 = vector.broadcast %add3A_579 : i32 to vector<16xi32>
    %add3A_582 = arith.addi %add3A_581, %iota3A_580 : vector<16xi32>
    %get3A_583 = arith.constant 240 : index
    %get3A_584 = tpu.vector_load %arg7[%get3A_583] {strides = array<i32>} : memref<640xi32, #tpu.memory_space<vmem>>, vector<16xi32>,
    %get3A_585 = vector.shape_cast %get3A_584 : vector<16xi32> to vector<16xi32>
    %get3A_586 = arith.constant 240 : index
    %get3A_587 = tpu.vector_load %arg8[%get3A_586] {strides = array<i32>} : memref<640xi32, #tpu.memory_space<vmem>>, vector<16xi32>,
    %get3A_588 = vector.shape_cast %get3A_587 : vector<16xi32> to vector<16xi32>
    %mul3A_589 = arith.constant 100 : i32
    %mul3A_590 = vector.broadcast %mul3A_589 : i32 to vector<16xi32>
    %mul3A_591 = arith.muli %get3A_588, %mul3A_590 : vector<16xi32>
    %add3A_592 = arith.addi %mul3A_591, %get3A_585 : vector<16xi32>
    %sub3A_593 = arith.constant 1 : i32
    %sub3A_594 = vector.broadcast %sub3A_593 : i32 to vector<16xi32>
    %sub3A_595 = arith.subi %add3A_592, %sub3A_594 : vector<16xi32>
    %sub3A_596 = vector.broadcast %mul3A_5 : i32 to vector<16xi32>
    %sub3A_597 = arith.subi %sub3A_595, %sub3A_596 : vector<16xi32>
    %ge3A_598 = vector.broadcast %mul3A_3 : i32 to vector<16xi32>
    %ge3A_599 = arith.cmpi sge, %add3A_582, %ge3A_598 : vector<16xi32>
    %ge3A_600 = arith.constant 0 : i32
    %ge3A_601 = vector.broadcast %ge3A_600 : i32 to vector<16xi32>
    %ge3A_602 = arith.cmpi sge, %sub3A_597, %ge3A_601 : vector<16xi32>
    %and3A_603 = arith.andi %ge3A_599, %ge3A_602 : vector<16xi1>
    %lt3A_604 = arith.constant 3200 : i32
    %lt3A_605 = vector.broadcast %lt3A_604 : i32 to vector<16xi32>
    %lt3A_606 = arith.cmpi slt, %sub3A_597, %lt3A_605 : vector<16xi32>
    %and3A_607 = arith.andi %and3A_603, %lt3A_606 : vector<16xi1>
    %broadcast_in_dim3A_608 = vector.broadcast %add3A_311 : i32 to vector<16xi32>
    %select_n3A_609 = arith.select %and3A_607, %sub3A_597, %broadcast_in_dim3A_608 : vector<16xi1>, vector<16xi32>
    %swap3A_610 = arith.constant 1 : i32
    %swap3A_611 = arith.index_cast %swap3A_610 : i32 to index
    %swap3A_612 = arith.constant 112 : index
    %swap3A_613 = tpu.vector_load %arg9[%swap3A_611, %swap3A_612] {strides = array<i32>} : memref<5x128xi32, #tpu.memory_space<vmem>>, vector<1x16xi32>,
    %swap3A_614 = vector.shape_cast %swap3A_613 : vector<1x16xi32> to vector<16xi32>
    %swap3A_615 = vector.shape_cast %select_n3A_609 : vector<16xi32> to vector<1x16xi32>
    tpu.vector_store %arg9[%swap3A_611, %swap3A_612], %swap3A_615 {strides = array<i32>} : memref<5x128xi32, #tpu.memory_space<vmem>>, vector<1x16xi32>,
    %mul3A_616 = arith.constant 5 : i32
    %mul3A_617 = arith.muli %arg1, %mul3A_616 : i32
    %add3A_618 = arith.constant 3200 : i32
    %add3A_619 = arith.addi %add3A_618, %mul3A_617 : i32
    %add3A_620 = arith.constant 2 : i32
    %add3A_621 = arith.addi %add3A_619, %add3A_620 : i32
    %add3A_622 = arith.constant 256 : i32
    %add3A_623 = arith.addi %min3A_1, %add3A_622 : i32
    %iota3A_624 = tpu.iota {dimensions = array<i32: 0>} : vector<16xi32>
    %add3A_625 = vector.broadcast %add3A_623 : i32 to vector<16xi32>
    %add3A_626 = arith.addi %add3A_625, %iota3A_624 : vector<16xi32>
    %get3A_627 = arith.constant 256 : index
    %get3A_628 = tpu.vector_load %arg7[%get3A_627] {strides = array<i32>} : memref<640xi32, #tpu.memory_space<vmem>>, vector<16xi32>,
    %get3A_629 = vector.shape_cast %get3A_628 : vector<16xi32> to vector<16xi32>
    %get3A_630 = arith.constant 256 : index
    %get3A_631 = tpu.vector_load %arg8[%get3A_630] {strides = array<i32>} : memref<640xi32, #tpu.memory_space<vmem>>, vector<16xi32>,
    %get3A_632 = vector.shape_cast %get3A_631 : vector<16xi32> to vector<16xi32>
    %mul3A_633 = arith.constant 100 : i32
    %mul3A_634 = vector.broadcast %mul3A_633 : i32 to vector<16xi32>
    %mul3A_635 = arith.muli %get3A_632, %mul3A_634 : vector<16xi32>
    %add3A_636 = arith.addi %mul3A_635, %get3A_629 : vector<16xi32>
    %sub3A_637 = arith.constant 1 : i32
    %sub3A_638 = vector.broadcast %sub3A_637 : i32 to vector<16xi32>
    %sub3A_639 = arith.subi %add3A_636, %sub3A_638 : vector<16xi32>
    %sub3A_640 = vector.broadcast %mul3A_5 : i32 to vector<16xi32>
    %sub3A_641 = arith.subi %sub3A_639, %sub3A_640 : vector<16xi32>
    %ge3A_642 = vector.broadcast %mul3A_3 : i32 to vector<16xi32>
    %ge3A_643 = arith.cmpi sge, %add3A_626, %ge3A_642 : vector<16xi32>
    %ge3A_644 = arith.constant 0 : i32
    %ge3A_645 = vector.broadcast %ge3A_644 : i32 to vector<16xi32>
    %ge3A_646 = arith.cmpi sge, %sub3A_641, %ge3A_645 : vector<16xi32>
    %and3A_647 = arith.andi %ge3A_643, %ge3A_646 : vector<16xi1>
    %lt3A_648 = arith.constant 3200 : i32
    %lt3A_649 = vector.broadcast %lt3A_648 : i32 to vector<16xi32>
    %lt3A_650 = arith.cmpi slt, %sub3A_641, %lt3A_649 : vector<16xi32>
    %and3A_651 = arith.andi %and3A_647, %lt3A_650 : vector<16xi1>
    %broadcast_in_dim3A_652 = vector.broadcast %add3A_621 : i32 to vector<16xi32>
    %select_n3A_653 = arith.select %and3A_651, %sub3A_641, %broadcast_in_dim3A_652 : vector<16xi1>, vector<16xi32>
    %swap3A_654 = arith.constant 2 : i32
    %swap3A_655 = arith.index_cast %swap3A_654 : i32 to index
    %swap3A_656 = arith.constant 0 : index
    %swap3A_657 = tpu.vector_load %arg9[%swap3A_655, %swap3A_656] {strides = array<i32>} : memref<5x128xi32, #tpu.memory_space<vmem>>, vector<1x16xi32>,
    %swap3A_658 = vector.shape_cast %swap3A_657 : vector<1x16xi32> to vector<16xi32>
    %swap3A_659 = vector.shape_cast %select_n3A_653 : vector<16xi32> to vector<1x16xi32>
    tpu.vector_store %arg9[%swap3A_655, %swap3A_656], %swap3A_659 {strides = array<i32>} : memref<5x128xi32, #tpu.memory_space<vmem>>, vector<1x16xi32>,
    %add3A_660 = arith.constant 272 : i32
    %add3A_661 = arith.addi %min3A_1, %add3A_660 : i32
    %iota3A_662 = tpu.iota {dimensions = array<i32: 0>} : vector<16xi32>
    %add3A_663 = vector.broadcast %add3A_661 : i32 to vector<16xi32>
    %add3A_664 = arith.addi %add3A_663, %iota3A_662 : vector<16xi32>
    %get3A_665 = arith.constant 272 : index
    %get3A_666 = tpu.vector_load %arg7[%get3A_665] {strides = array<i32>} : memref<640xi32, #tpu.memory_space<vmem>>, vector<16xi32>,
    %get3A_667 = vector.shape_cast %get3A_666 : vector<16xi32> to vector<16xi32>
    %get3A_668 = arith.constant 272 : index
    %get3A_669 = tpu.vector_load %arg8[%get3A_668] {strides = array<i32>} : memref<640xi32, #tpu.memory_space<vmem>>, vector<16xi32>,
    %get3A_670 = vector.shape_cast %get3A_669 : vector<16xi32> to vector<16xi32>
    %mul3A_671 = arith.constant 100 : i32
    %mul3A_672 = vector.broadcast %mul3A_671 : i32 to vector<16xi32>
    %mul3A_673 = arith.muli %get3A_670, %mul3A_672 : vector<16xi32>
    %add3A_674 = arith.addi %mul3A_673, %get3A_667 : vector<16xi32>
    %sub3A_675 = arith.constant 1 : i32
    %sub3A_676 = vector.broadcast %sub3A_675 : i32 to vector<16xi32>
    %sub3A_677 = arith.subi %add3A_674, %sub3A_676 : vector<16xi32>
    %sub3A_678 = vector.broadcast %mul3A_5 : i32 to vector<16xi32>
    %sub3A_679 = arith.subi %sub3A_677, %sub3A_678 : vector<16xi32>
    %ge3A_680 = vector.broadcast %mul3A_3 : i32 to vector<16xi32>
    %ge3A_681 = arith.cmpi sge, %add3A_664, %ge3A_680 : vector<16xi32>
    %ge3A_682 = arith.constant 0 : i32
    %ge3A_683 = vector.broadcast %ge3A_682 : i32 to vector<16xi32>
    %ge3A_684 = arith.cmpi sge, %sub3A_679, %ge3A_683 : vector<16xi32>
    %and3A_685 = arith.andi %ge3A_681, %ge3A_684 : vector<16xi1>
    %lt3A_686 = arith.constant 3200 : i32
    %lt3A_687 = vector.broadcast %lt3A_686 : i32 to vector<16xi32>
    %lt3A_688 = arith.cmpi slt, %sub3A_679, %lt3A_687 : vector<16xi32>
    %and3A_689 = arith.andi %and3A_685, %lt3A_688 : vector<16xi1>
    %broadcast_in_dim3A_690 = vector.broadcast %add3A_621 : i32 to vector<16xi32>
    %select_n3A_691 = arith.select %and3A_689, %sub3A_679, %broadcast_in_dim3A_690 : vector<16xi1>, vector<16xi32>
    %swap3A_692 = arith.constant 2 : i32
    %swap3A_693 = arith.index_cast %swap3A_692 : i32 to index
    %swap3A_694 = arith.constant 16 : index
    %swap3A_695 = tpu.vector_load %arg9[%swap3A_693, %swap3A_694] {strides = array<i32>} : memref<5x128xi32, #tpu.memory_space<vmem>>, vector<1x16xi32>,
    %swap3A_696 = vector.shape_cast %swap3A_695 : vector<1x16xi32> to vector<16xi32>
    %swap3A_697 = vector.shape_cast %select_n3A_691 : vector<16xi32> to vector<1x16xi32>
    tpu.vector_store %arg9[%swap3A_693, %swap3A_694], %swap3A_697 {strides = array<i32>} : memref<5x128xi32, #tpu.memory_space<vmem>>, vector<1x16xi32>,
    %add3A_698 = arith.constant 288 : i32
    %add3A_699 = arith.addi %min3A_1, %add3A_698 : i32
    %iota3A_700 = tpu.iota {dimensions = array<i32: 0>} : vector<16xi32>
    %add3A_701 = vector.broadcast %add3A_699 : i32 to vector<16xi32>
    %add3A_702 = arith.addi %add3A_701, %iota3A_700 : vector<16xi32>
    %get3A_703 = arith.constant 288 : index
    %get3A_704 = tpu.vector_load %arg7[%get3A_703] {strides = array<i32>} : memref<640xi32, #tpu.memory_space<vmem>>, vector<16xi32>,
    %get3A_705 = vector.shape_cast %get3A_704 : vector<16xi32> to vector<16xi32>
    %get3A_706 = arith.constant 288 : index
    %get3A_707 = tpu.vector_load %arg8[%get3A_706] {strides = array<i32>} : memref<640xi32, #tpu.memory_space<vmem>>, vector<16xi32>,
    %get3A_708 = vector.shape_cast %get3A_707 : vector<16xi32> to vector<16xi32>
    %mul3A_709 = arith.constant 100 : i32
    %mul3A_710 = vector.broadcast %mul3A_709 : i32 to vector<16xi32>
    %mul3A_711 = arith.muli %get3A_708, %mul3A_710 : vector<16xi32>
    %add3A_712 = arith.addi %mul3A_711, %get3A_705 : vector<16xi32>
    %sub3A_713 = arith.constant 1 : i32
    %sub3A_714 = vector.broadcast %sub3A_713 : i32 to vector<16xi32>
    %sub3A_715 = arith.subi %add3A_712, %sub3A_714 : vector<16xi32>
    %sub3A_716 = vector.broadcast %mul3A_5 : i32 to vector<16xi32>
    %sub3A_717 = arith.subi %sub3A_715, %sub3A_716 : vector<16xi32>
    %ge3A_718 = vector.broadcast %mul3A_3 : i32 to vector<16xi32>
    %ge3A_719 = arith.cmpi sge, %add3A_702, %ge3A_718 : vector<16xi32>
    %ge3A_720 = arith.constant 0 : i32
    %ge3A_721 = vector.broadcast %ge3A_720 : i32 to vector<16xi32>
    %ge3A_722 = arith.cmpi sge, %sub3A_717, %ge3A_721 : vector<16xi32>
    %and3A_723 = arith.andi %ge3A_719, %ge3A_722 : vector<16xi1>
    %lt3A_724 = arith.constant 3200 : i32
    %lt3A_725 = vector.broadcast %lt3A_724 : i32 to vector<16xi32>
    %lt3A_726 = arith.cmpi slt, %sub3A_717, %lt3A_725 : vector<16xi32>
    %and3A_727 = arith.andi %and3A_723, %lt3A_726 : vector<16xi1>
    %broadcast_in_dim3A_728 = vector.broadcast %add3A_621 : i32 to vector<16xi32>
    %select_n3A_729 = arith.select %and3A_727, %sub3A_717, %broadcast_in_dim3A_728 : vector<16xi1>, vector<16xi32>
    %swap3A_730 = arith.constant 2 : i32
    %swap3A_731 = arith.index_cast %swap3A_730 : i32 to index
    %swap3A_732 = arith.constant 32 : index
    %swap3A_733 = tpu.vector_load %arg9[%swap3A_731, %swap3A_732] {strides = array<i32>} : memref<5x128xi32, #tpu.memory_space<vmem>>, vector<1x16xi32>,
    %swap3A_734 = vector.shape_cast %swap3A_733 : vector<1x16xi32> to vector<16xi32>
    %swap3A_735 = vector.shape_cast %select_n3A_729 : vector<16xi32> to vector<1x16xi32>
    tpu.vector_store %arg9[%swap3A_731, %swap3A_732], %swap3A_735 {strides = array<i32>} : memref<5x128xi32, #tpu.memory_space<vmem>>, vector<1x16xi32>,
    %add3A_736 = arith.constant 304 : i32
    %add3A_737 = arith.addi %min3A_1, %add3A_736 : i32
    %iota3A_738 = tpu.iota {dimensions = array<i32: 0>} : vector<16xi32>
    %add3A_739 = vector.broadcast %add3A_737 : i32 to vector<16xi32>
    %add3A_740 = arith.addi %add3A_739, %iota3A_738 : vector<16xi32>
    %get3A_741 = arith.constant 304 : index
    %get3A_742 = tpu.vector_load %arg7[%get3A_741] {strides = array<i32>} : memref<640xi32, #tpu.memory_space<vmem>>, vector<16xi32>,
    %get3A_743 = vector.shape_cast %get3A_742 : vector<16xi32> to vector<16xi32>
    %get3A_744 = arith.constant 304 : index
    %get3A_745 = tpu.vector_load %arg8[%get3A_744] {strides = array<i32>} : memref<640xi32, #tpu.memory_space<vmem>>, vector<16xi32>,
    %get3A_746 = vector.shape_cast %get3A_745 : vector<16xi32> to vector<16xi32>
    %mul3A_747 = arith.constant 100 : i32
    %mul3A_748 = vector.broadcast %mul3A_747 : i32 to vector<16xi32>
    %mul3A_749 = arith.muli %get3A_746, %mul3A_748 : vector<16xi32>
    %add3A_750 = arith.addi %mul3A_749, %get3A_743 : vector<16xi32>
    %sub3A_751 = arith.constant 1 : i32
    %sub3A_752 = vector.broadcast %sub3A_751 : i32 to vector<16xi32>
    %sub3A_753 = arith.subi %add3A_750, %sub3A_752 : vector<16xi32>
    %sub3A_754 = vector.broadcast %mul3A_5 : i32 to vector<16xi32>
    %sub3A_755 = arith.subi %sub3A_753, %sub3A_754 : vector<16xi32>
    %ge3A_756 = vector.broadcast %mul3A_3 : i32 to vector<16xi32>
    %ge3A_757 = arith.cmpi sge, %add3A_740, %ge3A_756 : vector<16xi32>
    %ge3A_758 = arith.constant 0 : i32
    %ge3A_759 = vector.broadcast %ge3A_758 : i32 to vector<16xi32>
    %ge3A_760 = arith.cmpi sge, %sub3A_755, %ge3A_759 : vector<16xi32>
    %and3A_761 = arith.andi %ge3A_757, %ge3A_760 : vector<16xi1>
    %lt3A_762 = arith.constant 3200 : i32
    %lt3A_763 = vector.broadcast %lt3A_762 : i32 to vector<16xi32>
    %lt3A_764 = arith.cmpi slt, %sub3A_755, %lt3A_763 : vector<16xi32>
    %and3A_765 = arith.andi %and3A_761, %lt3A_764 : vector<16xi1>
    %broadcast_in_dim3A_766 = vector.broadcast %add3A_621 : i32 to vector<16xi32>
    %select_n3A_767 = arith.select %and3A_765, %sub3A_755, %broadcast_in_dim3A_766 : vector<16xi1>, vector<16xi32>
    %swap3A_768 = arith.constant 2 : i32
    %swap3A_769 = arith.index_cast %swap3A_768 : i32 to index
    %swap3A_770 = arith.constant 48 : index
    %swap3A_771 = tpu.vector_load %arg9[%swap3A_769, %swap3A_770] {strides = array<i32>} : memref<5x128xi32, #tpu.memory_space<vmem>>, vector<1x16xi32>,
    %swap3A_772 = vector.shape_cast %swap3A_771 : vector<1x16xi32> to vector<16xi32>
    %swap3A_773 = vector.shape_cast %select_n3A_767 : vector<16xi32> to vector<1x16xi32>
    tpu.vector_store %arg9[%swap3A_769, %swap3A_770], %swap3A_773 {strides = array<i32>} : memref<5x128xi32, #tpu.memory_space<vmem>>, vector<1x16xi32>,
    %add3A_774 = arith.constant 320 : i32
    %add3A_775 = arith.addi %min3A_1, %add3A_774 : i32
    %iota3A_776 = tpu.iota {dimensions = array<i32: 0>} : vector<16xi32>
    %add3A_777 = vector.broadcast %add3A_775 : i32 to vector<16xi32>
    %add3A_778 = arith.addi %add3A_777, %iota3A_776 : vector<16xi32>
    %get3A_779 = arith.constant 320 : index
    %get3A_780 = tpu.vector_load %arg7[%get3A_779] {strides = array<i32>} : memref<640xi32, #tpu.memory_space<vmem>>, vector<16xi32>,
    %get3A_781 = vector.shape_cast %get3A_780 : vector<16xi32> to vector<16xi32>
    %get3A_782 = arith.constant 320 : index
    %get3A_783 = tpu.vector_load %arg8[%get3A_782] {strides = array<i32>} : memref<640xi32, #tpu.memory_space<vmem>>, vector<16xi32>,
    %get3A_784 = vector.shape_cast %get3A_783 : vector<16xi32> to vector<16xi32>
    %mul3A_785 = arith.constant 100 : i32
    %mul3A_786 = vector.broadcast %mul3A_785 : i32 to vector<16xi32>
    %mul3A_787 = arith.muli %get3A_784, %mul3A_786 : vector<16xi32>
    %add3A_788 = arith.addi %mul3A_787, %get3A_781 : vector<16xi32>
    %sub3A_789 = arith.constant 1 : i32
    %sub3A_790 = vector.broadcast %sub3A_789 : i32 to vector<16xi32>
    %sub3A_791 = arith.subi %add3A_788, %sub3A_790 : vector<16xi32>
    %sub3A_792 = vector.broadcast %mul3A_5 : i32 to vector<16xi32>
    %sub3A_793 = arith.subi %sub3A_791, %sub3A_792 : vector<16xi32>
    %ge3A_794 = vector.broadcast %mul3A_3 : i32 to vector<16xi32>
    %ge3A_795 = arith.cmpi sge, %add3A_778, %ge3A_794 : vector<16xi32>
    %ge3A_796 = arith.constant 0 : i32
    %ge3A_797 = vector.broadcast %ge3A_796 : i32 to vector<16xi32>
    %ge3A_798 = arith.cmpi sge, %sub3A_793, %ge3A_797 : vector<16xi32>
    %and3A_799 = arith.andi %ge3A_795, %ge3A_798 : vector<16xi1>
    %lt3A_800 = arith.constant 3200 : i32
    %lt3A_801 = vector.broadcast %lt3A_800 : i32 to vector<16xi32>
    %lt3A_802 = arith.cmpi slt, %sub3A_793, %lt3A_801 : vector<16xi32>
    %and3A_803 = arith.andi %and3A_799, %lt3A_802 : vector<16xi1>
    %broadcast_in_dim3A_804 = vector.broadcast %add3A_621 : i32 to vector<16xi32>
    %select_n3A_805 = arith.select %and3A_803, %sub3A_793, %broadcast_in_dim3A_804 : vector<16xi1>, vector<16xi32>
    %swap3A_806 = arith.constant 2 : i32
    %swap3A_807 = arith.index_cast %swap3A_806 : i32 to index
    %swap3A_808 = arith.constant 64 : index
    %swap3A_809 = tpu.vector_load %arg9[%swap3A_807, %swap3A_808] {strides = array<i32>} : memref<5x128xi32, #tpu.memory_space<vmem>>, vector<1x16xi32>,
    %swap3A_810 = vector.shape_cast %swap3A_809 : vector<1x16xi32> to vector<16xi32>
    %swap3A_811 = vector.shape_cast %select_n3A_805 : vector<16xi32> to vector<1x16xi32>
    tpu.vector_store %arg9[%swap3A_807, %swap3A_808], %swap3A_811 {strides = array<i32>} : memref<5x128xi32, #tpu.memory_space<vmem>>, vector<1x16xi32>,
    %add3A_812 = arith.constant 336 : i32
    %add3A_813 = arith.addi %min3A_1, %add3A_812 : i32
    %iota3A_814 = tpu.iota {dimensions = array<i32: 0>} : vector<16xi32>
    %add3A_815 = vector.broadcast %add3A_813 : i32 to vector<16xi32>
    %add3A_816 = arith.addi %add3A_815, %iota3A_814 : vector<16xi32>
    %get3A_817 = arith.constant 336 : index
    %get3A_818 = tpu.vector_load %arg7[%get3A_817] {strides = array<i32>} : memref<640xi32, #tpu.memory_space<vmem>>, vector<16xi32>,
    %get3A_819 = vector.shape_cast %get3A_818 : vector<16xi32> to vector<16xi32>
    %get3A_820 = arith.constant 336 : index
    %get3A_821 = tpu.vector_load %arg8[%get3A_820] {strides = array<i32>} : memref<640xi32, #tpu.memory_space<vmem>>, vector<16xi32>,
    %get3A_822 = vector.shape_cast %get3A_821 : vector<16xi32> to vector<16xi32>
    %mul3A_823 = arith.constant 100 : i32
    %mul3A_824 = vector.broadcast %mul3A_823 : i32 to vector<16xi32>
    %mul3A_825 = arith.muli %get3A_822, %mul3A_824 : vector<16xi32>
    %add3A_826 = arith.addi %mul3A_825, %get3A_819 : vector<16xi32>
    %sub3A_827 = arith.constant 1 : i32
    %sub3A_828 = vector.broadcast %sub3A_827 : i32 to vector<16xi32>
    %sub3A_829 = arith.subi %add3A_826, %sub3A_828 : vector<16xi32>
    %sub3A_830 = vector.broadcast %mul3A_5 : i32 to vector<16xi32>
    %sub3A_831 = arith.subi %sub3A_829, %sub3A_830 : vector<16xi32>
    %ge3A_832 = vector.broadcast %mul3A_3 : i32 to vector<16xi32>
    %ge3A_833 = arith.cmpi sge, %add3A_816, %ge3A_832 : vector<16xi32>
    %ge3A_834 = arith.constant 0 : i32
    %ge3A_835 = vector.broadcast %ge3A_834 : i32 to vector<16xi32>
    %ge3A_836 = arith.cmpi sge, %sub3A_831, %ge3A_835 : vector<16xi32>
    %and3A_837 = arith.andi %ge3A_833, %ge3A_836 : vector<16xi1>
    %lt3A_838 = arith.constant 3200 : i32
    %lt3A_839 = vector.broadcast %lt3A_838 : i32 to vector<16xi32>
    %lt3A_840 = arith.cmpi slt, %sub3A_831, %lt3A_839 : vector<16xi32>
    %and3A_841 = arith.andi %and3A_837, %lt3A_840 : vector<16xi1>
    %broadcast_in_dim3A_842 = vector.broadcast %add3A_621 : i32 to vector<16xi32>
    %select_n3A_843 = arith.select %and3A_841, %sub3A_831, %broadcast_in_dim3A_842 : vector<16xi1>, vector<16xi32>
    %swap3A_844 = arith.constant 2 : i32
    %swap3A_845 = arith.index_cast %swap3A_844 : i32 to index
    %swap3A_846 = arith.constant 80 : index
    %swap3A_847 = tpu.vector_load %arg9[%swap3A_845, %swap3A_846] {strides = array<i32>} : memref<5x128xi32, #tpu.memory_space<vmem>>, vector<1x16xi32>,
    %swap3A_848 = vector.shape_cast %swap3A_847 : vector<1x16xi32> to vector<16xi32>
    %swap3A_849 = vector.shape_cast %select_n3A_843 : vector<16xi32> to vector<1x16xi32>
    tpu.vector_store %arg9[%swap3A_845, %swap3A_846], %swap3A_849 {strides = array<i32>} : memref<5x128xi32, #tpu.memory_space<vmem>>, vector<1x16xi32>,
    %add3A_850 = arith.constant 352 : i32
    %add3A_851 = arith.addi %min3A_1, %add3A_850 : i32
    %iota3A_852 = tpu.iota {dimensions = array<i32: 0>} : vector<16xi32>
    %add3A_853 = vector.broadcast %add3A_851 : i32 to vector<16xi32>
    %add3A_854 = arith.addi %add3A_853, %iota3A_852 : vector<16xi32>
    %get3A_855 = arith.constant 352 : index
    %get3A_856 = tpu.vector_load %arg7[%get3A_855] {strides = array<i32>} : memref<640xi32, #tpu.memory_space<vmem>>, vector<16xi32>,
    %get3A_857 = vector.shape_cast %get3A_856 : vector<16xi32> to vector<16xi32>
    %get3A_858 = arith.constant 352 : index
    %get3A_859 = tpu.vector_load %arg8[%get3A_858] {strides = array<i32>} : memref<640xi32, #tpu.memory_space<vmem>>, vector<16xi32>,
    %get3A_860 = vector.shape_cast %get3A_859 : vector<16xi32> to vector<16xi32>
    %mul3A_861 = arith.constant 100 : i32
    %mul3A_862 = vector.broadcast %mul3A_861 : i32 to vector<16xi32>
    %mul3A_863 = arith.muli %get3A_860, %mul3A_862 : vector<16xi32>
    %add3A_864 = arith.addi %mul3A_863, %get3A_857 : vector<16xi32>
    %sub3A_865 = arith.constant 1 : i32
    %sub3A_866 = vector.broadcast %sub3A_865 : i32 to vector<16xi32>
    %sub3A_867 = arith.subi %add3A_864, %sub3A_866 : vector<16xi32>
    %sub3A_868 = vector.broadcast %mul3A_5 : i32 to vector<16xi32>
    %sub3A_869 = arith.subi %sub3A_867, %sub3A_868 : vector<16xi32>
    %ge3A_870 = vector.broadcast %mul3A_3 : i32 to vector<16xi32>
    %ge3A_871 = arith.cmpi sge, %add3A_854, %ge3A_870 : vector<16xi32>
    %ge3A_872 = arith.constant 0 : i32
    %ge3A_873 = vector.broadcast %ge3A_872 : i32 to vector<16xi32>
    %ge3A_874 = arith.cmpi sge, %sub3A_869, %ge3A_873 : vector<16xi32>
    %and3A_875 = arith.andi %ge3A_871, %ge3A_874 : vector<16xi1>
    %lt3A_876 = arith.constant 3200 : i32
    %lt3A_877 = vector.broadcast %lt3A_876 : i32 to vector<16xi32>
    %lt3A_878 = arith.cmpi slt, %sub3A_869, %lt3A_877 : vector<16xi32>
    %and3A_879 = arith.andi %and3A_875, %lt3A_878 : vector<16xi1>
    %broadcast_in_dim3A_880 = vector.broadcast %add3A_621 : i32 to vector<16xi32>
    %select_n3A_881 = arith.select %and3A_879, %sub3A_869, %broadcast_in_dim3A_880 : vector<16xi1>, vector<16xi32>
    %swap3A_882 = arith.constant 2 : i32
    %swap3A_883 = arith.index_cast %swap3A_882 : i32 to index
    %swap3A_884 = arith.constant 96 : index
    %swap3A_885 = tpu.vector_load %arg9[%swap3A_883, %swap3A_884] {strides = array<i32>} : memref<5x128xi32, #tpu.memory_space<vmem>>, vector<1x16xi32>,
    %swap3A_886 = vector.shape_cast %swap3A_885 : vector<1x16xi32> to vector<16xi32>
    %swap3A_887 = vector.shape_cast %select_n3A_881 : vector<16xi32> to vector<1x16xi32>
    tpu.vector_store %arg9[%swap3A_883, %swap3A_884], %swap3A_887 {strides = array<i32>} : memref<5x128xi32, #tpu.memory_space<vmem>>, vector<1x16xi32>,
    %add3A_888 = arith.constant 368 : i32
    %add3A_889 = arith.addi %min3A_1, %add3A_888 : i32
    %iota3A_890 = tpu.iota {dimensions = array<i32: 0>} : vector<16xi32>
    %add3A_891 = vector.broadcast %add3A_889 : i32 to vector<16xi32>
    %add3A_892 = arith.addi %add3A_891, %iota3A_890 : vector<16xi32>
    %get3A_893 = arith.constant 368 : index
    %get3A_894 = tpu.vector_load %arg7[%get3A_893] {strides = array<i32>} : memref<640xi32, #tpu.memory_space<vmem>>, vector<16xi32>,
    %get3A_895 = vector.shape_cast %get3A_894 : vector<16xi32> to vector<16xi32>
    %get3A_896 = arith.constant 368 : index
    %get3A_897 = tpu.vector_load %arg8[%get3A_896] {strides = array<i32>} : memref<640xi32, #tpu.memory_space<vmem>>, vector<16xi32>,
    %get3A_898 = vector.shape_cast %get3A_897 : vector<16xi32> to vector<16xi32>
    %mul3A_899 = arith.constant 100 : i32
    %mul3A_900 = vector.broadcast %mul3A_899 : i32 to vector<16xi32>
    %mul3A_901 = arith.muli %get3A_898, %mul3A_900 : vector<16xi32>
    %add3A_902 = arith.addi %mul3A_901, %get3A_895 : vector<16xi32>
    %sub3A_903 = arith.constant 1 : i32
    %sub3A_904 = vector.broadcast %sub3A_903 : i32 to vector<16xi32>
    %sub3A_905 = arith.subi %add3A_902, %sub3A_904 : vector<16xi32>
    %sub3A_906 = vector.broadcast %mul3A_5 : i32 to vector<16xi32>
    %sub3A_907 = arith.subi %sub3A_905, %sub3A_906 : vector<16xi32>
    %ge3A_908 = vector.broadcast %mul3A_3 : i32 to vector<16xi32>
    %ge3A_909 = arith.cmpi sge, %add3A_892, %ge3A_908 : vector<16xi32>
    %ge3A_910 = arith.constant 0 : i32
    %ge3A_911 = vector.broadcast %ge3A_910 : i32 to vector<16xi32>
    %ge3A_912 = arith.cmpi sge, %sub3A_907, %ge3A_911 : vector<16xi32>
    %and3A_913 = arith.andi %ge3A_909, %ge3A_912 : vector<16xi1>
    %lt3A_914 = arith.constant 3200 : i32
    %lt3A_915 = vector.broadcast %lt3A_914 : i32 to vector<16xi32>
    %lt3A_916 = arith.cmpi slt, %sub3A_907, %lt3A_915 : vector<16xi32>
    %and3A_917 = arith.andi %and3A_913, %lt3A_916 : vector<16xi1>
    %broadcast_in_dim3A_918 = vector.broadcast %add3A_621 : i32 to vector<16xi32>
    %select_n3A_919 = arith.select %and3A_917, %sub3A_907, %broadcast_in_dim3A_918 : vector<16xi1>, vector<16xi32>
    %swap3A_920 = arith.constant 2 : i32
    %swap3A_921 = arith.index_cast %swap3A_920 : i32 to index
    %swap3A_922 = arith.constant 112 : index
    %swap3A_923 = tpu.vector_load %arg9[%swap3A_921, %swap3A_922] {strides = array<i32>} : memref<5x128xi32, #tpu.memory_space<vmem>>, vector<1x16xi32>,
    %swap3A_924 = vector.shape_cast %swap3A_923 : vector<1x16xi32> to vector<16xi32>
    %swap3A_925 = vector.shape_cast %select_n3A_919 : vector<16xi32> to vector<1x16xi32>
    tpu.vector_store %arg9[%swap3A_921, %swap3A_922], %swap3A_925 {strides = array<i32>} : memref<5x128xi32, #tpu.memory_space<vmem>>, vector<1x16xi32>,
    %mul3A_926 = arith.constant 5 : i32
    %mul3A_927 = arith.muli %arg1, %mul3A_926 : i32
    %add3A_928 = arith.constant 3200 : i32
    %add3A_929 = arith.addi %add3A_928, %mul3A_927 : i32
    %add3A_930 = arith.constant 3 : i32
    %add3A_931 = arith.addi %add3A_929, %add3A_930 : i32
    %add3A_932 = arith.constant 384 : i32
    %add3A_933 = arith.addi %min3A_1, %add3A_932 : i32
    %iota3A_934 = tpu.iota {dimensions = array<i32: 0>} : vector<16xi32>
    %add3A_935 = vector.broadcast %add3A_933 : i32 to vector<16xi32>
    %add3A_936 = arith.addi %add3A_935, %iota3A_934 : vector<16xi32>
    %get3A_937 = arith.constant 384 : index
    %get3A_938 = tpu.vector_load %arg7[%get3A_937] {strides = array<i32>} : memref<640xi32, #tpu.memory_space<vmem>>, vector<16xi32>,
    %get3A_939 = vector.shape_cast %get3A_938 : vector<16xi32> to vector<16xi32>
    %get3A_940 = arith.constant 384 : index
    %get3A_941 = tpu.vector_load %arg8[%get3A_940] {strides = array<i32>} : memref<640xi32, #tpu.memory_space<vmem>>, vector<16xi32>,
    %get3A_942 = vector.shape_cast %get3A_941 : vector<16xi32> to vector<16xi32>
    %mul3A_943 = arith.constant 100 : i32
    %mul3A_944 = vector.broadcast %mul3A_943 : i32 to vector<16xi32>
    %mul3A_945 = arith.muli %get3A_942, %mul3A_944 : vector<16xi32>
    %add3A_946 = arith.addi %mul3A_945, %get3A_939 : vector<16xi32>
    %sub3A_947 = arith.constant 1 : i32
    %sub3A_948 = vector.broadcast %sub3A_947 : i32 to vector<16xi32>
    %sub3A_949 = arith.subi %add3A_946, %sub3A_948 : vector<16xi32>
    %sub3A_950 = vector.broadcast %mul3A_5 : i32 to vector<16xi32>
    %sub3A_951 = arith.subi %sub3A_949, %sub3A_950 : vector<16xi32>
    %ge3A_952 = vector.broadcast %mul3A_3 : i32 to vector<16xi32>
    %ge3A_953 = arith.cmpi sge, %add3A_936, %ge3A_952 : vector<16xi32>
    %ge3A_954 = arith.constant 0 : i32
    %ge3A_955 = vector.broadcast %ge3A_954 : i32 to vector<16xi32>
    %ge3A_956 = arith.cmpi sge, %sub3A_951, %ge3A_955 : vector<16xi32>
    %and3A_957 = arith.andi %ge3A_953, %ge3A_956 : vector<16xi1>
    %lt3A_958 = arith.constant 3200 : i32
    %lt3A_959 = vector.broadcast %lt3A_958 : i32 to vector<16xi32>
    %lt3A_960 = arith.cmpi slt, %sub3A_951, %lt3A_959 : vector<16xi32>
    %and3A_961 = arith.andi %and3A_957, %lt3A_960 : vector<16xi1>
    %broadcast_in_dim3A_962 = vector.broadcast %add3A_931 : i32 to vector<16xi32>
    %select_n3A_963 = arith.select %and3A_961, %sub3A_951, %broadcast_in_dim3A_962 : vector<16xi1>, vector<16xi32>
    %swap3A_964 = arith.constant 3 : i32
    %swap3A_965 = arith.index_cast %swap3A_964 : i32 to index
    %swap3A_966 = arith.constant 0 : index
    %swap3A_967 = tpu.vector_load %arg9[%swap3A_965, %swap3A_966] {strides = array<i32>} : memref<5x128xi32, #tpu.memory_space<vmem>>, vector<1x16xi32>,
    %swap3A_968 = vector.shape_cast %swap3A_967 : vector<1x16xi32> to vector<16xi32>
    %swap3A_969 = vector.shape_cast %select_n3A_963 : vector<16xi32> to vector<1x16xi32>
    tpu.vector_store %arg9[%swap3A_965, %swap3A_966], %swap3A_969 {strides = array<i32>} : memref<5x128xi32, #tpu.memory_space<vmem>>, vector<1x16xi32>,
    %add3A_970 = arith.constant 400 : i32
    %add3A_971 = arith.addi %min3A_1, %add3A_970 : i32
    %iota3A_972 = tpu.iota {dimensions = array<i32: 0>} : vector<16xi32>
    %add3A_973 = vector.broadcast %add3A_971 : i32 to vector<16xi32>
    %add3A_974 = arith.addi %add3A_973, %iota3A_972 : vector<16xi32>
    %get3A_975 = arith.constant 400 : index
    %get3A_976 = tpu.vector_load %arg7[%get3A_975] {strides = array<i32>} : memref<640xi32, #tpu.memory_space<vmem>>, vector<16xi32>,
    %get3A_977 = vector.shape_cast %get3A_976 : vector<16xi32> to vector<16xi32>
    %get3A_978 = arith.constant 400 : index
    %get3A_979 = tpu.vector_load %arg8[%get3A_978] {strides = array<i32>} : memref<640xi32, #tpu.memory_space<vmem>>, vector<16xi32>,
    %get3A_980 = vector.shape_cast %get3A_979 : vector<16xi32> to vector<16xi32>
    %mul3A_981 = arith.constant 100 : i32
    %mul3A_982 = vector.broadcast %mul3A_981 : i32 to vector<16xi32>
    %mul3A_983 = arith.muli %get3A_980, %mul3A_982 : vector<16xi32>
    %add3A_984 = arith.addi %mul3A_983, %get3A_977 : vector<16xi32>
    %sub3A_985 = arith.constant 1 : i32
    %sub3A_986 = vector.broadcast %sub3A_985 : i32 to vector<16xi32>
    %sub3A_987 = arith.subi %add3A_984, %sub3A_986 : vector<16xi32>
    %sub3A_988 = vector.broadcast %mul3A_5 : i32 to vector<16xi32>
    %sub3A_989 = arith.subi %sub3A_987, %sub3A_988 : vector<16xi32>
    %ge3A_990 = vector.broadcast %mul3A_3 : i32 to vector<16xi32>
    %ge3A_991 = arith.cmpi sge, %add3A_974, %ge3A_990 : vector<16xi32>
    %ge3A_992 = arith.constant 0 : i32
    %ge3A_993 = vector.broadcast %ge3A_992 : i32 to vector<16xi32>
    %ge3A_994 = arith.cmpi sge, %sub3A_989, %ge3A_993 : vector<16xi32>
    %and3A_995 = arith.andi %ge3A_991, %ge3A_994 : vector<16xi1>
    %lt3A_996 = arith.constant 3200 : i32
    %lt3A_997 = vector.broadcast %lt3A_996 : i32 to vector<16xi32>
    %lt3A_998 = arith.cmpi slt, %sub3A_989, %lt3A_997 : vector<16xi32>
    %and3A_999 = arith.andi %and3A_995, %lt3A_998 : vector<16xi1>
    %broadcast_in_dim3A_1000 = vector.broadcast %add3A_931 : i32 to vector<16xi32>
    %select_n3A_1001 = arith.select %and3A_999, %sub3A_989, %broadcast_in_dim3A_1000 : vector<16xi1>, vector<16xi32>
    %swap3A_1002 = arith.constant 3 : i32
    %swap3A_1003 = arith.index_cast %swap3A_1002 : i32 to index
    %swap3A_1004 = arith.constant 16 : index
    %swap3A_1005 = tpu.vector_load %arg9[%swap3A_1003, %swap3A_1004] {strides = array<i32>} : memref<5x128xi32, #tpu.memory_space<vmem>>, vector<1x16xi32>,
    %swap3A_1006 = vector.shape_cast %swap3A_1005 : vector<1x16xi32> to vector<16xi32>
    %swap3A_1007 = vector.shape_cast %select_n3A_1001 : vector<16xi32> to vector<1x16xi32>
    tpu.vector_store %arg9[%swap3A_1003, %swap3A_1004], %swap3A_1007 {strides = array<i32>} : memref<5x128xi32, #tpu.memory_space<vmem>>, vector<1x16xi32>,
    %add3A_1008 = arith.constant 416 : i32
    %add3A_1009 = arith.addi %min3A_1, %add3A_1008 : i32
    %iota3A_1010 = tpu.iota {dimensions = array<i32: 0>} : vector<16xi32>
    %add3A_1011 = vector.broadcast %add3A_1009 : i32 to vector<16xi32>
    %add3A_1012 = arith.addi %add3A_1011, %iota3A_1010 : vector<16xi32>
    %get3A_1013 = arith.constant 416 : index
    %get3A_1014 = tpu.vector_load %arg7[%get3A_1013] {strides = array<i32>} : memref<640xi32, #tpu.memory_space<vmem>>, vector<16xi32>,
    %get3A_1015 = vector.shape_cast %get3A_1014 : vector<16xi32> to vector<16xi32>
    %get3A_1016 = arith.constant 416 : index
    %get3A_1017 = tpu.vector_load %arg8[%get3A_1016] {strides = array<i32>} : memref<640xi32, #tpu.memory_space<vmem>>, vector<16xi32>,
    %get3A_1018 = vector.shape_cast %get3A_1017 : vector<16xi32> to vector<16xi32>
    %mul3A_1019 = arith.constant 100 : i32
    %mul3A_1020 = vector.broadcast %mul3A_1019 : i32 to vector<16xi32>
    %mul3A_1021 = arith.muli %get3A_1018, %mul3A_1020 : vector<16xi32>
    %add3A_1022 = arith.addi %mul3A_1021, %get3A_1015 : vector<16xi32>
    %sub3A_1023 = arith.constant 1 : i32
    %sub3A_1024 = vector.broadcast %sub3A_1023 : i32 to vector<16xi32>
    %sub3A_1025 = arith.subi %add3A_1022, %sub3A_1024 : vector<16xi32>
    %sub3A_1026 = vector.broadcast %mul3A_5 : i32 to vector<16xi32>
    %sub3A_1027 = arith.subi %sub3A_1025, %sub3A_1026 : vector<16xi32>
    %ge3A_1028 = vector.broadcast %mul3A_3 : i32 to vector<16xi32>
    %ge3A_1029 = arith.cmpi sge, %add3A_1012, %ge3A_1028 : vector<16xi32>
    %ge3A_1030 = arith.constant 0 : i32
    %ge3A_1031 = vector.broadcast %ge3A_1030 : i32 to vector<16xi32>
    %ge3A_1032 = arith.cmpi sge, %sub3A_1027, %ge3A_1031 : vector<16xi32>
    %and3A_1033 = arith.andi %ge3A_1029, %ge3A_1032 : vector<16xi1>
    %lt3A_1034 = arith.constant 3200 : i32
    %lt3A_1035 = vector.broadcast %lt3A_1034 : i32 to vector<16xi32>
    %lt3A_1036 = arith.cmpi slt, %sub3A_1027, %lt3A_1035 : vector<16xi32>
    %and3A_1037 = arith.andi %and3A_1033, %lt3A_1036 : vector<16xi1>
    %broadcast_in_dim3A_1038 = vector.broadcast %add3A_931 : i32 to vector<16xi32>
    %select_n3A_1039 = arith.select %and3A_1037, %sub3A_1027, %broadcast_in_dim3A_1038 : vector<16xi1>, vector<16xi32>
    %swap3A_1040 = arith.constant 3 : i32
    %swap3A_1041 = arith.index_cast %swap3A_1040 : i32 to index
    %swap3A_1042 = arith.constant 32 : index
    %swap3A_1043 = tpu.vector_load %arg9[%swap3A_1041, %swap3A_1042] {strides = array<i32>} : memref<5x128xi32, #tpu.memory_space<vmem>>, vector<1x16xi32>,
    %swap3A_1044 = vector.shape_cast %swap3A_1043 : vector<1x16xi32> to vector<16xi32>
    %swap3A_1045 = vector.shape_cast %select_n3A_1039 : vector<16xi32> to vector<1x16xi32>
    tpu.vector_store %arg9[%swap3A_1041, %swap3A_1042], %swap3A_1045 {strides = array<i32>} : memref<5x128xi32, #tpu.memory_space<vmem>>, vector<1x16xi32>,
    %add3A_1046 = arith.constant 432 : i32
    %add3A_1047 = arith.addi %min3A_1, %add3A_1046 : i32
    %iota3A_1048 = tpu.iota {dimensions = array<i32: 0>} : vector<16xi32>
    %add3A_1049 = vector.broadcast %add3A_1047 : i32 to vector<16xi32>
    %add3A_1050 = arith.addi %add3A_1049, %iota3A_1048 : vector<16xi32>
    %get3A_1051 = arith.constant 432 : index
    %get3A_1052 = tpu.vector_load %arg7[%get3A_1051] {strides = array<i32>} : memref<640xi32, #tpu.memory_space<vmem>>, vector<16xi32>,
    %get3A_1053 = vector.shape_cast %get3A_1052 : vector<16xi32> to vector<16xi32>
    %get3A_1054 = arith.constant 432 : index
    %get3A_1055 = tpu.vector_load %arg8[%get3A_1054] {strides = array<i32>} : memref<640xi32, #tpu.memory_space<vmem>>, vector<16xi32>,
    %get3A_1056 = vector.shape_cast %get3A_1055 : vector<16xi32> to vector<16xi32>
    %mul3A_1057 = arith.constant 100 : i32
    %mul3A_1058 = vector.broadcast %mul3A_1057 : i32 to vector<16xi32>
    %mul3A_1059 = arith.muli %get3A_1056, %mul3A_1058 : vector<16xi32>
    %add3A_1060 = arith.addi %mul3A_1059, %get3A_1053 : vector<16xi32>
    %sub3A_1061 = arith.constant 1 : i32
    %sub3A_1062 = vector.broadcast %sub3A_1061 : i32 to vector<16xi32>
    %sub3A_1063 = arith.subi %add3A_1060, %sub3A_1062 : vector<16xi32>
    %sub3A_1064 = vector.broadcast %mul3A_5 : i32 to vector<16xi32>
    %sub3A_1065 = arith.subi %sub3A_1063, %sub3A_1064 : vector<16xi32>
    %ge3A_1066 = vector.broadcast %mul3A_3 : i32 to vector<16xi32>
    %ge3A_1067 = arith.cmpi sge, %add3A_1050, %ge3A_1066 : vector<16xi32>
    %ge3A_1068 = arith.constant 0 : i32
    %ge3A_1069 = vector.broadcast %ge3A_1068 : i32 to vector<16xi32>
    %ge3A_1070 = arith.cmpi sge, %sub3A_1065, %ge3A_1069 : vector<16xi32>
    %and3A_1071 = arith.andi %ge3A_1067, %ge3A_1070 : vector<16xi1>
    %lt3A_1072 = arith.constant 3200 : i32
    %lt3A_1073 = vector.broadcast %lt3A_1072 : i32 to vector<16xi32>
    %lt3A_1074 = arith.cmpi slt, %sub3A_1065, %lt3A_1073 : vector<16xi32>
    %and3A_1075 = arith.andi %and3A_1071, %lt3A_1074 : vector<16xi1>
    %broadcast_in_dim3A_1076 = vector.broadcast %add3A_931 : i32 to vector<16xi32>
    %select_n3A_1077 = arith.select %and3A_1075, %sub3A_1065, %broadcast_in_dim3A_1076 : vector<16xi1>, vector<16xi32>
    %swap3A_1078 = arith.constant 3 : i32
    %swap3A_1079 = arith.index_cast %swap3A_1078 : i32 to index
    %swap3A_1080 = arith.constant 48 : index
    %swap3A_1081 = tpu.vector_load %arg9[%swap3A_1079, %swap3A_1080] {strides = array<i32>} : memref<5x128xi32, #tpu.memory_space<vmem>>, vector<1x16xi32>,
    %swap3A_1082 = vector.shape_cast %swap3A_1081 : vector<1x16xi32> to vector<16xi32>
    %swap3A_1083 = vector.shape_cast %select_n3A_1077 : vector<16xi32> to vector<1x16xi32>
    tpu.vector_store %arg9[%swap3A_1079, %swap3A_1080], %swap3A_1083 {strides = array<i32>} : memref<5x128xi32, #tpu.memory_space<vmem>>, vector<1x16xi32>,
    %add3A_1084 = arith.constant 448 : i32
    %add3A_1085 = arith.addi %min3A_1, %add3A_1084 : i32
    %iota3A_1086 = tpu.iota {dimensions = array<i32: 0>} : vector<16xi32>
    %add3A_1087 = vector.broadcast %add3A_1085 : i32 to vector<16xi32>
    %add3A_1088 = arith.addi %add3A_1087, %iota3A_1086 : vector<16xi32>
    %get3A_1089 = arith.constant 448 : index
    %get3A_1090 = tpu.vector_load %arg7[%get3A_1089] {strides = array<i32>} : memref<640xi32, #tpu.memory_space<vmem>>, vector<16xi32>,
    %get3A_1091 = vector.shape_cast %get3A_1090 : vector<16xi32> to vector<16xi32>
    %get3A_1092 = arith.constant 448 : index
    %get3A_1093 = tpu.vector_load %arg8[%get3A_1092] {strides = array<i32>} : memref<640xi32, #tpu.memory_space<vmem>>, vector<16xi32>,
    %get3A_1094 = vector.shape_cast %get3A_1093 : vector<16xi32> to vector<16xi32>
    %mul3A_1095 = arith.constant 100 : i32
    %mul3A_1096 = vector.broadcast %mul3A_1095 : i32 to vector<16xi32>
    %mul3A_1097 = arith.muli %get3A_1094, %mul3A_1096 : vector<16xi32>
    %add3A_1098 = arith.addi %mul3A_1097, %get3A_1091 : vector<16xi32>
    %sub3A_1099 = arith.constant 1 : i32
    %sub3A_1100 = vector.broadcast %sub3A_1099 : i32 to vector<16xi32>
    %sub3A_1101 = arith.subi %add3A_1098, %sub3A_1100 : vector<16xi32>
    %sub3A_1102 = vector.broadcast %mul3A_5 : i32 to vector<16xi32>
    %sub3A_1103 = arith.subi %sub3A_1101, %sub3A_1102 : vector<16xi32>
    %ge3A_1104 = vector.broadcast %mul3A_3 : i32 to vector<16xi32>
    %ge3A_1105 = arith.cmpi sge, %add3A_1088, %ge3A_1104 : vector<16xi32>
    %ge3A_1106 = arith.constant 0 : i32
    %ge3A_1107 = vector.broadcast %ge3A_1106 : i32 to vector<16xi32>
    %ge3A_1108 = arith.cmpi sge, %sub3A_1103, %ge3A_1107 : vector<16xi32>
    %and3A_1109 = arith.andi %ge3A_1105, %ge3A_1108 : vector<16xi1>
    %lt3A_1110 = arith.constant 3200 : i32
    %lt3A_1111 = vector.broadcast %lt3A_1110 : i32 to vector<16xi32>
    %lt3A_1112 = arith.cmpi slt, %sub3A_1103, %lt3A_1111 : vector<16xi32>
    %and3A_1113 = arith.andi %and3A_1109, %lt3A_1112 : vector<16xi1>
    %broadcast_in_dim3A_1114 = vector.broadcast %add3A_931 : i32 to vector<16xi32>
    %select_n3A_1115 = arith.select %and3A_1113, %sub3A_1103, %broadcast_in_dim3A_1114 : vector<16xi1>, vector<16xi32>
    %swap3A_1116 = arith.constant 3 : i32
    %swap3A_1117 = arith.index_cast %swap3A_1116 : i32 to index
    %swap3A_1118 = arith.constant 64 : index
    %swap3A_1119 = tpu.vector_load %arg9[%swap3A_1117, %swap3A_1118] {strides = array<i32>} : memref<5x128xi32, #tpu.memory_space<vmem>>, vector<1x16xi32>,
    %swap3A_1120 = vector.shape_cast %swap3A_1119 : vector<1x16xi32> to vector<16xi32>
    %swap3A_1121 = vector.shape_cast %select_n3A_1115 : vector<16xi32> to vector<1x16xi32>
    tpu.vector_store %arg9[%swap3A_1117, %swap3A_1118], %swap3A_1121 {strides = array<i32>} : memref<5x128xi32, #tpu.memory_space<vmem>>, vector<1x16xi32>,
    %add3A_1122 = arith.constant 464 : i32
    %add3A_1123 = arith.addi %min3A_1, %add3A_1122 : i32
    %iota3A_1124 = tpu.iota {dimensions = array<i32: 0>} : vector<16xi32>
    %add3A_1125 = vector.broadcast %add3A_1123 : i32 to vector<16xi32>
    %add3A_1126 = arith.addi %add3A_1125, %iota3A_1124 : vector<16xi32>
    %get3A_1127 = arith.constant 464 : index
    %get3A_1128 = tpu.vector_load %arg7[%get3A_1127] {strides = array<i32>} : memref<640xi32, #tpu.memory_space<vmem>>, vector<16xi32>,
    %get3A_1129 = vector.shape_cast %get3A_1128 : vector<16xi32> to vector<16xi32>
    %get3A_1130 = arith.constant 464 : index
    %get3A_1131 = tpu.vector_load %arg8[%get3A_1130] {strides = array<i32>} : memref<640xi32, #tpu.memory_space<vmem>>, vector<16xi32>,
    %get3A_1132 = vector.shape_cast %get3A_1131 : vector<16xi32> to vector<16xi32>
    %mul3A_1133 = arith.constant 100 : i32
    %mul3A_1134 = vector.broadcast %mul3A_1133 : i32 to vector<16xi32>
    %mul3A_1135 = arith.muli %get3A_1132, %mul3A_1134 : vector<16xi32>
    %add3A_1136 = arith.addi %mul3A_1135, %get3A_1129 : vector<16xi32>
    %sub3A_1137 = arith.constant 1 : i32
    %sub3A_1138 = vector.broadcast %sub3A_1137 : i32 to vector<16xi32>
    %sub3A_1139 = arith.subi %add3A_1136, %sub3A_1138 : vector<16xi32>
    %sub3A_1140 = vector.broadcast %mul3A_5 : i32 to vector<16xi32>
    %sub3A_1141 = arith.subi %sub3A_1139, %sub3A_1140 : vector<16xi32>
    %ge3A_1142 = vector.broadcast %mul3A_3 : i32 to vector<16xi32>
    %ge3A_1143 = arith.cmpi sge, %add3A_1126, %ge3A_1142 : vector<16xi32>
    %ge3A_1144 = arith.constant 0 : i32
    %ge3A_1145 = vector.broadcast %ge3A_1144 : i32 to vector<16xi32>
    %ge3A_1146 = arith.cmpi sge, %sub3A_1141, %ge3A_1145 : vector<16xi32>
    %and3A_1147 = arith.andi %ge3A_1143, %ge3A_1146 : vector<16xi1>
    %lt3A_1148 = arith.constant 3200 : i32
    %lt3A_1149 = vector.broadcast %lt3A_1148 : i32 to vector<16xi32>
    %lt3A_1150 = arith.cmpi slt, %sub3A_1141, %lt3A_1149 : vector<16xi32>
    %and3A_1151 = arith.andi %and3A_1147, %lt3A_1150 : vector<16xi1>
    %broadcast_in_dim3A_1152 = vector.broadcast %add3A_931 : i32 to vector<16xi32>
    %select_n3A_1153 = arith.select %and3A_1151, %sub3A_1141, %broadcast_in_dim3A_1152 : vector<16xi1>, vector<16xi32>
    %swap3A_1154 = arith.constant 3 : i32
    %swap3A_1155 = arith.index_cast %swap3A_1154 : i32 to index
    %swap3A_1156 = arith.constant 80 : index
    %swap3A_1157 = tpu.vector_load %arg9[%swap3A_1155, %swap3A_1156] {strides = array<i32>} : memref<5x128xi32, #tpu.memory_space<vmem>>, vector<1x16xi32>,
    %swap3A_1158 = vector.shape_cast %swap3A_1157 : vector<1x16xi32> to vector<16xi32>
    %swap3A_1159 = vector.shape_cast %select_n3A_1153 : vector<16xi32> to vector<1x16xi32>
    tpu.vector_store %arg9[%swap3A_1155, %swap3A_1156], %swap3A_1159 {strides = array<i32>} : memref<5x128xi32, #tpu.memory_space<vmem>>, vector<1x16xi32>,
    %add3A_1160 = arith.constant 480 : i32
    %add3A_1161 = arith.addi %min3A_1, %add3A_1160 : i32
    %iota3A_1162 = tpu.iota {dimensions = array<i32: 0>} : vector<16xi32>
    %add3A_1163 = vector.broadcast %add3A_1161 : i32 to vector<16xi32>
    %add3A_1164 = arith.addi %add3A_1163, %iota3A_1162 : vector<16xi32>
    %get3A_1165 = arith.constant 480 : index
    %get3A_1166 = tpu.vector_load %arg7[%get3A_1165] {strides = array<i32>} : memref<640xi32, #tpu.memory_space<vmem>>, vector<16xi32>,
    %get3A_1167 = vector.shape_cast %get3A_1166 : vector<16xi32> to vector<16xi32>
    %get3A_1168 = arith.constant 480 : index
    %get3A_1169 = tpu.vector_load %arg8[%get3A_1168] {strides = array<i32>} : memref<640xi32, #tpu.memory_space<vmem>>, vector<16xi32>,
    %get3A_1170 = vector.shape_cast %get3A_1169 : vector<16xi32> to vector<16xi32>
    %mul3A_1171 = arith.constant 100 : i32
    %mul3A_1172 = vector.broadcast %mul3A_1171 : i32 to vector<16xi32>
    %mul3A_1173 = arith.muli %get3A_1170, %mul3A_1172 : vector<16xi32>
    %add3A_1174 = arith.addi %mul3A_1173, %get3A_1167 : vector<16xi32>
    %sub3A_1175 = arith.constant 1 : i32
    %sub3A_1176 = vector.broadcast %sub3A_1175 : i32 to vector<16xi32>
    %sub3A_1177 = arith.subi %add3A_1174, %sub3A_1176 : vector<16xi32>
    %sub3A_1178 = vector.broadcast %mul3A_5 : i32 to vector<16xi32>
    %sub3A_1179 = arith.subi %sub3A_1177, %sub3A_1178 : vector<16xi32>
    %ge3A_1180 = vector.broadcast %mul3A_3 : i32 to vector<16xi32>
    %ge3A_1181 = arith.cmpi sge, %add3A_1164, %ge3A_1180 : vector<16xi32>
    %ge3A_1182 = arith.constant 0 : i32
    %ge3A_1183 = vector.broadcast %ge3A_1182 : i32 to vector<16xi32>
    %ge3A_1184 = arith.cmpi sge, %sub3A_1179, %ge3A_1183 : vector<16xi32>
    %and3A_1185 = arith.andi %ge3A_1181, %ge3A_1184 : vector<16xi1>
    %lt3A_1186 = arith.constant 3200 : i32
    %lt3A_1187 = vector.broadcast %lt3A_1186 : i32 to vector<16xi32>
    %lt3A_1188 = arith.cmpi slt, %sub3A_1179, %lt3A_1187 : vector<16xi32>
    %and3A_1189 = arith.andi %and3A_1185, %lt3A_1188 : vector<16xi1>
    %broadcast_in_dim3A_1190 = vector.broadcast %add3A_931 : i32 to vector<16xi32>
    %select_n3A_1191 = arith.select %and3A_1189, %sub3A_1179, %broadcast_in_dim3A_1190 : vector<16xi1>, vector<16xi32>
    %swap3A_1192 = arith.constant 3 : i32
    %swap3A_1193 = arith.index_cast %swap3A_1192 : i32 to index
    %swap3A_1194 = arith.constant 96 : index
    %swap3A_1195 = tpu.vector_load %arg9[%swap3A_1193, %swap3A_1194] {strides = array<i32>} : memref<5x128xi32, #tpu.memory_space<vmem>>, vector<1x16xi32>,
    %swap3A_1196 = vector.shape_cast %swap3A_1195 : vector<1x16xi32> to vector<16xi32>
    %swap3A_1197 = vector.shape_cast %select_n3A_1191 : vector<16xi32> to vector<1x16xi32>
    tpu.vector_store %arg9[%swap3A_1193, %swap3A_1194], %swap3A_1197 {strides = array<i32>} : memref<5x128xi32, #tpu.memory_space<vmem>>, vector<1x16xi32>,
    %add3A_1198 = arith.constant 496 : i32
    %add3A_1199 = arith.addi %min3A_1, %add3A_1198 : i32
    %iota3A_1200 = tpu.iota {dimensions = array<i32: 0>} : vector<16xi32>
    %add3A_1201 = vector.broadcast %add3A_1199 : i32 to vector<16xi32>
    %add3A_1202 = arith.addi %add3A_1201, %iota3A_1200 : vector<16xi32>
    %get3A_1203 = arith.constant 496 : index
    %get3A_1204 = tpu.vector_load %arg7[%get3A_1203] {strides = array<i32>} : memref<640xi32, #tpu.memory_space<vmem>>, vector<16xi32>,
    %get3A_1205 = vector.shape_cast %get3A_1204 : vector<16xi32> to vector<16xi32>
    %get3A_1206 = arith.constant 496 : index
    %get3A_1207 = tpu.vector_load %arg8[%get3A_1206] {strides = array<i32>} : memref<640xi32, #tpu.memory_space<vmem>>, vector<16xi32>,
    %get3A_1208 = vector.shape_cast %get3A_1207 : vector<16xi32> to vector<16xi32>
    %mul3A_1209 = arith.constant 100 : i32
    %mul3A_1210 = vector.broadcast %mul3A_1209 : i32 to vector<16xi32>
    %mul3A_1211 = arith.muli %get3A_1208, %mul3A_1210 : vector<16xi32>
    %add3A_1212 = arith.addi %mul3A_1211, %get3A_1205 : vector<16xi32>
    %sub3A_1213 = arith.constant 1 : i32
    %sub3A_1214 = vector.broadcast %sub3A_1213 : i32 to vector<16xi32>
    %sub3A_1215 = arith.subi %add3A_1212, %sub3A_1214 : vector<16xi32>
    %sub3A_1216 = vector.broadcast %mul3A_5 : i32 to vector<16xi32>
    %sub3A_1217 = arith.subi %sub3A_1215, %sub3A_1216 : vector<16xi32>
    %ge3A_1218 = vector.broadcast %mul3A_3 : i32 to vector<16xi32>
    %ge3A_1219 = arith.cmpi sge, %add3A_1202, %ge3A_1218 : vector<16xi32>
    %ge3A_1220 = arith.constant 0 : i32
    %ge3A_1221 = vector.broadcast %ge3A_1220 : i32 to vector<16xi32>
    %ge3A_1222 = arith.cmpi sge, %sub3A_1217, %ge3A_1221 : vector<16xi32>
    %and3A_1223 = arith.andi %ge3A_1219, %ge3A_1222 : vector<16xi1>
    %lt3A_1224 = arith.constant 3200 : i32
    %lt3A_1225 = vector.broadcast %lt3A_1224 : i32 to vector<16xi32>
    %lt3A_1226 = arith.cmpi slt, %sub3A_1217, %lt3A_1225 : vector<16xi32>
    %and3A_1227 = arith.andi %and3A_1223, %lt3A_1226 : vector<16xi1>
    %broadcast_in_dim3A_1228 = vector.broadcast %add3A_931 : i32 to vector<16xi32>
    %select_n3A_1229 = arith.select %and3A_1227, %sub3A_1217, %broadcast_in_dim3A_1228 : vector<16xi1>, vector<16xi32>
    %swap3A_1230 = arith.constant 3 : i32
    %swap3A_1231 = arith.index_cast %swap3A_1230 : i32 to index
    %swap3A_1232 = arith.constant 112 : index
    %swap3A_1233 = tpu.vector_load %arg9[%swap3A_1231, %swap3A_1232] {strides = array<i32>} : memref<5x128xi32, #tpu.memory_space<vmem>>, vector<1x16xi32>,
    %swap3A_1234 = vector.shape_cast %swap3A_1233 : vector<1x16xi32> to vector<16xi32>
    %swap3A_1235 = vector.shape_cast %select_n3A_1229 : vector<16xi32> to vector<1x16xi32>
    tpu.vector_store %arg9[%swap3A_1231, %swap3A_1232], %swap3A_1235 {strides = array<i32>} : memref<5x128xi32, #tpu.memory_space<vmem>>, vector<1x16xi32>,
    %mul3A_1236 = arith.constant 5 : i32
    %mul3A_1237 = arith.muli %arg1, %mul3A_1236 : i32
    %add3A_1238 = arith.constant 3200 : i32
    %add3A_1239 = arith.addi %add3A_1238, %mul3A_1237 : i32
    %add3A_1240 = arith.constant 4 : i32
    %add3A_1241 = arith.addi %add3A_1239, %add3A_1240 : i32
    %add3A_1242 = arith.constant 512 : i32
    %add3A_1243 = arith.addi %min3A_1, %add3A_1242 : i32
    %iota3A_1244 = tpu.iota {dimensions = array<i32: 0>} : vector<16xi32>
    %add3A_1245 = vector.broadcast %add3A_1243 : i32 to vector<16xi32>
    %add3A_1246 = arith.addi %add3A_1245, %iota3A_1244 : vector<16xi32>
    %get3A_1247 = arith.constant 512 : index
    %get3A_1248 = tpu.vector_load %arg7[%get3A_1247] {strides = array<i32>} : memref<640xi32, #tpu.memory_space<vmem>>, vector<16xi32>,
    %get3A_1249 = vector.shape_cast %get3A_1248 : vector<16xi32> to vector<16xi32>
    %get3A_1250 = arith.constant 512 : index
    %get3A_1251 = tpu.vector_load %arg8[%get3A_1250] {strides = array<i32>} : memref<640xi32, #tpu.memory_space<vmem>>, vector<16xi32>,
    %get3A_1252 = vector.shape_cast %get3A_1251 : vector<16xi32> to vector<16xi32>
    %mul3A_1253 = arith.constant 100 : i32
    %mul3A_1254 = vector.broadcast %mul3A_1253 : i32 to vector<16xi32>
    %mul3A_1255 = arith.muli %get3A_1252, %mul3A_1254 : vector<16xi32>
    %add3A_1256 = arith.addi %mul3A_1255, %get3A_1249 : vector<16xi32>
    %sub3A_1257 = arith.constant 1 : i32
    %sub3A_1258 = vector.broadcast %sub3A_1257 : i32 to vector<16xi32>
    %sub3A_1259 = arith.subi %add3A_1256, %sub3A_1258 : vector<16xi32>
    %sub3A_1260 = vector.broadcast %mul3A_5 : i32 to vector<16xi32>
    %sub3A_1261 = arith.subi %sub3A_1259, %sub3A_1260 : vector<16xi32>
    %ge3A_1262 = vector.broadcast %mul3A_3 : i32 to vector<16xi32>
    %ge3A_1263 = arith.cmpi sge, %add3A_1246, %ge3A_1262 : vector<16xi32>
    %ge3A_1264 = arith.constant 0 : i32
    %ge3A_1265 = vector.broadcast %ge3A_1264 : i32 to vector<16xi32>
    %ge3A_1266 = arith.cmpi sge, %sub3A_1261, %ge3A_1265 : vector<16xi32>
    %and3A_1267 = arith.andi %ge3A_1263, %ge3A_1266 : vector<16xi1>
    %lt3A_1268 = arith.constant 3200 : i32
    %lt3A_1269 = vector.broadcast %lt3A_1268 : i32 to vector<16xi32>
    %lt3A_1270 = arith.cmpi slt, %sub3A_1261, %lt3A_1269 : vector<16xi32>
    %and3A_1271 = arith.andi %and3A_1267, %lt3A_1270 : vector<16xi1>
    %broadcast_in_dim3A_1272 = vector.broadcast %add3A_1241 : i32 to vector<16xi32>
    %select_n3A_1273 = arith.select %and3A_1271, %sub3A_1261, %broadcast_in_dim3A_1272 : vector<16xi1>, vector<16xi32>
    %swap3A_1274 = arith.constant 4 : i32
    %swap3A_1275 = arith.index_cast %swap3A_1274 : i32 to index
    %swap3A_1276 = arith.constant 0 : index
    %swap3A_1277 = tpu.vector_load %arg9[%swap3A_1275, %swap3A_1276] {strides = array<i32>} : memref<5x128xi32, #tpu.memory_space<vmem>>, vector<1x16xi32>,
    %swap3A_1278 = vector.shape_cast %swap3A_1277 : vector<1x16xi32> to vector<16xi32>
    %swap3A_1279 = vector.shape_cast %select_n3A_1273 : vector<16xi32> to vector<1x16xi32>
    tpu.vector_store %arg9[%swap3A_1275, %swap3A_1276], %swap3A_1279 {strides = array<i32>} : memref<5x128xi32, #tpu.memory_space<vmem>>, vector<1x16xi32>,
    %add3A_1280 = arith.constant 528 : i32
    %add3A_1281 = arith.addi %min3A_1, %add3A_1280 : i32
    %iota3A_1282 = tpu.iota {dimensions = array<i32: 0>} : vector<16xi32>
    %add3A_1283 = vector.broadcast %add3A_1281 : i32 to vector<16xi32>
    %add3A_1284 = arith.addi %add3A_1283, %iota3A_1282 : vector<16xi32>
    %get3A_1285 = arith.constant 528 : index
    %get3A_1286 = tpu.vector_load %arg7[%get3A_1285] {strides = array<i32>} : memref<640xi32, #tpu.memory_space<vmem>>, vector<16xi32>,
    %get3A_1287 = vector.shape_cast %get3A_1286 : vector<16xi32> to vector<16xi32>
    %get3A_1288 = arith.constant 528 : index
    %get3A_1289 = tpu.vector_load %arg8[%get3A_1288] {strides = array<i32>} : memref<640xi32, #tpu.memory_space<vmem>>, vector<16xi32>,
    %get3A_1290 = vector.shape_cast %get3A_1289 : vector<16xi32> to vector<16xi32>
    %mul3A_1291 = arith.constant 100 : i32
    %mul3A_1292 = vector.broadcast %mul3A_1291 : i32 to vector<16xi32>
    %mul3A_1293 = arith.muli %get3A_1290, %mul3A_1292 : vector<16xi32>
    %add3A_1294 = arith.addi %mul3A_1293, %get3A_1287 : vector<16xi32>
    %sub3A_1295 = arith.constant 1 : i32
    %sub3A_1296 = vector.broadcast %sub3A_1295 : i32 to vector<16xi32>
    %sub3A_1297 = arith.subi %add3A_1294, %sub3A_1296 : vector<16xi32>
    %sub3A_1298 = vector.broadcast %mul3A_5 : i32 to vector<16xi32>
    %sub3A_1299 = arith.subi %sub3A_1297, %sub3A_1298 : vector<16xi32>
    %ge3A_1300 = vector.broadcast %mul3A_3 : i32 to vector<16xi32>
    %ge3A_1301 = arith.cmpi sge, %add3A_1284, %ge3A_1300 : vector<16xi32>
    %ge3A_1302 = arith.constant 0 : i32
    %ge3A_1303 = vector.broadcast %ge3A_1302 : i32 to vector<16xi32>
    %ge3A_1304 = arith.cmpi sge, %sub3A_1299, %ge3A_1303 : vector<16xi32>
    %and3A_1305 = arith.andi %ge3A_1301, %ge3A_1304 : vector<16xi1>
    %lt3A_1306 = arith.constant 3200 : i32
    %lt3A_1307 = vector.broadcast %lt3A_1306 : i32 to vector<16xi32>
    %lt3A_1308 = arith.cmpi slt, %sub3A_1299, %lt3A_1307 : vector<16xi32>
    %and3A_1309 = arith.andi %and3A_1305, %lt3A_1308 : vector<16xi1>
    %broadcast_in_dim3A_1310 = vector.broadcast %add3A_1241 : i32 to vector<16xi32>
    %select_n3A_1311 = arith.select %and3A_1309, %sub3A_1299, %broadcast_in_dim3A_1310 : vector<16xi1>, vector<16xi32>
    %swap3A_1312 = arith.constant 4 : i32
    %swap3A_1313 = arith.index_cast %swap3A_1312 : i32 to index
    %swap3A_1314 = arith.constant 16 : index
    %swap3A_1315 = tpu.vector_load %arg9[%swap3A_1313, %swap3A_1314] {strides = array<i32>} : memref<5x128xi32, #tpu.memory_space<vmem>>, vector<1x16xi32>,
    %swap3A_1316 = vector.shape_cast %swap3A_1315 : vector<1x16xi32> to vector<16xi32>
    %swap3A_1317 = vector.shape_cast %select_n3A_1311 : vector<16xi32> to vector<1x16xi32>
    tpu.vector_store %arg9[%swap3A_1313, %swap3A_1314], %swap3A_1317 {strides = array<i32>} : memref<5x128xi32, #tpu.memory_space<vmem>>, vector<1x16xi32>,
    %add3A_1318 = arith.constant 544 : i32
    %add3A_1319 = arith.addi %min3A_1, %add3A_1318 : i32
    %iota3A_1320 = tpu.iota {dimensions = array<i32: 0>} : vector<16xi32>
    %add3A_1321 = vector.broadcast %add3A_1319 : i32 to vector<16xi32>
    %add3A_1322 = arith.addi %add3A_1321, %iota3A_1320 : vector<16xi32>
    %get3A_1323 = arith.constant 544 : index
    %get3A_1324 = tpu.vector_load %arg7[%get3A_1323] {strides = array<i32>} : memref<640xi32, #tpu.memory_space<vmem>>, vector<16xi32>,
    %get3A_1325 = vector.shape_cast %get3A_1324 : vector<16xi32> to vector<16xi32>
    %get3A_1326 = arith.constant 544 : index
    %get3A_1327 = tpu.vector_load %arg8[%get3A_1326] {strides = array<i32>} : memref<640xi32, #tpu.memory_space<vmem>>, vector<16xi32>,
    %get3A_1328 = vector.shape_cast %get3A_1327 : vector<16xi32> to vector<16xi32>
    %mul3A_1329 = arith.constant 100 : i32
    %mul3A_1330 = vector.broadcast %mul3A_1329 : i32 to vector<16xi32>
    %mul3A_1331 = arith.muli %get3A_1328, %mul3A_1330 : vector<16xi32>
    %add3A_1332 = arith.addi %mul3A_1331, %get3A_1325 : vector<16xi32>
    %sub3A_1333 = arith.constant 1 : i32
    %sub3A_1334 = vector.broadcast %sub3A_1333 : i32 to vector<16xi32>
    %sub3A_1335 = arith.subi %add3A_1332, %sub3A_1334 : vector<16xi32>
    %sub3A_1336 = vector.broadcast %mul3A_5 : i32 to vector<16xi32>
    %sub3A_1337 = arith.subi %sub3A_1335, %sub3A_1336 : vector<16xi32>
    %ge3A_1338 = vector.broadcast %mul3A_3 : i32 to vector<16xi32>
    %ge3A_1339 = arith.cmpi sge, %add3A_1322, %ge3A_1338 : vector<16xi32>
    %ge3A_1340 = arith.constant 0 : i32
    %ge3A_1341 = vector.broadcast %ge3A_1340 : i32 to vector<16xi32>
    %ge3A_1342 = arith.cmpi sge, %sub3A_1337, %ge3A_1341 : vector<16xi32>
    %and3A_1343 = arith.andi %ge3A_1339, %ge3A_1342 : vector<16xi1>
    %lt3A_1344 = arith.constant 3200 : i32
    %lt3A_1345 = vector.broadcast %lt3A_1344 : i32 to vector<16xi32>
    %lt3A_1346 = arith.cmpi slt, %sub3A_1337, %lt3A_1345 : vector<16xi32>
    %and3A_1347 = arith.andi %and3A_1343, %lt3A_1346 : vector<16xi1>
    %broadcast_in_dim3A_1348 = vector.broadcast %add3A_1241 : i32 to vector<16xi32>
    %select_n3A_1349 = arith.select %and3A_1347, %sub3A_1337, %broadcast_in_dim3A_1348 : vector<16xi1>, vector<16xi32>
    %swap3A_1350 = arith.constant 4 : i32
    %swap3A_1351 = arith.index_cast %swap3A_1350 : i32 to index
    %swap3A_1352 = arith.constant 32 : index
    %swap3A_1353 = tpu.vector_load %arg9[%swap3A_1351, %swap3A_1352] {strides = array<i32>} : memref<5x128xi32, #tpu.memory_space<vmem>>, vector<1x16xi32>,
    %swap3A_1354 = vector.shape_cast %swap3A_1353 : vector<1x16xi32> to vector<16xi32>
    %swap3A_1355 = vector.shape_cast %select_n3A_1349 : vector<16xi32> to vector<1x16xi32>
    tpu.vector_store %arg9[%swap3A_1351, %swap3A_1352], %swap3A_1355 {strides = array<i32>} : memref<5x128xi32, #tpu.memory_space<vmem>>, vector<1x16xi32>,
    %add3A_1356 = arith.constant 560 : i32
    %add3A_1357 = arith.addi %min3A_1, %add3A_1356 : i32
    %iota3A_1358 = tpu.iota {dimensions = array<i32: 0>} : vector<16xi32>
    %add3A_1359 = vector.broadcast %add3A_1357 : i32 to vector<16xi32>
    %add3A_1360 = arith.addi %add3A_1359, %iota3A_1358 : vector<16xi32>
    %get3A_1361 = arith.constant 560 : index
    %get3A_1362 = tpu.vector_load %arg7[%get3A_1361] {strides = array<i32>} : memref<640xi32, #tpu.memory_space<vmem>>, vector<16xi32>,
    %get3A_1363 = vector.shape_cast %get3A_1362 : vector<16xi32> to vector<16xi32>
    %get3A_1364 = arith.constant 560 : index
    %get3A_1365 = tpu.vector_load %arg8[%get3A_1364] {strides = array<i32>} : memref<640xi32, #tpu.memory_space<vmem>>, vector<16xi32>,
    %get3A_1366 = vector.shape_cast %get3A_1365 : vector<16xi32> to vector<16xi32>
    %mul3A_1367 = arith.constant 100 : i32
    %mul3A_1368 = vector.broadcast %mul3A_1367 : i32 to vector<16xi32>
    %mul3A_1369 = arith.muli %get3A_1366, %mul3A_1368 : vector<16xi32>
    %add3A_1370 = arith.addi %mul3A_1369, %get3A_1363 : vector<16xi32>
    %sub3A_1371 = arith.constant 1 : i32
    %sub3A_1372 = vector.broadcast %sub3A_1371 : i32 to vector<16xi32>
    %sub3A_1373 = arith.subi %add3A_1370, %sub3A_1372 : vector<16xi32>
    %sub3A_1374 = vector.broadcast %mul3A_5 : i32 to vector<16xi32>
    %sub3A_1375 = arith.subi %sub3A_1373, %sub3A_1374 : vector<16xi32>
    %ge3A_1376 = vector.broadcast %mul3A_3 : i32 to vector<16xi32>
    %ge3A_1377 = arith.cmpi sge, %add3A_1360, %ge3A_1376 : vector<16xi32>
    %ge3A_1378 = arith.constant 0 : i32
    %ge3A_1379 = vector.broadcast %ge3A_1378 : i32 to vector<16xi32>
    %ge3A_1380 = arith.cmpi sge, %sub3A_1375, %ge3A_1379 : vector<16xi32>
    %and3A_1381 = arith.andi %ge3A_1377, %ge3A_1380 : vector<16xi1>
    %lt3A_1382 = arith.constant 3200 : i32
    %lt3A_1383 = vector.broadcast %lt3A_1382 : i32 to vector<16xi32>
    %lt3A_1384 = arith.cmpi slt, %sub3A_1375, %lt3A_1383 : vector<16xi32>
    %and3A_1385 = arith.andi %and3A_1381, %lt3A_1384 : vector<16xi1>
    %broadcast_in_dim3A_1386 = vector.broadcast %add3A_1241 : i32 to vector<16xi32>
    %select_n3A_1387 = arith.select %and3A_1385, %sub3A_1375, %broadcast_in_dim3A_1386 : vector<16xi1>, vector<16xi32>
    %swap3A_1388 = arith.constant 4 : i32
    %swap3A_1389 = arith.index_cast %swap3A_1388 : i32 to index
    %swap3A_1390 = arith.constant 48 : index
    %swap3A_1391 = tpu.vector_load %arg9[%swap3A_1389, %swap3A_1390] {strides = array<i32>} : memref<5x128xi32, #tpu.memory_space<vmem>>, vector<1x16xi32>,
    %swap3A_1392 = vector.shape_cast %swap3A_1391 : vector<1x16xi32> to vector<16xi32>
    %swap3A_1393 = vector.shape_cast %select_n3A_1387 : vector<16xi32> to vector<1x16xi32>
    tpu.vector_store %arg9[%swap3A_1389, %swap3A_1390], %swap3A_1393 {strides = array<i32>} : memref<5x128xi32, #tpu.memory_space<vmem>>, vector<1x16xi32>,
    %add3A_1394 = arith.constant 576 : i32
    %add3A_1395 = arith.addi %min3A_1, %add3A_1394 : i32
    %iota3A_1396 = tpu.iota {dimensions = array<i32: 0>} : vector<16xi32>
    %add3A_1397 = vector.broadcast %add3A_1395 : i32 to vector<16xi32>
    %add3A_1398 = arith.addi %add3A_1397, %iota3A_1396 : vector<16xi32>
    %get3A_1399 = arith.constant 576 : index
    %get3A_1400 = tpu.vector_load %arg7[%get3A_1399] {strides = array<i32>} : memref<640xi32, #tpu.memory_space<vmem>>, vector<16xi32>,
    %get3A_1401 = vector.shape_cast %get3A_1400 : vector<16xi32> to vector<16xi32>
    %get3A_1402 = arith.constant 576 : index
    %get3A_1403 = tpu.vector_load %arg8[%get3A_1402] {strides = array<i32>} : memref<640xi32, #tpu.memory_space<vmem>>, vector<16xi32>,
    %get3A_1404 = vector.shape_cast %get3A_1403 : vector<16xi32> to vector<16xi32>
    %mul3A_1405 = arith.constant 100 : i32
    %mul3A_1406 = vector.broadcast %mul3A_1405 : i32 to vector<16xi32>
    %mul3A_1407 = arith.muli %get3A_1404, %mul3A_1406 : vector<16xi32>
    %add3A_1408 = arith.addi %mul3A_1407, %get3A_1401 : vector<16xi32>
    %sub3A_1409 = arith.constant 1 : i32
    %sub3A_1410 = vector.broadcast %sub3A_1409 : i32 to vector<16xi32>
    %sub3A_1411 = arith.subi %add3A_1408, %sub3A_1410 : vector<16xi32>
    %sub3A_1412 = vector.broadcast %mul3A_5 : i32 to vector<16xi32>
    %sub3A_1413 = arith.subi %sub3A_1411, %sub3A_1412 : vector<16xi32>
    %ge3A_1414 = vector.broadcast %mul3A_3 : i32 to vector<16xi32>
    %ge3A_1415 = arith.cmpi sge, %add3A_1398, %ge3A_1414 : vector<16xi32>
    %ge3A_1416 = arith.constant 0 : i32
    %ge3A_1417 = vector.broadcast %ge3A_1416 : i32 to vector<16xi32>
    %ge3A_1418 = arith.cmpi sge, %sub3A_1413, %ge3A_1417 : vector<16xi32>
    %and3A_1419 = arith.andi %ge3A_1415, %ge3A_1418 : vector<16xi1>
    %lt3A_1420 = arith.constant 3200 : i32
    %lt3A_1421 = vector.broadcast %lt3A_1420 : i32 to vector<16xi32>
    %lt3A_1422 = arith.cmpi slt, %sub3A_1413, %lt3A_1421 : vector<16xi32>
    %and3A_1423 = arith.andi %and3A_1419, %lt3A_1422 : vector<16xi1>
    %broadcast_in_dim3A_1424 = vector.broadcast %add3A_1241 : i32 to vector<16xi32>
    %select_n3A_1425 = arith.select %and3A_1423, %sub3A_1413, %broadcast_in_dim3A_1424 : vector<16xi1>, vector<16xi32>
    %swap3A_1426 = arith.constant 4 : i32
    %swap3A_1427 = arith.index_cast %swap3A_1426 : i32 to index
    %swap3A_1428 = arith.constant 64 : index
    %swap3A_1429 = tpu.vector_load %arg9[%swap3A_1427, %swap3A_1428] {strides = array<i32>} : memref<5x128xi32, #tpu.memory_space<vmem>>, vector<1x16xi32>,
    %swap3A_1430 = vector.shape_cast %swap3A_1429 : vector<1x16xi32> to vector<16xi32>
    %swap3A_1431 = vector.shape_cast %select_n3A_1425 : vector<16xi32> to vector<1x16xi32>
    tpu.vector_store %arg9[%swap3A_1427, %swap3A_1428], %swap3A_1431 {strides = array<i32>} : memref<5x128xi32, #tpu.memory_space<vmem>>, vector<1x16xi32>,
    %add3A_1432 = arith.constant 592 : i32
    %add3A_1433 = arith.addi %min3A_1, %add3A_1432 : i32
    %iota3A_1434 = tpu.iota {dimensions = array<i32: 0>} : vector<16xi32>
    %add3A_1435 = vector.broadcast %add3A_1433 : i32 to vector<16xi32>
    %add3A_1436 = arith.addi %add3A_1435, %iota3A_1434 : vector<16xi32>
    %get3A_1437 = arith.constant 592 : index
    %get3A_1438 = tpu.vector_load %arg7[%get3A_1437] {strides = array<i32>} : memref<640xi32, #tpu.memory_space<vmem>>, vector<16xi32>,
    %get3A_1439 = vector.shape_cast %get3A_1438 : vector<16xi32> to vector<16xi32>
    %get3A_1440 = arith.constant 592 : index
    %get3A_1441 = tpu.vector_load %arg8[%get3A_1440] {strides = array<i32>} : memref<640xi32, #tpu.memory_space<vmem>>, vector<16xi32>,
    %get3A_1442 = vector.shape_cast %get3A_1441 : vector<16xi32> to vector<16xi32>
    %mul3A_1443 = arith.constant 100 : i32
    %mul3A_1444 = vector.broadcast %mul3A_1443 : i32 to vector<16xi32>
    %mul3A_1445 = arith.muli %get3A_1442, %mul3A_1444 : vector<16xi32>
    %add3A_1446 = arith.addi %mul3A_1445, %get3A_1439 : vector<16xi32>
    %sub3A_1447 = arith.constant 1 : i32
    %sub3A_1448 = vector.broadcast %sub3A_1447 : i32 to vector<16xi32>
    %sub3A_1449 = arith.subi %add3A_1446, %sub3A_1448 : vector<16xi32>
    %sub3A_1450 = vector.broadcast %mul3A_5 : i32 to vector<16xi32>
    %sub3A_1451 = arith.subi %sub3A_1449, %sub3A_1450 : vector<16xi32>
    %ge3A_1452 = vector.broadcast %mul3A_3 : i32 to vector<16xi32>
    %ge3A_1453 = arith.cmpi sge, %add3A_1436, %ge3A_1452 : vector<16xi32>
    %ge3A_1454 = arith.constant 0 : i32
    %ge3A_1455 = vector.broadcast %ge3A_1454 : i32 to vector<16xi32>
    %ge3A_1456 = arith.cmpi sge, %sub3A_1451, %ge3A_1455 : vector<16xi32>
    %and3A_1457 = arith.andi %ge3A_1453, %ge3A_1456 : vector<16xi1>
    %lt3A_1458 = arith.constant 3200 : i32
    %lt3A_1459 = vector.broadcast %lt3A_1458 : i32 to vector<16xi32>
    %lt3A_1460 = arith.cmpi slt, %sub3A_1451, %lt3A_1459 : vector<16xi32>
    %and3A_1461 = arith.andi %and3A_1457, %lt3A_1460 : vector<16xi1>
    %broadcast_in_dim3A_1462 = vector.broadcast %add3A_1241 : i32 to vector<16xi32>
    %select_n3A_1463 = arith.select %and3A_1461, %sub3A_1451, %broadcast_in_dim3A_1462 : vector<16xi1>, vector<16xi32>
    %swap3A_1464 = arith.constant 4 : i32
    %swap3A_1465 = arith.index_cast %swap3A_1464 : i32 to index
    %swap3A_1466 = arith.constant 80 : index
    %swap3A_1467 = tpu.vector_load %arg9[%swap3A_1465, %swap3A_1466] {strides = array<i32>} : memref<5x128xi32, #tpu.memory_space<vmem>>, vector<1x16xi32>,
    %swap3A_1468 = vector.shape_cast %swap3A_1467 : vector<1x16xi32> to vector<16xi32>
    %swap3A_1469 = vector.shape_cast %select_n3A_1463 : vector<16xi32> to vector<1x16xi32>
    tpu.vector_store %arg9[%swap3A_1465, %swap3A_1466], %swap3A_1469 {strides = array<i32>} : memref<5x128xi32, #tpu.memory_space<vmem>>, vector<1x16xi32>,
    %add3A_1470 = arith.constant 608 : i32
    %add3A_1471 = arith.addi %min3A_1, %add3A_1470 : i32
    %iota3A_1472 = tpu.iota {dimensions = array<i32: 0>} : vector<16xi32>
    %add3A_1473 = vector.broadcast %add3A_1471 : i32 to vector<16xi32>
    %add3A_1474 = arith.addi %add3A_1473, %iota3A_1472 : vector<16xi32>
    %get3A_1475 = arith.constant 608 : index
    %get3A_1476 = tpu.vector_load %arg7[%get3A_1475] {strides = array<i32>} : memref<640xi32, #tpu.memory_space<vmem>>, vector<16xi32>,
    %get3A_1477 = vector.shape_cast %get3A_1476 : vector<16xi32> to vector<16xi32>
    %get3A_1478 = arith.constant 608 : index
    %get3A_1479 = tpu.vector_load %arg8[%get3A_1478] {strides = array<i32>} : memref<640xi32, #tpu.memory_space<vmem>>, vector<16xi32>,
    %get3A_1480 = vector.shape_cast %get3A_1479 : vector<16xi32> to vector<16xi32>
    %mul3A_1481 = arith.constant 100 : i32
    %mul3A_1482 = vector.broadcast %mul3A_1481 : i32 to vector<16xi32>
    %mul3A_1483 = arith.muli %get3A_1480, %mul3A_1482 : vector<16xi32>
    %add3A_1484 = arith.addi %mul3A_1483, %get3A_1477 : vector<16xi32>
    %sub3A_1485 = arith.constant 1 : i32
    %sub3A_1486 = vector.broadcast %sub3A_1485 : i32 to vector<16xi32>
    %sub3A_1487 = arith.subi %add3A_1484, %sub3A_1486 : vector<16xi32>
    %sub3A_1488 = vector.broadcast %mul3A_5 : i32 to vector<16xi32>
    %sub3A_1489 = arith.subi %sub3A_1487, %sub3A_1488 : vector<16xi32>
    %ge3A_1490 = vector.broadcast %mul3A_3 : i32 to vector<16xi32>
    %ge3A_1491 = arith.cmpi sge, %add3A_1474, %ge3A_1490 : vector<16xi32>
    %ge3A_1492 = arith.constant 0 : i32
    %ge3A_1493 = vector.broadcast %ge3A_1492 : i32 to vector<16xi32>
    %ge3A_1494 = arith.cmpi sge, %sub3A_1489, %ge3A_1493 : vector<16xi32>
    %and3A_1495 = arith.andi %ge3A_1491, %ge3A_1494 : vector<16xi1>
    %lt3A_1496 = arith.constant 3200 : i32
    %lt3A_1497 = vector.broadcast %lt3A_1496 : i32 to vector<16xi32>
    %lt3A_1498 = arith.cmpi slt, %sub3A_1489, %lt3A_1497 : vector<16xi32>
    %and3A_1499 = arith.andi %and3A_1495, %lt3A_1498 : vector<16xi1>
    %broadcast_in_dim3A_1500 = vector.broadcast %add3A_1241 : i32 to vector<16xi32>
    %select_n3A_1501 = arith.select %and3A_1499, %sub3A_1489, %broadcast_in_dim3A_1500 : vector<16xi1>, vector<16xi32>
    %swap3A_1502 = arith.constant 4 : i32
    %swap3A_1503 = arith.index_cast %swap3A_1502 : i32 to index
    %swap3A_1504 = arith.constant 96 : index
    %swap3A_1505 = tpu.vector_load %arg9[%swap3A_1503, %swap3A_1504] {strides = array<i32>} : memref<5x128xi32, #tpu.memory_space<vmem>>, vector<1x16xi32>,
    %swap3A_1506 = vector.shape_cast %swap3A_1505 : vector<1x16xi32> to vector<16xi32>
    %swap3A_1507 = vector.shape_cast %select_n3A_1501 : vector<16xi32> to vector<1x16xi32>
    tpu.vector_store %arg9[%swap3A_1503, %swap3A_1504], %swap3A_1507 {strides = array<i32>} : memref<5x128xi32, #tpu.memory_space<vmem>>, vector<1x16xi32>,
    %add3A_1508 = arith.constant 624 : i32
    %add3A_1509 = arith.addi %min3A_1, %add3A_1508 : i32
    %iota3A_1510 = tpu.iota {dimensions = array<i32: 0>} : vector<16xi32>
    %add3A_1511 = vector.broadcast %add3A_1509 : i32 to vector<16xi32>
    %add3A_1512 = arith.addi %add3A_1511, %iota3A_1510 : vector<16xi32>
    %get3A_1513 = arith.constant 624 : index
    %get3A_1514 = tpu.vector_load %arg7[%get3A_1513] {strides = array<i32>} : memref<640xi32, #tpu.memory_space<vmem>>, vector<16xi32>,
    %get3A_1515 = vector.shape_cast %get3A_1514 : vector<16xi32> to vector<16xi32>
    %get3A_1516 = arith.constant 624 : index
    %get3A_1517 = tpu.vector_load %arg8[%get3A_1516] {strides = array<i32>} : memref<640xi32, #tpu.memory_space<vmem>>, vector<16xi32>,
    %get3A_1518 = vector.shape_cast %get3A_1517 : vector<16xi32> to vector<16xi32>
    %mul3A_1519 = arith.constant 100 : i32
    %mul3A_1520 = vector.broadcast %mul3A_1519 : i32 to vector<16xi32>
    %mul3A_1521 = arith.muli %get3A_1518, %mul3A_1520 : vector<16xi32>
    %add3A_1522 = arith.addi %mul3A_1521, %get3A_1515 : vector<16xi32>
    %sub3A_1523 = arith.constant 1 : i32
    %sub3A_1524 = vector.broadcast %sub3A_1523 : i32 to vector<16xi32>
    %sub3A_1525 = arith.subi %add3A_1522, %sub3A_1524 : vector<16xi32>
    %sub3A_1526 = vector.broadcast %mul3A_5 : i32 to vector<16xi32>
    %sub3A_1527 = arith.subi %sub3A_1525, %sub3A_1526 : vector<16xi32>
    %ge3A_1528 = vector.broadcast %mul3A_3 : i32 to vector<16xi32>
    %ge3A_1529 = arith.cmpi sge, %add3A_1512, %ge3A_1528 : vector<16xi32>
    %ge3A_1530 = arith.constant 0 : i32
    %ge3A_1531 = vector.broadcast %ge3A_1530 : i32 to vector<16xi32>
    %ge3A_1532 = arith.cmpi sge, %sub3A_1527, %ge3A_1531 : vector<16xi32>
    %and3A_1533 = arith.andi %ge3A_1529, %ge3A_1532 : vector<16xi1>
    %lt3A_1534 = arith.constant 3200 : i32
    %lt3A_1535 = vector.broadcast %lt3A_1534 : i32 to vector<16xi32>
    %lt3A_1536 = arith.cmpi slt, %sub3A_1527, %lt3A_1535 : vector<16xi32>
    %and3A_1537 = arith.andi %and3A_1533, %lt3A_1536 : vector<16xi1>
    %broadcast_in_dim3A_1538 = vector.broadcast %add3A_1241 : i32 to vector<16xi32>
    %select_n3A_1539 = arith.select %and3A_1537, %sub3A_1527, %broadcast_in_dim3A_1538 : vector<16xi1>, vector<16xi32>
    %swap3A_1540 = arith.constant 4 : i32
    %swap3A_1541 = arith.index_cast %swap3A_1540 : i32 to index
    %swap3A_1542 = arith.constant 112 : index
    %swap3A_1543 = tpu.vector_load %arg9[%swap3A_1541, %swap3A_1542] {strides = array<i32>} : memref<5x128xi32, #tpu.memory_space<vmem>>, vector<1x16xi32>,
    %swap3A_1544 = vector.shape_cast %swap3A_1543 : vector<1x16xi32> to vector<16xi32>
    %swap3A_1545 = vector.shape_cast %select_n3A_1539 : vector<16xi32> to vector<1x16xi32>
    tpu.vector_store %arg9[%swap3A_1541, %swap3A_1542], %swap3A_1545 {strides = array<i32>} : memref<5x128xi32, #tpu.memory_space<vmem>>, vector<1x16xi32>,
    %add3A_1546 = arith.constant 0 : i32
    %add3A_1547 = arith.addi %min3A_1, %add3A_1546 : i32
    %add3A_1548 = arith.constant 128 : i32
    %add3A_1549 = arith.addi %min3A_1, %add3A_1548 : i32
    %add3A_1550 = arith.constant 256 : i32
    %add3A_1551 = arith.addi %min3A_1, %add3A_1550 : i32
    %add3A_1552 = arith.constant 384 : i32
    %add3A_1553 = arith.addi %min3A_1, %add3A_1552 : i32
    %add3A_1554 = arith.constant 512 : i32
    %add3A_1555 = arith.addi %min3A_1, %add3A_1554 : i32
    %dma_start3A = arith.constant 0 : i32
    %dma_start3A_1556 = arith.constant 0 : i32
    %dma_start3A_1557 = tpu.memref_slice %arg6[%dma_start3A, %dma_start3A_1556] : memref<640x128xf32, #tpu.memory_space<vmem>> -> memref<128x128xf32, #tpu.memory_space<vmem>>
    %dma_start3A_1558 = arith.constant 0 : i32
    %dma_start3A_1559 = tpu.memref_slice %arg2[%add3A_1547, %dma_start3A_1558] : memref<10000x128xf32, #tpu.memory_space<hbm>> -> memref<128x128xf32, #tpu.memory_space<hbm>>
    %dma_start3A_1560 = arith.constant 0 : i32
    %dma_start3A_1561 = arith.constant 0 : i32
    %dma_start3A_1562 = tpu.memref_slice %arg6[%dma_start3A_1560, %dma_start3A_1561] : memref<640x128xf32, #tpu.memory_space<vmem>> -> memref<128x128xf32, #tpu.memory_space<vmem>>
    %dma_start3A_1563 = arith.constant 0 : i32
    %dma_start3A_1564 = tpu.memref_slice %arg2[%add3A_1547, %dma_start3A_1563] : memref<10000x128xf32, #tpu.memory_space<hbm>> -> memref<128x128xf32, #tpu.memory_space<hbm>>
    tpu.enqueue_dma source(%dma_start3A_1564 : memref<128x128xf32, #tpu.memory_space<hbm>>) target(%dma_start3A_1562 : memref<128x128xf32, #tpu.memory_space<vmem>>) target_semaphore(%arg12 : memref<!tpu.dma_semaphore, #tpu.memory_space<semaphore_mem>>)
    %dma_start3A_1565 = arith.constant 128 : i32
    %dma_start3A_1566 = arith.constant 0 : i32
    %dma_start3A_1567 = tpu.memref_slice %arg6[%dma_start3A_1565, %dma_start3A_1566] : memref<640x128xf32, #tpu.memory_space<vmem>> -> memref<128x128xf32, #tpu.memory_space<vmem>>
    %dma_start3A_1568 = arith.constant 0 : i32
    %dma_start3A_1569 = tpu.memref_slice %arg2[%add3A_1549, %dma_start3A_1568] : memref<10000x128xf32, #tpu.memory_space<hbm>> -> memref<128x128xf32, #tpu.memory_space<hbm>>
    %dma_start3A_1570 = arith.constant 128 : i32
    %dma_start3A_1571 = arith.constant 0 : i32
    %dma_start3A_1572 = tpu.memref_slice %arg6[%dma_start3A_1570, %dma_start3A_1571] : memref<640x128xf32, #tpu.memory_space<vmem>> -> memref<128x128xf32, #tpu.memory_space<vmem>>
    %dma_start3A_1573 = arith.constant 0 : i32
    %dma_start3A_1574 = tpu.memref_slice %arg2[%add3A_1549, %dma_start3A_1573] : memref<10000x128xf32, #tpu.memory_space<hbm>> -> memref<128x128xf32, #tpu.memory_space<hbm>>
    tpu.enqueue_dma source(%dma_start3A_1574 : memref<128x128xf32, #tpu.memory_space<hbm>>) target(%dma_start3A_1572 : memref<128x128xf32, #tpu.memory_space<vmem>>) target_semaphore(%arg12 : memref<!tpu.dma_semaphore, #tpu.memory_space<semaphore_mem>>)
    %dma_start3A_1575 = arith.constant 256 : i32
    %dma_start3A_1576 = arith.constant 0 : i32
    %dma_start3A_1577 = tpu.memref_slice %arg6[%dma_start3A_1575, %dma_start3A_1576] : memref<640x128xf32, #tpu.memory_space<vmem>> -> memref<128x128xf32, #tpu.memory_space<vmem>>
    %dma_start3A_1578 = arith.constant 0 : i32
    %dma_start3A_1579 = tpu.memref_slice %arg2[%add3A_1551, %dma_start3A_1578] : memref<10000x128xf32, #tpu.memory_space<hbm>> -> memref<128x128xf32, #tpu.memory_space<hbm>>
    %dma_start3A_1580 = arith.constant 256 : i32
    %dma_start3A_1581 = arith.constant 0 : i32
    %dma_start3A_1582 = tpu.memref_slice %arg6[%dma_start3A_1580, %dma_start3A_1581] : memref<640x128xf32, #tpu.memory_space<vmem>> -> memref<128x128xf32, #tpu.memory_space<vmem>>
    %dma_start3A_1583 = arith.constant 0 : i32
    %dma_start3A_1584 = tpu.memref_slice %arg2[%add3A_1551, %dma_start3A_1583] : memref<10000x128xf32, #tpu.memory_space<hbm>> -> memref<128x128xf32, #tpu.memory_space<hbm>>
    tpu.enqueue_dma source(%dma_start3A_1584 : memref<128x128xf32, #tpu.memory_space<hbm>>) target(%dma_start3A_1582 : memref<128x128xf32, #tpu.memory_space<vmem>>) target_semaphore(%arg12 : memref<!tpu.dma_semaphore, #tpu.memory_space<semaphore_mem>>)
    %dma_start3A_1585 = arith.constant 384 : i32
    %dma_start3A_1586 = arith.constant 0 : i32
    %dma_start3A_1587 = tpu.memref_slice %arg6[%dma_start3A_1585, %dma_start3A_1586] : memref<640x128xf32, #tpu.memory_space<vmem>> -> memref<128x128xf32, #tpu.memory_space<vmem>>
    %dma_start3A_1588 = arith.constant 0 : i32
    %dma_start3A_1589 = tpu.memref_slice %arg2[%add3A_1553, %dma_start3A_1588] : memref<10000x128xf32, #tpu.memory_space<hbm>> -> memref<128x128xf32, #tpu.memory_space<hbm>>
    %dma_start3A_1590 = arith.constant 384 : i32
    %dma_start3A_1591 = arith.constant 0 : i32
    %dma_start3A_1592 = tpu.memref_slice %arg6[%dma_start3A_1590, %dma_start3A_1591] : memref<640x128xf32, #tpu.memory_space<vmem>> -> memref<128x128xf32, #tpu.memory_space<vmem>>
    %dma_start3A_1593 = arith.constant 0 : i32
    %dma_start3A_1594 = tpu.memref_slice %arg2[%add3A_1553, %dma_start3A_1593] : memref<10000x128xf32, #tpu.memory_space<hbm>> -> memref<128x128xf32, #tpu.memory_space<hbm>>
    tpu.enqueue_dma source(%dma_start3A_1594 : memref<128x128xf32, #tpu.memory_space<hbm>>) target(%dma_start3A_1592 : memref<128x128xf32, #tpu.memory_space<vmem>>) target_semaphore(%arg12 : memref<!tpu.dma_semaphore, #tpu.memory_space<semaphore_mem>>)
    %dma_start3A_1595 = arith.constant 512 : i32
    %dma_start3A_1596 = arith.constant 0 : i32
    %dma_start3A_1597 = tpu.memref_slice %arg6[%dma_start3A_1595, %dma_start3A_1596] : memref<640x128xf32, #tpu.memory_space<vmem>> -> memref<128x128xf32, #tpu.memory_space<vmem>>
    %dma_start3A_1598 = arith.constant 0 : i32
    %dma_start3A_1599 = tpu.memref_slice %arg2[%add3A_1555, %dma_start3A_1598] : memref<10000x128xf32, #tpu.memory_space<hbm>> -> memref<128x128xf32, #tpu.memory_space<hbm>>
    %dma_start3A_1600 = arith.constant 512 : i32
    %dma_start3A_1601 = arith.constant 0 : i32
    %dma_start3A_1602 = tpu.memref_slice %arg6[%dma_start3A_1600, %dma_start3A_1601] : memref<640x128xf32, #tpu.memory_space<vmem>> -> memref<128x128xf32, #tpu.memory_space<vmem>>
    %dma_start3A_1603 = arith.constant 0 : i32
    %dma_start3A_1604 = tpu.memref_slice %arg2[%add3A_1555, %dma_start3A_1603] : memref<10000x128xf32, #tpu.memory_space<hbm>> -> memref<128x128xf32, #tpu.memory_space<hbm>>
    tpu.enqueue_dma source(%dma_start3A_1604 : memref<128x128xf32, #tpu.memory_space<hbm>>) target(%dma_start3A_1602 : memref<128x128xf32, #tpu.memory_space<vmem>>) target_semaphore(%arg12 : memref<!tpu.dma_semaphore, #tpu.memory_space<semaphore_mem>>)
    %broadcast_in_dim3A_1605 = arith.constant 0.000000e+00 : f32
    %broadcast_in_dim3A_1606 = vector.broadcast %broadcast_in_dim3A_1605 : f32 to vector<16xf32>
    %swap3A_1607 = arith.constant 0 : i32
    %swap3A_1608 = arith.index_cast %swap3A_1607 : i32 to index
    %swap3A_1609 = arith.constant 0 : index
    %swap3A_1610 = tpu.vector_load %arg10[%swap3A_1608, %swap3A_1609] {strides = array<i32>} : memref<16x128xf32, #tpu.memory_space<vmem>>, vector<1x16xf32>,
    %swap3A_1611 = vector.shape_cast %swap3A_1610 : vector<1x16xf32> to vector<16xf32>
    %swap3A_1612 = vector.shape_cast %broadcast_in_dim3A_1606 : vector<16xf32> to vector<1x16xf32>
    tpu.vector_store %arg10[%swap3A_1608, %swap3A_1609], %swap3A_1612 {strides = array<i32>} : memref<16x128xf32, #tpu.memory_space<vmem>>, vector<1x16xf32>,
    %swap3A_1613 = arith.constant 0 : i32
    %swap3A_1614 = arith.index_cast %swap3A_1613 : i32 to index
    %swap3A_1615 = arith.constant 16 : index
    %swap3A_1616 = tpu.vector_load %arg10[%swap3A_1614, %swap3A_1615] {strides = array<i32>} : memref<16x128xf32, #tpu.memory_space<vmem>>, vector<1x16xf32>,
    %swap3A_1617 = vector.shape_cast %swap3A_1616 : vector<1x16xf32> to vector<16xf32>
    %swap3A_1618 = vector.shape_cast %broadcast_in_dim3A_1606 : vector<16xf32> to vector<1x16xf32>
    tpu.vector_store %arg10[%swap3A_1614, %swap3A_1615], %swap3A_1618 {strides = array<i32>} : memref<16x128xf32, #tpu.memory_space<vmem>>, vector<1x16xf32>,
    %swap3A_1619 = arith.constant 0 : i32
    %swap3A_1620 = arith.index_cast %swap3A_1619 : i32 to index
    %swap3A_1621 = arith.constant 32 : index
    %swap3A_1622 = tpu.vector_load %arg10[%swap3A_1620, %swap3A_1621] {strides = array<i32>} : memref<16x128xf32, #tpu.memory_space<vmem>>, vector<1x16xf32>,
    %swap3A_1623 = vector.shape_cast %swap3A_1622 : vector<1x16xf32> to vector<16xf32>
    %swap3A_1624 = vector.shape_cast %broadcast_in_dim3A_1606 : vector<16xf32> to vector<1x16xf32>
    tpu.vector_store %arg10[%swap3A_1620, %swap3A_1621], %swap3A_1624 {strides = array<i32>} : memref<16x128xf32, #tpu.memory_space<vmem>>, vector<1x16xf32>,
    %swap3A_1625 = arith.constant 0 : i32
    %swap3A_1626 = arith.index_cast %swap3A_1625 : i32 to index
    %swap3A_1627 = arith.constant 48 : index
    %swap3A_1628 = tpu.vector_load %arg10[%swap3A_1626, %swap3A_1627] {strides = array<i32>} : memref<16x128xf32, #tpu.memory_space<vmem>>, vector<1x16xf32>,
    %swap3A_1629 = vector.shape_cast %swap3A_1628 : vector<1x16xf32> to vector<16xf32>
    %swap3A_1630 = vector.shape_cast %broadcast_in_dim3A_1606 : vector<16xf32> to vector<1x16xf32>
    tpu.vector_store %arg10[%swap3A_1626, %swap3A_1627], %swap3A_1630 {strides = array<i32>} : memref<16x128xf32, #tpu.memory_space<vmem>>, vector<1x16xf32>,
    %swap3A_1631 = arith.constant 0 : i32
    %swap3A_1632 = arith.index_cast %swap3A_1631 : i32 to index
    %swap3A_1633 = arith.constant 64 : index
    %swap3A_1634 = tpu.vector_load %arg10[%swap3A_1632, %swap3A_1633] {strides = array<i32>} : memref<16x128xf32, #tpu.memory_space<vmem>>, vector<1x16xf32>,
    %swap3A_1635 = vector.shape_cast %swap3A_1634 : vector<1x16xf32> to vector<16xf32>
    %swap3A_1636 = vector.shape_cast %broadcast_in_dim3A_1606 : vector<16xf32> to vector<1x16xf32>
    tpu.vector_store %arg10[%swap3A_1632, %swap3A_1633], %swap3A_1636 {strides = array<i32>} : memref<16x128xf32, #tpu.memory_space<vmem>>, vector<1x16xf32>,
    %swap3A_1637 = arith.constant 0 : i32
    %swap3A_1638 = arith.index_cast %swap3A_1637 : i32 to index
    %swap3A_1639 = arith.constant 80 : index
    %swap3A_1640 = tpu.vector_load %arg10[%swap3A_1638, %swap3A_1639] {strides = array<i32>} : memref<16x128xf32, #tpu.memory_space<vmem>>, vector<1x16xf32>,
    %swap3A_1641 = vector.shape_cast %swap3A_1640 : vector<1x16xf32> to vector<16xf32>
    %swap3A_1642 = vector.shape_cast %broadcast_in_dim3A_1606 : vector<16xf32> to vector<1x16xf32>
    tpu.vector_store %arg10[%swap3A_1638, %swap3A_1639], %swap3A_1642 {strides = array<i32>} : memref<16x128xf32, #tpu.memory_space<vmem>>, vector<1x16xf32>,
    %swap3A_1643 = arith.constant 0 : i32
    %swap3A_1644 = arith.index_cast %swap3A_1643 : i32 to index
    %swap3A_1645 = arith.constant 96 : index
    %swap3A_1646 = tpu.vector_load %arg10[%swap3A_1644, %swap3A_1645] {strides = array<i32>} : memref<16x128xf32, #tpu.memory_space<vmem>>, vector<1x16xf32>,
    %swap3A_1647 = vector.shape_cast %swap3A_1646 : vector<1x16xf32> to vector<16xf32>
    %swap3A_1648 = vector.shape_cast %broadcast_in_dim3A_1606 : vector<16xf32> to vector<1x16xf32>
    tpu.vector_store %arg10[%swap3A_1644, %swap3A_1645], %swap3A_1648 {strides = array<i32>} : memref<16x128xf32, #tpu.memory_space<vmem>>, vector<1x16xf32>,
    %swap3A_1649 = arith.constant 0 : i32
    %swap3A_1650 = arith.index_cast %swap3A_1649 : i32 to index
    %swap3A_1651 = arith.constant 112 : index
    %swap3A_1652 = tpu.vector_load %arg10[%swap3A_1650, %swap3A_1651] {strides = array<i32>} : memref<16x128xf32, #tpu.memory_space<vmem>>, vector<1x16xf32>,
    %swap3A_1653 = vector.shape_cast %swap3A_1652 : vector<1x16xf32> to vector<16xf32>
    %swap3A_1654 = vector.shape_cast %broadcast_in_dim3A_1606 : vector<16xf32> to vector<1x16xf32>
    tpu.vector_store %arg10[%swap3A_1650, %swap3A_1651], %swap3A_1654 {strides = array<i32>} : memref<16x128xf32, #tpu.memory_space<vmem>>, vector<1x16xf32>,
    %swap3A_1655 = arith.constant 1 : i32
    %swap3A_1656 = arith.index_cast %swap3A_1655 : i32 to index
    %swap3A_1657 = arith.constant 0 : index
    %swap3A_1658 = tpu.vector_load %arg10[%swap3A_1656, %swap3A_1657] {strides = array<i32>} : memref<16x128xf32, #tpu.memory_space<vmem>>, vector<1x16xf32>,
    %swap3A_1659 = vector.shape_cast %swap3A_1658 : vector<1x16xf32> to vector<16xf32>
    %swap3A_1660 = vector.shape_cast %broadcast_in_dim3A_1606 : vector<16xf32> to vector<1x16xf32>
    tpu.vector_store %arg10[%swap3A_1656, %swap3A_1657], %swap3A_1660 {strides = array<i32>} : memref<16x128xf32, #tpu.memory_space<vmem>>, vector<1x16xf32>,
    %swap3A_1661 = arith.constant 1 : i32
    %swap3A_1662 = arith.index_cast %swap3A_1661 : i32 to index
    %swap3A_1663 = arith.constant 16 : index
    %swap3A_1664 = tpu.vector_load %arg10[%swap3A_1662, %swap3A_1663] {strides = array<i32>} : memref<16x128xf32, #tpu.memory_space<vmem>>, vector<1x16xf32>,
    %swap3A_1665 = vector.shape_cast %swap3A_1664 : vector<1x16xf32> to vector<16xf32>
    %swap3A_1666 = vector.shape_cast %broadcast_in_dim3A_1606 : vector<16xf32> to vector<1x16xf32>
    tpu.vector_store %arg10[%swap3A_1662, %swap3A_1663], %swap3A_1666 {strides = array<i32>} : memref<16x128xf32, #tpu.memory_space<vmem>>, vector<1x16xf32>,
    %swap3A_1667 = arith.constant 1 : i32
    %swap3A_1668 = arith.index_cast %swap3A_1667 : i32 to index
    %swap3A_1669 = arith.constant 32 : index
    %swap3A_1670 = tpu.vector_load %arg10[%swap3A_1668, %swap3A_1669] {strides = array<i32>} : memref<16x128xf32, #tpu.memory_space<vmem>>, vector<1x16xf32>,
    %swap3A_1671 = vector.shape_cast %swap3A_1670 : vector<1x16xf32> to vector<16xf32>
    %swap3A_1672 = vector.shape_cast %broadcast_in_dim3A_1606 : vector<16xf32> to vector<1x16xf32>
    tpu.vector_store %arg10[%swap3A_1668, %swap3A_1669], %swap3A_1672 {strides = array<i32>} : memref<16x128xf32, #tpu.memory_space<vmem>>, vector<1x16xf32>,
    %swap3A_1673 = arith.constant 1 : i32
    %swap3A_1674 = arith.index_cast %swap3A_1673 : i32 to index
    %swap3A_1675 = arith.constant 48 : index
    %swap3A_1676 = tpu.vector_load %arg10[%swap3A_1674, %swap3A_1675] {strides = array<i32>} : memref<16x128xf32, #tpu.memory_space<vmem>>, vector<1x16xf32>,
    %swap3A_1677 = vector.shape_cast %swap3A_1676 : vector<1x16xf32> to vector<16xf32>
    %swap3A_1678 = vector.shape_cast %broadcast_in_dim3A_1606 : vector<16xf32> to vector<1x16xf32>
    tpu.vector_store %arg10[%swap3A_1674, %swap3A_1675], %swap3A_1678 {strides = array<i32>} : memref<16x128xf32, #tpu.memory_space<vmem>>, vector<1x16xf32>,
    %swap3A_1679 = arith.constant 1 : i32
    %swap3A_1680 = arith.index_cast %swap3A_1679 : i32 to index
    %swap3A_1681 = arith.constant 64 : index
    %swap3A_1682 = tpu.vector_load %arg10[%swap3A_1680, %swap3A_1681] {strides = array<i32>} : memref<16x128xf32, #tpu.memory_space<vmem>>, vector<1x16xf32>,
    %swap3A_1683 = vector.shape_cast %swap3A_1682 : vector<1x16xf32> to vector<16xf32>
    %swap3A_1684 = vector.shape_cast %broadcast_in_dim3A_1606 : vector<16xf32> to vector<1x16xf32>
    tpu.vector_store %arg10[%swap3A_1680, %swap3A_1681], %swap3A_1684 {strides = array<i32>} : memref<16x128xf32, #tpu.memory_space<vmem>>, vector<1x16xf32>,
    %swap3A_1685 = arith.constant 1 : i32
    %swap3A_1686 = arith.index_cast %swap3A_1685 : i32 to index
    %swap3A_1687 = arith.constant 80 : index
    %swap3A_1688 = tpu.vector_load %arg10[%swap3A_1686, %swap3A_1687] {strides = array<i32>} : memref<16x128xf32, #tpu.memory_space<vmem>>, vector<1x16xf32>,
    %swap3A_1689 = vector.shape_cast %swap3A_1688 : vector<1x16xf32> to vector<16xf32>
    %swap3A_1690 = vector.shape_cast %broadcast_in_dim3A_1606 : vector<16xf32> to vector<1x16xf32>
    tpu.vector_store %arg10[%swap3A_1686, %swap3A_1687], %swap3A_1690 {strides = array<i32>} : memref<16x128xf32, #tpu.memory_space<vmem>>, vector<1x16xf32>,
    %swap3A_1691 = arith.constant 1 : i32
    %swap3A_1692 = arith.index_cast %swap3A_1691 : i32 to index
    %swap3A_1693 = arith.constant 96 : index
    %swap3A_1694 = tpu.vector_load %arg10[%swap3A_1692, %swap3A_1693] {strides = array<i32>} : memref<16x128xf32, #tpu.memory_space<vmem>>, vector<1x16xf32>,
    %swap3A_1695 = vector.shape_cast %swap3A_1694 : vector<1x16xf32> to vector<16xf32>
    %swap3A_1696 = vector.shape_cast %broadcast_in_dim3A_1606 : vector<16xf32> to vector<1x16xf32>
    tpu.vector_store %arg10[%swap3A_1692, %swap3A_1693], %swap3A_1696 {strides = array<i32>} : memref<16x128xf32, #tpu.memory_space<vmem>>, vector<1x16xf32>,
    %swap3A_1697 = arith.constant 1 : i32
    %swap3A_1698 = arith.index_cast %swap3A_1697 : i32 to index
    %swap3A_1699 = arith.constant 112 : index
    %swap3A_1700 = tpu.vector_load %arg10[%swap3A_1698, %swap3A_1699] {strides = array<i32>} : memref<16x128xf32, #tpu.memory_space<vmem>>, vector<1x16xf32>,
    %swap3A_1701 = vector.shape_cast %swap3A_1700 : vector<1x16xf32> to vector<16xf32>
    %swap3A_1702 = vector.shape_cast %broadcast_in_dim3A_1606 : vector<16xf32> to vector<1x16xf32>
    tpu.vector_store %arg10[%swap3A_1698, %swap3A_1699], %swap3A_1702 {strides = array<i32>} : memref<16x128xf32, #tpu.memory_space<vmem>>, vector<1x16xf32>,
    %swap3A_1703 = arith.constant 2 : i32
    %swap3A_1704 = arith.index_cast %swap3A_1703 : i32 to index
    %swap3A_1705 = arith.constant 0 : index
    %swap3A_1706 = tpu.vector_load %arg10[%swap3A_1704, %swap3A_1705] {strides = array<i32>} : memref<16x128xf32, #tpu.memory_space<vmem>>, vector<1x16xf32>,
    %swap3A_1707 = vector.shape_cast %swap3A_1706 : vector<1x16xf32> to vector<16xf32>
    %swap3A_1708 = vector.shape_cast %broadcast_in_dim3A_1606 : vector<16xf32> to vector<1x16xf32>
    tpu.vector_store %arg10[%swap3A_1704, %swap3A_1705], %swap3A_1708 {strides = array<i32>} : memref<16x128xf32, #tpu.memory_space<vmem>>, vector<1x16xf32>,
    %swap3A_1709 = arith.constant 2 : i32
    %swap3A_1710 = arith.index_cast %swap3A_1709 : i32 to index
    %swap3A_1711 = arith.constant 16 : index
    %swap3A_1712 = tpu.vector_load %arg10[%swap3A_1710, %swap3A_1711] {strides = array<i32>} : memref<16x128xf32, #tpu.memory_space<vmem>>, vector<1x16xf32>,
    %swap3A_1713 = vector.shape_cast %swap3A_1712 : vector<1x16xf32> to vector<16xf32>
    %swap3A_1714 = vector.shape_cast %broadcast_in_dim3A_1606 : vector<16xf32> to vector<1x16xf32>
    tpu.vector_store %arg10[%swap3A_1710, %swap3A_1711], %swap3A_1714 {strides = array<i32>} : memref<16x128xf32, #tpu.memory_space<vmem>>, vector<1x16xf32>,
    %swap3A_1715 = arith.constant 2 : i32
    %swap3A_1716 = arith.index_cast %swap3A_1715 : i32 to index
    %swap3A_1717 = arith.constant 32 : index
    %swap3A_1718 = tpu.vector_load %arg10[%swap3A_1716, %swap3A_1717] {strides = array<i32>} : memref<16x128xf32, #tpu.memory_space<vmem>>, vector<1x16xf32>,
    %swap3A_1719 = vector.shape_cast %swap3A_1718 : vector<1x16xf32> to vector<16xf32>
    %swap3A_1720 = vector.shape_cast %broadcast_in_dim3A_1606 : vector<16xf32> to vector<1x16xf32>
    tpu.vector_store %arg10[%swap3A_1716, %swap3A_1717], %swap3A_1720 {strides = array<i32>} : memref<16x128xf32, #tpu.memory_space<vmem>>, vector<1x16xf32>,
    %swap3A_1721 = arith.constant 2 : i32
    %swap3A_1722 = arith.index_cast %swap3A_1721 : i32 to index
    %swap3A_1723 = arith.constant 48 : index
    %swap3A_1724 = tpu.vector_load %arg10[%swap3A_1722, %swap3A_1723] {strides = array<i32>} : memref<16x128xf32, #tpu.memory_space<vmem>>, vector<1x16xf32>,
    %swap3A_1725 = vector.shape_cast %swap3A_1724 : vector<1x16xf32> to vector<16xf32>
    %swap3A_1726 = vector.shape_cast %broadcast_in_dim3A_1606 : vector<16xf32> to vector<1x16xf32>
    tpu.vector_store %arg10[%swap3A_1722, %swap3A_1723], %swap3A_1726 {strides = array<i32>} : memref<16x128xf32, #tpu.memory_space<vmem>>, vector<1x16xf32>,
    %swap3A_1727 = arith.constant 2 : i32
    %swap3A_1728 = arith.index_cast %swap3A_1727 : i32 to index
    %swap3A_1729 = arith.constant 64 : index
    %swap3A_1730 = tpu.vector_load %arg10[%swap3A_1728, %swap3A_1729] {strides = array<i32>} : memref<16x128xf32, #tpu.memory_space<vmem>>, vector<1x16xf32>,
    %swap3A_1731 = vector.shape_cast %swap3A_1730 : vector<1x16xf32> to vector<16xf32>
    %swap3A_1732 = vector.shape_cast %broadcast_in_dim3A_1606 : vector<16xf32> to vector<1x16xf32>
    tpu.vector_store %arg10[%swap3A_1728, %swap3A_1729], %swap3A_1732 {strides = array<i32>} : memref<16x128xf32, #tpu.memory_space<vmem>>, vector<1x16xf32>,
    %swap3A_1733 = arith.constant 2 : i32
    %swap3A_1734 = arith.index_cast %swap3A_1733 : i32 to index
    %swap3A_1735 = arith.constant 80 : index
    %swap3A_1736 = tpu.vector_load %arg10[%swap3A_1734, %swap3A_1735] {strides = array<i32>} : memref<16x128xf32, #tpu.memory_space<vmem>>, vector<1x16xf32>,
    %swap3A_1737 = vector.shape_cast %swap3A_1736 : vector<1x16xf32> to vector<16xf32>
    %swap3A_1738 = vector.shape_cast %broadcast_in_dim3A_1606 : vector<16xf32> to vector<1x16xf32>
    tpu.vector_store %arg10[%swap3A_1734, %swap3A_1735], %swap3A_1738 {strides = array<i32>} : memref<16x128xf32, #tpu.memory_space<vmem>>, vector<1x16xf32>,
    %swap3A_1739 = arith.constant 2 : i32
    %swap3A_1740 = arith.index_cast %swap3A_1739 : i32 to index
    %swap3A_1741 = arith.constant 96 : index
    %swap3A_1742 = tpu.vector_load %arg10[%swap3A_1740, %swap3A_1741] {strides = array<i32>} : memref<16x128xf32, #tpu.memory_space<vmem>>, vector<1x16xf32>,
    %swap3A_1743 = vector.shape_cast %swap3A_1742 : vector<1x16xf32> to vector<16xf32>
    %swap3A_1744 = vector.shape_cast %broadcast_in_dim3A_1606 : vector<16xf32> to vector<1x16xf32>
    tpu.vector_store %arg10[%swap3A_1740, %swap3A_1741], %swap3A_1744 {strides = array<i32>} : memref<16x128xf32, #tpu.memory_space<vmem>>, vector<1x16xf32>,
    %swap3A_1745 = arith.constant 2 : i32
    %swap3A_1746 = arith.index_cast %swap3A_1745 : i32 to index
    %swap3A_1747 = arith.constant 112 : index
    %swap3A_1748 = tpu.vector_load %arg10[%swap3A_1746, %swap3A_1747] {strides = array<i32>} : memref<16x128xf32, #tpu.memory_space<vmem>>, vector<1x16xf32>,
    %swap3A_1749 = vector.shape_cast %swap3A_1748 : vector<1x16xf32> to vector<16xf32>
    %swap3A_1750 = vector.shape_cast %broadcast_in_dim3A_1606 : vector<16xf32> to vector<1x16xf32>
    tpu.vector_store %arg10[%swap3A_1746, %swap3A_1747], %swap3A_1750 {strides = array<i32>} : memref<16x128xf32, #tpu.memory_space<vmem>>, vector<1x16xf32>,
    %swap3A_1751 = arith.constant 3 : i32
    %swap3A_1752 = arith.index_cast %swap3A_1751 : i32 to index
    %swap3A_1753 = arith.constant 0 : index
    %swap3A_1754 = tpu.vector_load %arg10[%swap3A_1752, %swap3A_1753] {strides = array<i32>} : memref<16x128xf32, #tpu.memory_space<vmem>>, vector<1x16xf32>,
    %swap3A_1755 = vector.shape_cast %swap3A_1754 : vector<1x16xf32> to vector<16xf32>
    %swap3A_1756 = vector.shape_cast %broadcast_in_dim3A_1606 : vector<16xf32> to vector<1x16xf32>
    tpu.vector_store %arg10[%swap3A_1752, %swap3A_1753], %swap3A_1756 {strides = array<i32>} : memref<16x128xf32, #tpu.memory_space<vmem>>, vector<1x16xf32>,
    %swap3A_1757 = arith.constant 3 : i32
    %swap3A_1758 = arith.index_cast %swap3A_1757 : i32 to index
    %swap3A_1759 = arith.constant 16 : index
    %swap3A_1760 = tpu.vector_load %arg10[%swap3A_1758, %swap3A_1759] {strides = array<i32>} : memref<16x128xf32, #tpu.memory_space<vmem>>, vector<1x16xf32>,
    %swap3A_1761 = vector.shape_cast %swap3A_1760 : vector<1x16xf32> to vector<16xf32>
    %swap3A_1762 = vector.shape_cast %broadcast_in_dim3A_1606 : vector<16xf32> to vector<1x16xf32>
    tpu.vector_store %arg10[%swap3A_1758, %swap3A_1759], %swap3A_1762 {strides = array<i32>} : memref<16x128xf32, #tpu.memory_space<vmem>>, vector<1x16xf32>,
    %swap3A_1763 = arith.constant 3 : i32
    %swap3A_1764 = arith.index_cast %swap3A_1763 : i32 to index
    %swap3A_1765 = arith.constant 32 : index
    %swap3A_1766 = tpu.vector_load %arg10[%swap3A_1764, %swap3A_1765] {strides = array<i32>} : memref<16x128xf32, #tpu.memory_space<vmem>>, vector<1x16xf32>,
    %swap3A_1767 = vector.shape_cast %swap3A_1766 : vector<1x16xf32> to vector<16xf32>
    %swap3A_1768 = vector.shape_cast %broadcast_in_dim3A_1606 : vector<16xf32> to vector<1x16xf32>
    tpu.vector_store %arg10[%swap3A_1764, %swap3A_1765], %swap3A_1768 {strides = array<i32>} : memref<16x128xf32, #tpu.memory_space<vmem>>, vector<1x16xf32>,
    %swap3A_1769 = arith.constant 3 : i32
    %swap3A_1770 = arith.index_cast %swap3A_1769 : i32 to index
    %swap3A_1771 = arith.constant 48 : index
    %swap3A_1772 = tpu.vector_load %arg10[%swap3A_1770, %swap3A_1771] {strides = array<i32>} : memref<16x128xf32, #tpu.memory_space<vmem>>, vector<1x16xf32>,
    %swap3A_1773 = vector.shape_cast %swap3A_1772 : vector<1x16xf32> to vector<16xf32>
    %swap3A_1774 = vector.shape_cast %broadcast_in_dim3A_1606 : vector<16xf32> to vector<1x16xf32>
    tpu.vector_store %arg10[%swap3A_1770, %swap3A_1771], %swap3A_1774 {strides = array<i32>} : memref<16x128xf32, #tpu.memory_space<vmem>>, vector<1x16xf32>,
    %swap3A_1775 = arith.constant 3 : i32
    %swap3A_1776 = arith.index_cast %swap3A_1775 : i32 to index
    %swap3A_1777 = arith.constant 64 : index
    %swap3A_1778 = tpu.vector_load %arg10[%swap3A_1776, %swap3A_1777] {strides = array<i32>} : memref<16x128xf32, #tpu.memory_space<vmem>>, vector<1x16xf32>,
    %swap3A_1779 = vector.shape_cast %swap3A_1778 : vector<1x16xf32> to vector<16xf32>
    %swap3A_1780 = vector.shape_cast %broadcast_in_dim3A_1606 : vector<16xf32> to vector<1x16xf32>
    tpu.vector_store %arg10[%swap3A_1776, %swap3A_1777], %swap3A_1780 {strides = array<i32>} : memref<16x128xf32, #tpu.memory_space<vmem>>, vector<1x16xf32>,
    %swap3A_1781 = arith.constant 3 : i32
    %swap3A_1782 = arith.index_cast %swap3A_1781 : i32 to index
    %swap3A_1783 = arith.constant 80 : index
    %swap3A_1784 = tpu.vector_load %arg10[%swap3A_1782, %swap3A_1783] {strides = array<i32>} : memref<16x128xf32, #tpu.memory_space<vmem>>, vector<1x16xf32>,
    %swap3A_1785 = vector.shape_cast %swap3A_1784 : vector<1x16xf32> to vector<16xf32>
    %swap3A_1786 = vector.shape_cast %broadcast_in_dim3A_1606 : vector<16xf32> to vector<1x16xf32>
    tpu.vector_store %arg10[%swap3A_1782, %swap3A_1783], %swap3A_1786 {strides = array<i32>} : memref<16x128xf32, #tpu.memory_space<vmem>>, vector<1x16xf32>,
    %swap3A_1787 = arith.constant 3 : i32
    %swap3A_1788 = arith.index_cast %swap3A_1787 : i32 to index
    %swap3A_1789 = arith.constant 96 : index
    %swap3A_1790 = tpu.vector_load %arg10[%swap3A_1788, %swap3A_1789] {strides = array<i32>} : memref<16x128xf32, #tpu.memory_space<vmem>>, vector<1x16xf32>,
    %swap3A_1791 = vector.shape_cast %swap3A_1790 : vector<1x16xf32> to vector<16xf32>
    %swap3A_1792 = vector.shape_cast %broadcast_in_dim3A_1606 : vector<16xf32> to vector<1x16xf32>
    tpu.vector_store %arg10[%swap3A_1788, %swap3A_1789], %swap3A_1792 {strides = array<i32>} : memref<16x128xf32, #tpu.memory_space<vmem>>, vector<1x16xf32>,
    %swap3A_1793 = arith.constant 3 : i32
    %swap3A_1794 = arith.index_cast %swap3A_1793 : i32 to index
    %swap3A_1795 = arith.constant 112 : index
    %swap3A_1796 = tpu.vector_load %arg10[%swap3A_1794, %swap3A_1795] {strides = array<i32>} : memref<16x128xf32, #tpu.memory_space<vmem>>, vector<1x16xf32>,
    %swap3A_1797 = vector.shape_cast %swap3A_1796 : vector<1x16xf32> to vector<16xf32>
    %swap3A_1798 = vector.shape_cast %broadcast_in_dim3A_1606 : vector<16xf32> to vector<1x16xf32>
    tpu.vector_store %arg10[%swap3A_1794, %swap3A_1795], %swap3A_1798 {strides = array<i32>} : memref<16x128xf32, #tpu.memory_space<vmem>>, vector<1x16xf32>,
    %swap3A_1799 = arith.constant 4 : i32
    %swap3A_1800 = arith.index_cast %swap3A_1799 : i32 to index
    %swap3A_1801 = arith.constant 0 : index
    %swap3A_1802 = tpu.vector_load %arg10[%swap3A_1800, %swap3A_1801] {strides = array<i32>} : memref<16x128xf32, #tpu.memory_space<vmem>>, vector<1x16xf32>,
    %swap3A_1803 = vector.shape_cast %swap3A_1802 : vector<1x16xf32> to vector<16xf32>
    %swap3A_1804 = vector.shape_cast %broadcast_in_dim3A_1606 : vector<16xf32> to vector<1x16xf32>
    tpu.vector_store %arg10[%swap3A_1800, %swap3A_1801], %swap3A_1804 {strides = array<i32>} : memref<16x128xf32, #tpu.memory_space<vmem>>, vector<1x16xf32>,
    %swap3A_1805 = arith.constant 4 : i32
    %swap3A_1806 = arith.index_cast %swap3A_1805 : i32 to index
    %swap3A_1807 = arith.constant 16 : index
    %swap3A_1808 = tpu.vector_load %arg10[%swap3A_1806, %swap3A_1807] {strides = array<i32>} : memref<16x128xf32, #tpu.memory_space<vmem>>, vector<1x16xf32>,
    %swap3A_1809 = vector.shape_cast %swap3A_1808 : vector<1x16xf32> to vector<16xf32>
    %swap3A_1810 = vector.shape_cast %broadcast_in_dim3A_1606 : vector<16xf32> to vector<1x16xf32>
    tpu.vector_store %arg10[%swap3A_1806, %swap3A_1807], %swap3A_1810 {strides = array<i32>} : memref<16x128xf32, #tpu.memory_space<vmem>>, vector<1x16xf32>,
    %swap3A_1811 = arith.constant 4 : i32
    %swap3A_1812 = arith.index_cast %swap3A_1811 : i32 to index
    %swap3A_1813 = arith.constant 32 : index
    %swap3A_1814 = tpu.vector_load %arg10[%swap3A_1812, %swap3A_1813] {strides = array<i32>} : memref<16x128xf32, #tpu.memory_space<vmem>>, vector<1x16xf32>,
    %swap3A_1815 = vector.shape_cast %swap3A_1814 : vector<1x16xf32> to vector<16xf32>
    %swap3A_1816 = vector.shape_cast %broadcast_in_dim3A_1606 : vector<16xf32> to vector<1x16xf32>
    tpu.vector_store %arg10[%swap3A_1812, %swap3A_1813], %swap3A_1816 {strides = array<i32>} : memref<16x128xf32, #tpu.memory_space<vmem>>, vector<1x16xf32>,
    %swap3A_1817 = arith.constant 4 : i32
    %swap3A_1818 = arith.index_cast %swap3A_1817 : i32 to index
    %swap3A_1819 = arith.constant 48 : index
    %swap3A_1820 = tpu.vector_load %arg10[%swap3A_1818, %swap3A_1819] {strides = array<i32>} : memref<16x128xf32, #tpu.memory_space<vmem>>, vector<1x16xf32>,
    %swap3A_1821 = vector.shape_cast %swap3A_1820 : vector<1x16xf32> to vector<16xf32>
    %swap3A_1822 = vector.shape_cast %broadcast_in_dim3A_1606 : vector<16xf32> to vector<1x16xf32>
    tpu.vector_store %arg10[%swap3A_1818, %swap3A_1819], %swap3A_1822 {strides = array<i32>} : memref<16x128xf32, #tpu.memory_space<vmem>>, vector<1x16xf32>,
    %swap3A_1823 = arith.constant 4 : i32
    %swap3A_1824 = arith.index_cast %swap3A_1823 : i32 to index
    %swap3A_1825 = arith.constant 64 : index
    %swap3A_1826 = tpu.vector_load %arg10[%swap3A_1824, %swap3A_1825] {strides = array<i32>} : memref<16x128xf32, #tpu.memory_space<vmem>>, vector<1x16xf32>,
    %swap3A_1827 = vector.shape_cast %swap3A_1826 : vector<1x16xf32> to vector<16xf32>
    %swap3A_1828 = vector.shape_cast %broadcast_in_dim3A_1606 : vector<16xf32> to vector<1x16xf32>
    tpu.vector_store %arg10[%swap3A_1824, %swap3A_1825], %swap3A_1828 {strides = array<i32>} : memref<16x128xf32, #tpu.memory_space<vmem>>, vector<1x16xf32>,
    %swap3A_1829 = arith.constant 4 : i32
    %swap3A_1830 = arith.index_cast %swap3A_1829 : i32 to index
    %swap3A_1831 = arith.constant 80 : index
    %swap3A_1832 = tpu.vector_load %arg10[%swap3A_1830, %swap3A_1831] {strides = array<i32>} : memref<16x128xf32, #tpu.memory_space<vmem>>, vector<1x16xf32>,
    %swap3A_1833 = vector.shape_cast %swap3A_1832 : vector<1x16xf32> to vector<16xf32>
    %swap3A_1834 = vector.shape_cast %broadcast_in_dim3A_1606 : vector<16xf32> to vector<1x16xf32>
    tpu.vector_store %arg10[%swap3A_1830, %swap3A_1831], %swap3A_1834 {strides = array<i32>} : memref<16x128xf32, #tpu.memory_space<vmem>>, vector<1x16xf32>,
    %swap3A_1835 = arith.constant 4 : i32
    %swap3A_1836 = arith.index_cast %swap3A_1835 : i32 to index
    %swap3A_1837 = arith.constant 96 : index
    %swap3A_1838 = tpu.vector_load %arg10[%swap3A_1836, %swap3A_1837] {strides = array<i32>} : memref<16x128xf32, #tpu.memory_space<vmem>>, vector<1x16xf32>,
    %swap3A_1839 = vector.shape_cast %swap3A_1838 : vector<1x16xf32> to vector<16xf32>
    %swap3A_1840 = vector.shape_cast %broadcast_in_dim3A_1606 : vector<16xf32> to vector<1x16xf32>
    tpu.vector_store %arg10[%swap3A_1836, %swap3A_1837], %swap3A_1840 {strides = array<i32>} : memref<16x128xf32, #tpu.memory_space<vmem>>, vector<1x16xf32>,
    %swap3A_1841 = arith.constant 4 : i32
    %swap3A_1842 = arith.index_cast %swap3A_1841 : i32 to index
    %swap3A_1843 = arith.constant 112 : index
    %swap3A_1844 = tpu.vector_load %arg10[%swap3A_1842, %swap3A_1843] {strides = array<i32>} : memref<16x128xf32, #tpu.memory_space<vmem>>, vector<1x16xf32>,
    %swap3A_1845 = vector.shape_cast %swap3A_1844 : vector<1x16xf32> to vector<16xf32>
    %swap3A_1846 = vector.shape_cast %broadcast_in_dim3A_1606 : vector<16xf32> to vector<1x16xf32>
    tpu.vector_store %arg10[%swap3A_1842, %swap3A_1843], %swap3A_1846 {strides = array<i32>} : memref<16x128xf32, #tpu.memory_space<vmem>>, vector<1x16xf32>,
    %swap3A_1847 = arith.constant 5 : i32
    %swap3A_1848 = arith.index_cast %swap3A_1847 : i32 to index
    %swap3A_1849 = arith.constant 0 : index
    %swap3A_1850 = tpu.vector_load %arg10[%swap3A_1848, %swap3A_1849] {strides = array<i32>} : memref<16x128xf32, #tpu.memory_space<vmem>>, vector<1x16xf32>,
    %swap3A_1851 = vector.shape_cast %swap3A_1850 : vector<1x16xf32> to vector<16xf32>
    %swap3A_1852 = vector.shape_cast %broadcast_in_dim3A_1606 : vector<16xf32> to vector<1x16xf32>
    tpu.vector_store %arg10[%swap3A_1848, %swap3A_1849], %swap3A_1852 {strides = array<i32>} : memref<16x128xf32, #tpu.memory_space<vmem>>, vector<1x16xf32>,
    %swap3A_1853 = arith.constant 5 : i32
    %swap3A_1854 = arith.index_cast %swap3A_1853 : i32 to index
    %swap3A_1855 = arith.constant 16 : index
    %swap3A_1856 = tpu.vector_load %arg10[%swap3A_1854, %swap3A_1855] {strides = array<i32>} : memref<16x128xf32, #tpu.memory_space<vmem>>, vector<1x16xf32>,
    %swap3A_1857 = vector.shape_cast %swap3A_1856 : vector<1x16xf32> to vector<16xf32>
    %swap3A_1858 = vector.shape_cast %broadcast_in_dim3A_1606 : vector<16xf32> to vector<1x16xf32>
    tpu.vector_store %arg10[%swap3A_1854, %swap3A_1855], %swap3A_1858 {strides = array<i32>} : memref<16x128xf32, #tpu.memory_space<vmem>>, vector<1x16xf32>,
    %swap3A_1859 = arith.constant 5 : i32
    %swap3A_1860 = arith.index_cast %swap3A_1859 : i32 to index
    %swap3A_1861 = arith.constant 32 : index
    %swap3A_1862 = tpu.vector_load %arg10[%swap3A_1860, %swap3A_1861] {strides = array<i32>} : memref<16x128xf32, #tpu.memory_space<vmem>>, vector<1x16xf32>,
    %swap3A_1863 = vector.shape_cast %swap3A_1862 : vector<1x16xf32> to vector<16xf32>
    %swap3A_1864 = vector.shape_cast %broadcast_in_dim3A_1606 : vector<16xf32> to vector<1x16xf32>
    tpu.vector_store %arg10[%swap3A_1860, %swap3A_1861], %swap3A_1864 {strides = array<i32>} : memref<16x128xf32, #tpu.memory_space<vmem>>, vector<1x16xf32>,
    %swap3A_1865 = arith.constant 5 : i32
    %swap3A_1866 = arith.index_cast %swap3A_1865 : i32 to index
    %swap3A_1867 = arith.constant 48 : index
    %swap3A_1868 = tpu.vector_load %arg10[%swap3A_1866, %swap3A_1867] {strides = array<i32>} : memref<16x128xf32, #tpu.memory_space<vmem>>, vector<1x16xf32>,
    %swap3A_1869 = vector.shape_cast %swap3A_1868 : vector<1x16xf32> to vector<16xf32>
    %swap3A_1870 = vector.shape_cast %broadcast_in_dim3A_1606 : vector<16xf32> to vector<1x16xf32>
    tpu.vector_store %arg10[%swap3A_1866, %swap3A_1867], %swap3A_1870 {strides = array<i32>} : memref<16x128xf32, #tpu.memory_space<vmem>>, vector<1x16xf32>,
    %swap3A_1871 = arith.constant 5 : i32
    %swap3A_1872 = arith.index_cast %swap3A_1871 : i32 to index
    %swap3A_1873 = arith.constant 64 : index
    %swap3A_1874 = tpu.vector_load %arg10[%swap3A_1872, %swap3A_1873] {strides = array<i32>} : memref<16x128xf32, #tpu.memory_space<vmem>>, vector<1x16xf32>,
    %swap3A_1875 = vector.shape_cast %swap3A_1874 : vector<1x16xf32> to vector<16xf32>
    %swap3A_1876 = vector.shape_cast %broadcast_in_dim3A_1606 : vector<16xf32> to vector<1x16xf32>
    tpu.vector_store %arg10[%swap3A_1872, %swap3A_1873], %swap3A_1876 {strides = array<i32>} : memref<16x128xf32, #tpu.memory_space<vmem>>, vector<1x16xf32>,
    %swap3A_1877 = arith.constant 5 : i32
    %swap3A_1878 = arith.index_cast %swap3A_1877 : i32 to index
    %swap3A_1879 = arith.constant 80 : index
    %swap3A_1880 = tpu.vector_load %arg10[%swap3A_1878, %swap3A_1879] {strides = array<i32>} : memref<16x128xf32, #tpu.memory_space<vmem>>, vector<1x16xf32>,
    %swap3A_1881 = vector.shape_cast %swap3A_1880 : vector<1x16xf32> to vector<16xf32>
    %swap3A_1882 = vector.shape_cast %broadcast_in_dim3A_1606 : vector<16xf32> to vector<1x16xf32>
    tpu.vector_store %arg10[%swap3A_1878, %swap3A_1879], %swap3A_1882 {strides = array<i32>} : memref<16x128xf32, #tpu.memory_space<vmem>>, vector<1x16xf32>,
    %swap3A_1883 = arith.constant 5 : i32
    %swap3A_1884 = arith.index_cast %swap3A_1883 : i32 to index
    %swap3A_1885 = arith.constant 96 : index
    %swap3A_1886 = tpu.vector_load %arg10[%swap3A_1884, %swap3A_1885] {strides = array<i32>} : memref<16x128xf32, #tpu.memory_space<vmem>>, vector<1x16xf32>,
    %swap3A_1887 = vector.shape_cast %swap3A_1886 : vector<1x16xf32> to vector<16xf32>
    %swap3A_1888 = vector.shape_cast %broadcast_in_dim3A_1606 : vector<16xf32> to vector<1x16xf32>
    tpu.vector_store %arg10[%swap3A_1884, %swap3A_1885], %swap3A_1888 {strides = array<i32>} : memref<16x128xf32, #tpu.memory_space<vmem>>, vector<1x16xf32>,
    %swap3A_1889 = arith.constant 5 : i32
    %swap3A_1890 = arith.index_cast %swap3A_1889 : i32 to index
    %swap3A_1891 = arith.constant 112 : index
    %swap3A_1892 = tpu.vector_load %arg10[%swap3A_1890, %swap3A_1891] {strides = array<i32>} : memref<16x128xf32, #tpu.memory_space<vmem>>, vector<1x16xf32>,
    %swap3A_1893 = vector.shape_cast %swap3A_1892 : vector<1x16xf32> to vector<16xf32>
    %swap3A_1894 = vector.shape_cast %broadcast_in_dim3A_1606 : vector<16xf32> to vector<1x16xf32>
    tpu.vector_store %arg10[%swap3A_1890, %swap3A_1891], %swap3A_1894 {strides = array<i32>} : memref<16x128xf32, #tpu.memory_space<vmem>>, vector<1x16xf32>,
    %swap3A_1895 = arith.constant 6 : i32
    %swap3A_1896 = arith.index_cast %swap3A_1895 : i32 to index
    %swap3A_1897 = arith.constant 0 : index
    %swap3A_1898 = tpu.vector_load %arg10[%swap3A_1896, %swap3A_1897] {strides = array<i32>} : memref<16x128xf32, #tpu.memory_space<vmem>>, vector<1x16xf32>,
    %swap3A_1899 = vector.shape_cast %swap3A_1898 : vector<1x16xf32> to vector<16xf32>
    %swap3A_1900 = vector.shape_cast %broadcast_in_dim3A_1606 : vector<16xf32> to vector<1x16xf32>
    tpu.vector_store %arg10[%swap3A_1896, %swap3A_1897], %swap3A_1900 {strides = array<i32>} : memref<16x128xf32, #tpu.memory_space<vmem>>, vector<1x16xf32>,
    %swap3A_1901 = arith.constant 6 : i32
    %swap3A_1902 = arith.index_cast %swap3A_1901 : i32 to index
    %swap3A_1903 = arith.constant 16 : index
    %swap3A_1904 = tpu.vector_load %arg10[%swap3A_1902, %swap3A_1903] {strides = array<i32>} : memref<16x128xf32, #tpu.memory_space<vmem>>, vector<1x16xf32>,
    %swap3A_1905 = vector.shape_cast %swap3A_1904 : vector<1x16xf32> to vector<16xf32>
    %swap3A_1906 = vector.shape_cast %broadcast_in_dim3A_1606 : vector<16xf32> to vector<1x16xf32>
    tpu.vector_store %arg10[%swap3A_1902, %swap3A_1903], %swap3A_1906 {strides = array<i32>} : memref<16x128xf32, #tpu.memory_space<vmem>>, vector<1x16xf32>,
    %swap3A_1907 = arith.constant 6 : i32
    %swap3A_1908 = arith.index_cast %swap3A_1907 : i32 to index
    %swap3A_1909 = arith.constant 32 : index
    %swap3A_1910 = tpu.vector_load %arg10[%swap3A_1908, %swap3A_1909] {strides = array<i32>} : memref<16x128xf32, #tpu.memory_space<vmem>>, vector<1x16xf32>,
    %swap3A_1911 = vector.shape_cast %swap3A_1910 : vector<1x16xf32> to vector<16xf32>
    %swap3A_1912 = vector.shape_cast %broadcast_in_dim3A_1606 : vector<16xf32> to vector<1x16xf32>
    tpu.vector_store %arg10[%swap3A_1908, %swap3A_1909], %swap3A_1912 {strides = array<i32>} : memref<16x128xf32, #tpu.memory_space<vmem>>, vector<1x16xf32>,
    %swap3A_1913 = arith.constant 6 : i32
    %swap3A_1914 = arith.index_cast %swap3A_1913 : i32 to index
    %swap3A_1915 = arith.constant 48 : index
    %swap3A_1916 = tpu.vector_load %arg10[%swap3A_1914, %swap3A_1915] {strides = array<i32>} : memref<16x128xf32, #tpu.memory_space<vmem>>, vector<1x16xf32>,
    %swap3A_1917 = vector.shape_cast %swap3A_1916 : vector<1x16xf32> to vector<16xf32>
    %swap3A_1918 = vector.shape_cast %broadcast_in_dim3A_1606 : vector<16xf32> to vector<1x16xf32>
    tpu.vector_store %arg10[%swap3A_1914, %swap3A_1915], %swap3A_1918 {strides = array<i32>} : memref<16x128xf32, #tpu.memory_space<vmem>>, vector<1x16xf32>,
    %swap3A_1919 = arith.constant 6 : i32
    %swap3A_1920 = arith.index_cast %swap3A_1919 : i32 to index
    %swap3A_1921 = arith.constant 64 : index
    %swap3A_1922 = tpu.vector_load %arg10[%swap3A_1920, %swap3A_1921] {strides = array<i32>} : memref<16x128xf32, #tpu.memory_space<vmem>>, vector<1x16xf32>,
    %swap3A_1923 = vector.shape_cast %swap3A_1922 : vector<1x16xf32> to vector<16xf32>
    %swap3A_1924 = vector.shape_cast %broadcast_in_dim3A_1606 : vector<16xf32> to vector<1x16xf32>
    tpu.vector_store %arg10[%swap3A_1920, %swap3A_1921], %swap3A_1924 {strides = array<i32>} : memref<16x128xf32, #tpu.memory_space<vmem>>, vector<1x16xf32>,
    %swap3A_1925 = arith.constant 6 : i32
    %swap3A_1926 = arith.index_cast %swap3A_1925 : i32 to index
    %swap3A_1927 = arith.constant 80 : index
    %swap3A_1928 = tpu.vector_load %arg10[%swap3A_1926, %swap3A_1927] {strides = array<i32>} : memref<16x128xf32, #tpu.memory_space<vmem>>, vector<1x16xf32>,
    %swap3A_1929 = vector.shape_cast %swap3A_1928 : vector<1x16xf32> to vector<16xf32>
    %swap3A_1930 = vector.shape_cast %broadcast_in_dim3A_1606 : vector<16xf32> to vector<1x16xf32>
    tpu.vector_store %arg10[%swap3A_1926, %swap3A_1927], %swap3A_1930 {strides = array<i32>} : memref<16x128xf32, #tpu.memory_space<vmem>>, vector<1x16xf32>,
    %swap3A_1931 = arith.constant 6 : i32
    %swap3A_1932 = arith.index_cast %swap3A_1931 : i32 to index
    %swap3A_1933 = arith.constant 96 : index
    %swap3A_1934 = tpu.vector_load %arg10[%swap3A_1932, %swap3A_1933] {strides = array<i32>} : memref<16x128xf32, #tpu.memory_space<vmem>>, vector<1x16xf32>,
    %swap3A_1935 = vector.shape_cast %swap3A_1934 : vector<1x16xf32> to vector<16xf32>
    %swap3A_1936 = vector.shape_cast %broadcast_in_dim3A_1606 : vector<16xf32> to vector<1x16xf32>
    tpu.vector_store %arg10[%swap3A_1932, %swap3A_1933], %swap3A_1936 {strides = array<i32>} : memref<16x128xf32, #tpu.memory_space<vmem>>, vector<1x16xf32>,
    %swap3A_1937 = arith.constant 6 : i32
    %swap3A_1938 = arith.index_cast %swap3A_1937 : i32 to index
    %swap3A_1939 = arith.constant 112 : index
    %swap3A_1940 = tpu.vector_load %arg10[%swap3A_1938, %swap3A_1939] {strides = array<i32>} : memref<16x128xf32, #tpu.memory_space<vmem>>, vector<1x16xf32>,
    %swap3A_1941 = vector.shape_cast %swap3A_1940 : vector<1x16xf32> to vector<16xf32>
    %swap3A_1942 = vector.shape_cast %broadcast_in_dim3A_1606 : vector<16xf32> to vector<1x16xf32>
    tpu.vector_store %arg10[%swap3A_1938, %swap3A_1939], %swap3A_1942 {strides = array<i32>} : memref<16x128xf32, #tpu.memory_space<vmem>>, vector<1x16xf32>,
    %swap3A_1943 = arith.constant 7 : i32
    %swap3A_1944 = arith.index_cast %swap3A_1943 : i32 to index
    %swap3A_1945 = arith.constant 0 : index
    %swap3A_1946 = tpu.vector_load %arg10[%swap3A_1944, %swap3A_1945] {strides = array<i32>} : memref<16x128xf32, #tpu.memory_space<vmem>>, vector<1x16xf32>,
    %swap3A_1947 = vector.shape_cast %swap3A_1946 : vector<1x16xf32> to vector<16xf32>
    %swap3A_1948 = vector.shape_cast %broadcast_in_dim3A_1606 : vector<16xf32> to vector<1x16xf32>
    tpu.vector_store %arg10[%swap3A_1944, %swap3A_1945], %swap3A_1948 {strides = array<i32>} : memref<16x128xf32, #tpu.memory_space<vmem>>, vector<1x16xf32>,
    %swap3A_1949 = arith.constant 7 : i32
    %swap3A_1950 = arith.index_cast %swap3A_1949 : i32 to index
    %swap3A_1951 = arith.constant 16 : index
    %swap3A_1952 = tpu.vector_load %arg10[%swap3A_1950, %swap3A_1951] {strides = array<i32>} : memref<16x128xf32, #tpu.memory_space<vmem>>, vector<1x16xf32>,
    %swap3A_1953 = vector.shape_cast %swap3A_1952 : vector<1x16xf32> to vector<16xf32>
    %swap3A_1954 = vector.shape_cast %broadcast_in_dim3A_1606 : vector<16xf32> to vector<1x16xf32>
    tpu.vector_store %arg10[%swap3A_1950, %swap3A_1951], %swap3A_1954 {strides = array<i32>} : memref<16x128xf32, #tpu.memory_space<vmem>>, vector<1x16xf32>,
    %swap3A_1955 = arith.constant 7 : i32
    %swap3A_1956 = arith.index_cast %swap3A_1955 : i32 to index
    %swap3A_1957 = arith.constant 32 : index
    %swap3A_1958 = tpu.vector_load %arg10[%swap3A_1956, %swap3A_1957] {strides = array<i32>} : memref<16x128xf32, #tpu.memory_space<vmem>>, vector<1x16xf32>,
    %swap3A_1959 = vector.shape_cast %swap3A_1958 : vector<1x16xf32> to vector<16xf32>
    %swap3A_1960 = vector.shape_cast %broadcast_in_dim3A_1606 : vector<16xf32> to vector<1x16xf32>
    tpu.vector_store %arg10[%swap3A_1956, %swap3A_1957], %swap3A_1960 {strides = array<i32>} : memref<16x128xf32, #tpu.memory_space<vmem>>, vector<1x16xf32>,
    %swap3A_1961 = arith.constant 7 : i32
    %swap3A_1962 = arith.index_cast %swap3A_1961 : i32 to index
    %swap3A_1963 = arith.constant 48 : index
    %swap3A_1964 = tpu.vector_load %arg10[%swap3A_1962, %swap3A_1963] {strides = array<i32>} : memref<16x128xf32, #tpu.memory_space<vmem>>, vector<1x16xf32>,
    %swap3A_1965 = vector.shape_cast %swap3A_1964 : vector<1x16xf32> to vector<16xf32>
    %swap3A_1966 = vector.shape_cast %broadcast_in_dim3A_1606 : vector<16xf32> to vector<1x16xf32>
    tpu.vector_store %arg10[%swap3A_1962, %swap3A_1963], %swap3A_1966 {strides = array<i32>} : memref<16x128xf32, #tpu.memory_space<vmem>>, vector<1x16xf32>,
    %swap3A_1967 = arith.constant 7 : i32
    %swap3A_1968 = arith.index_cast %swap3A_1967 : i32 to index
    %swap3A_1969 = arith.constant 64 : index
    %swap3A_1970 = tpu.vector_load %arg10[%swap3A_1968, %swap3A_1969] {strides = array<i32>} : memref<16x128xf32, #tpu.memory_space<vmem>>, vector<1x16xf32>,
    %swap3A_1971 = vector.shape_cast %swap3A_1970 : vector<1x16xf32> to vector<16xf32>
    %swap3A_1972 = vector.shape_cast %broadcast_in_dim3A_1606 : vector<16xf32> to vector<1x16xf32>
    tpu.vector_store %arg10[%swap3A_1968, %swap3A_1969], %swap3A_1972 {strides = array<i32>} : memref<16x128xf32, #tpu.memory_space<vmem>>, vector<1x16xf32>,
    %swap3A_1973 = arith.constant 7 : i32
    %swap3A_1974 = arith.index_cast %swap3A_1973 : i32 to index
    %swap3A_1975 = arith.constant 80 : index
    %swap3A_1976 = tpu.vector_load %arg10[%swap3A_1974, %swap3A_1975] {strides = array<i32>} : memref<16x128xf32, #tpu.memory_space<vmem>>, vector<1x16xf32>,
    %swap3A_1977 = vector.shape_cast %swap3A_1976 : vector<1x16xf32> to vector<16xf32>
    %swap3A_1978 = vector.shape_cast %broadcast_in_dim3A_1606 : vector<16xf32> to vector<1x16xf32>
    tpu.vector_store %arg10[%swap3A_1974, %swap3A_1975], %swap3A_1978 {strides = array<i32>} : memref<16x128xf32, #tpu.memory_space<vmem>>, vector<1x16xf32>,
    %swap3A_1979 = arith.constant 7 : i32
    %swap3A_1980 = arith.index_cast %swap3A_1979 : i32 to index
    %swap3A_1981 = arith.constant 96 : index
    %swap3A_1982 = tpu.vector_load %arg10[%swap3A_1980, %swap3A_1981] {strides = array<i32>} : memref<16x128xf32, #tpu.memory_space<vmem>>, vector<1x16xf32>,
    %swap3A_1983 = vector.shape_cast %swap3A_1982 : vector<1x16xf32> to vector<16xf32>
    %swap3A_1984 = vector.shape_cast %broadcast_in_dim3A_1606 : vector<16xf32> to vector<1x16xf32>
    tpu.vector_store %arg10[%swap3A_1980, %swap3A_1981], %swap3A_1984 {strides = array<i32>} : memref<16x128xf32, #tpu.memory_space<vmem>>, vector<1x16xf32>,
    %swap3A_1985 = arith.constant 7 : i32
    %swap3A_1986 = arith.index_cast %swap3A_1985 : i32 to index
    %swap3A_1987 = arith.constant 112 : index
    %swap3A_1988 = tpu.vector_load %arg10[%swap3A_1986, %swap3A_1987] {strides = array<i32>} : memref<16x128xf32, #tpu.memory_space<vmem>>, vector<1x16xf32>,
    %swap3A_1989 = vector.shape_cast %swap3A_1988 : vector<1x16xf32> to vector<16xf32>
    %swap3A_1990 = vector.shape_cast %broadcast_in_dim3A_1606 : vector<16xf32> to vector<1x16xf32>
    tpu.vector_store %arg10[%swap3A_1986, %swap3A_1987], %swap3A_1990 {strides = array<i32>} : memref<16x128xf32, #tpu.memory_space<vmem>>, vector<1x16xf32>,
    %swap3A_1991 = arith.constant 8 : i32
    %swap3A_1992 = arith.index_cast %swap3A_1991 : i32 to index
    %swap3A_1993 = arith.constant 0 : index
    %swap3A_1994 = tpu.vector_load %arg10[%swap3A_1992, %swap3A_1993] {strides = array<i32>} : memref<16x128xf32, #tpu.memory_space<vmem>>, vector<1x16xf32>,
    %swap3A_1995 = vector.shape_cast %swap3A_1994 : vector<1x16xf32> to vector<16xf32>
    %swap3A_1996 = vector.shape_cast %broadcast_in_dim3A_1606 : vector<16xf32> to vector<1x16xf32>
    tpu.vector_store %arg10[%swap3A_1992, %swap3A_1993], %swap3A_1996 {strides = array<i32>} : memref<16x128xf32, #tpu.memory_space<vmem>>, vector<1x16xf32>,
    %swap3A_1997 = arith.constant 8 : i32
    %swap3A_1998 = arith.index_cast %swap3A_1997 : i32 to index
    %swap3A_1999 = arith.constant 16 : index
    %swap3A_2000 = tpu.vector_load %arg10[%swap3A_1998, %swap3A_1999] {strides = array<i32>} : memref<16x128xf32, #tpu.memory_space<vmem>>, vector<1x16xf32>,
    %swap3A_2001 = vector.shape_cast %swap3A_2000 : vector<1x16xf32> to vector<16xf32>
    %swap3A_2002 = vector.shape_cast %broadcast_in_dim3A_1606 : vector<16xf32> to vector<1x16xf32>
    tpu.vector_store %arg10[%swap3A_1998, %swap3A_1999], %swap3A_2002 {strides = array<i32>} : memref<16x128xf32, #tpu.memory_space<vmem>>, vector<1x16xf32>,
    %swap3A_2003 = arith.constant 8 : i32
    %swap3A_2004 = arith.index_cast %swap3A_2003 : i32 to index
    %swap3A_2005 = arith.constant 32 : index
    %swap3A_2006 = tpu.vector_load %arg10[%swap3A_2004, %swap3A_2005] {strides = array<i32>} : memref<16x128xf32, #tpu.memory_space<vmem>>, vector<1x16xf32>,
    %swap3A_2007 = vector.shape_cast %swap3A_2006 : vector<1x16xf32> to vector<16xf32>
    %swap3A_2008 = vector.shape_cast %broadcast_in_dim3A_1606 : vector<16xf32> to vector<1x16xf32>
    tpu.vector_store %arg10[%swap3A_2004, %swap3A_2005], %swap3A_2008 {strides = array<i32>} : memref<16x128xf32, #tpu.memory_space<vmem>>, vector<1x16xf32>,
    %swap3A_2009 = arith.constant 8 : i32
    %swap3A_2010 = arith.index_cast %swap3A_2009 : i32 to index
    %swap3A_2011 = arith.constant 48 : index
    %swap3A_2012 = tpu.vector_load %arg10[%swap3A_2010, %swap3A_2011] {strides = array<i32>} : memref<16x128xf32, #tpu.memory_space<vmem>>, vector<1x16xf32>,
    %swap3A_2013 = vector.shape_cast %swap3A_2012 : vector<1x16xf32> to vector<16xf32>
    %swap3A_2014 = vector.shape_cast %broadcast_in_dim3A_1606 : vector<16xf32> to vector<1x16xf32>
    tpu.vector_store %arg10[%swap3A_2010, %swap3A_2011], %swap3A_2014 {strides = array<i32>} : memref<16x128xf32, #tpu.memory_space<vmem>>, vector<1x16xf32>,
    %swap3A_2015 = arith.constant 8 : i32
    %swap3A_2016 = arith.index_cast %swap3A_2015 : i32 to index
    %swap3A_2017 = arith.constant 64 : index
    %swap3A_2018 = tpu.vector_load %arg10[%swap3A_2016, %swap3A_2017] {strides = array<i32>} : memref<16x128xf32, #tpu.memory_space<vmem>>, vector<1x16xf32>,
    %swap3A_2019 = vector.shape_cast %swap3A_2018 : vector<1x16xf32> to vector<16xf32>
    %swap3A_2020 = vector.shape_cast %broadcast_in_dim3A_1606 : vector<16xf32> to vector<1x16xf32>
    tpu.vector_store %arg10[%swap3A_2016, %swap3A_2017], %swap3A_2020 {strides = array<i32>} : memref<16x128xf32, #tpu.memory_space<vmem>>, vector<1x16xf32>,
    %swap3A_2021 = arith.constant 8 : i32
    %swap3A_2022 = arith.index_cast %swap3A_2021 : i32 to index
    %swap3A_2023 = arith.constant 80 : index
    %swap3A_2024 = tpu.vector_load %arg10[%swap3A_2022, %swap3A_2023] {strides = array<i32>} : memref<16x128xf32, #tpu.memory_space<vmem>>, vector<1x16xf32>,
    %swap3A_2025 = vector.shape_cast %swap3A_2024 : vector<1x16xf32> to vector<16xf32>
    %swap3A_2026 = vector.shape_cast %broadcast_in_dim3A_1606 : vector<16xf32> to vector<1x16xf32>
    tpu.vector_store %arg10[%swap3A_2022, %swap3A_2023], %swap3A_2026 {strides = array<i32>} : memref<16x128xf32, #tpu.memory_space<vmem>>, vector<1x16xf32>,
    %swap3A_2027 = arith.constant 8 : i32
    %swap3A_2028 = arith.index_cast %swap3A_2027 : i32 to index
    %swap3A_2029 = arith.constant 96 : index
    %swap3A_2030 = tpu.vector_load %arg10[%swap3A_2028, %swap3A_2029] {strides = array<i32>} : memref<16x128xf32, #tpu.memory_space<vmem>>, vector<1x16xf32>,
    %swap3A_2031 = vector.shape_cast %swap3A_2030 : vector<1x16xf32> to vector<16xf32>
    %swap3A_2032 = vector.shape_cast %broadcast_in_dim3A_1606 : vector<16xf32> to vector<1x16xf32>
    tpu.vector_store %arg10[%swap3A_2028, %swap3A_2029], %swap3A_2032 {strides = array<i32>} : memref<16x128xf32, #tpu.memory_space<vmem>>, vector<1x16xf32>,
    %swap3A_2033 = arith.constant 8 : i32
    %swap3A_2034 = arith.index_cast %swap3A_2033 : i32 to index
    %swap3A_2035 = arith.constant 112 : index
    %swap3A_2036 = tpu.vector_load %arg10[%swap3A_2034, %swap3A_2035] {strides = array<i32>} : memref<16x128xf32, #tpu.memory_space<vmem>>, vector<1x16xf32>,
    %swap3A_2037 = vector.shape_cast %swap3A_2036 : vector<1x16xf32> to vector<16xf32>
    %swap3A_2038 = vector.shape_cast %broadcast_in_dim3A_1606 : vector<16xf32> to vector<1x16xf32>
    tpu.vector_store %arg10[%swap3A_2034, %swap3A_2035], %swap3A_2038 {strides = array<i32>} : memref<16x128xf32, #tpu.memory_space<vmem>>, vector<1x16xf32>,
    %swap3A_2039 = arith.constant 9 : i32
    %swap3A_2040 = arith.index_cast %swap3A_2039 : i32 to index
    %swap3A_2041 = arith.constant 0 : index
    %swap3A_2042 = tpu.vector_load %arg10[%swap3A_2040, %swap3A_2041] {strides = array<i32>} : memref<16x128xf32, #tpu.memory_space<vmem>>, vector<1x16xf32>,
    %swap3A_2043 = vector.shape_cast %swap3A_2042 : vector<1x16xf32> to vector<16xf32>
    %swap3A_2044 = vector.shape_cast %broadcast_in_dim3A_1606 : vector<16xf32> to vector<1x16xf32>
    tpu.vector_store %arg10[%swap3A_2040, %swap3A_2041], %swap3A_2044 {strides = array<i32>} : memref<16x128xf32, #tpu.memory_space<vmem>>, vector<1x16xf32>,
    %swap3A_2045 = arith.constant 9 : i32
    %swap3A_2046 = arith.index_cast %swap3A_2045 : i32 to index
    %swap3A_2047 = arith.constant 16 : index
    %swap3A_2048 = tpu.vector_load %arg10[%swap3A_2046, %swap3A_2047] {strides = array<i32>} : memref<16x128xf32, #tpu.memory_space<vmem>>, vector<1x16xf32>,
    %swap3A_2049 = vector.shape_cast %swap3A_2048 : vector<1x16xf32> to vector<16xf32>
    %swap3A_2050 = vector.shape_cast %broadcast_in_dim3A_1606 : vector<16xf32> to vector<1x16xf32>
    tpu.vector_store %arg10[%swap3A_2046, %swap3A_2047], %swap3A_2050 {strides = array<i32>} : memref<16x128xf32, #tpu.memory_space<vmem>>, vector<1x16xf32>,
    %swap3A_2051 = arith.constant 9 : i32
    %swap3A_2052 = arith.index_cast %swap3A_2051 : i32 to index
    %swap3A_2053 = arith.constant 32 : index
    %swap3A_2054 = tpu.vector_load %arg10[%swap3A_2052, %swap3A_2053] {strides = array<i32>} : memref<16x128xf32, #tpu.memory_space<vmem>>, vector<1x16xf32>,
    %swap3A_2055 = vector.shape_cast %swap3A_2054 : vector<1x16xf32> to vector<16xf32>
    %swap3A_2056 = vector.shape_cast %broadcast_in_dim3A_1606 : vector<16xf32> to vector<1x16xf32>
    tpu.vector_store %arg10[%swap3A_2052, %swap3A_2053], %swap3A_2056 {strides = array<i32>} : memref<16x128xf32, #tpu.memory_space<vmem>>, vector<1x16xf32>,
    %swap3A_2057 = arith.constant 9 : i32
    %swap3A_2058 = arith.index_cast %swap3A_2057 : i32 to index
    %swap3A_2059 = arith.constant 48 : index
    %swap3A_2060 = tpu.vector_load %arg10[%swap3A_2058, %swap3A_2059] {strides = array<i32>} : memref<16x128xf32, #tpu.memory_space<vmem>>, vector<1x16xf32>,
    %swap3A_2061 = vector.shape_cast %swap3A_2060 : vector<1x16xf32> to vector<16xf32>
    %swap3A_2062 = vector.shape_cast %broadcast_in_dim3A_1606 : vector<16xf32> to vector<1x16xf32>
    tpu.vector_store %arg10[%swap3A_2058, %swap3A_2059], %swap3A_2062 {strides = array<i32>} : memref<16x128xf32, #tpu.memory_space<vmem>>, vector<1x16xf32>,
    %swap3A_2063 = arith.constant 9 : i32
    %swap3A_2064 = arith.index_cast %swap3A_2063 : i32 to index
    %swap3A_2065 = arith.constant 64 : index
    %swap3A_2066 = tpu.vector_load %arg10[%swap3A_2064, %swap3A_2065] {strides = array<i32>} : memref<16x128xf32, #tpu.memory_space<vmem>>, vector<1x16xf32>,
    %swap3A_2067 = vector.shape_cast %swap3A_2066 : vector<1x16xf32> to vector<16xf32>
    %swap3A_2068 = vector.shape_cast %broadcast_in_dim3A_1606 : vector<16xf32> to vector<1x16xf32>
    tpu.vector_store %arg10[%swap3A_2064, %swap3A_2065], %swap3A_2068 {strides = array<i32>} : memref<16x128xf32, #tpu.memory_space<vmem>>, vector<1x16xf32>,
    %swap3A_2069 = arith.constant 9 : i32
    %swap3A_2070 = arith.index_cast %swap3A_2069 : i32 to index
    %swap3A_2071 = arith.constant 80 : index
    %swap3A_2072 = tpu.vector_load %arg10[%swap3A_2070, %swap3A_2071] {strides = array<i32>} : memref<16x128xf32, #tpu.memory_space<vmem>>, vector<1x16xf32>,
    %swap3A_2073 = vector.shape_cast %swap3A_2072 : vector<1x16xf32> to vector<16xf32>
    %swap3A_2074 = vector.shape_cast %broadcast_in_dim3A_1606 : vector<16xf32> to vector<1x16xf32>
    tpu.vector_store %arg10[%swap3A_2070, %swap3A_2071], %swap3A_2074 {strides = array<i32>} : memref<16x128xf32, #tpu.memory_space<vmem>>, vector<1x16xf32>,
    %swap3A_2075 = arith.constant 9 : i32
    %swap3A_2076 = arith.index_cast %swap3A_2075 : i32 to index
    %swap3A_2077 = arith.constant 96 : index
    %swap3A_2078 = tpu.vector_load %arg10[%swap3A_2076, %swap3A_2077] {strides = array<i32>} : memref<16x128xf32, #tpu.memory_space<vmem>>, vector<1x16xf32>,
    %swap3A_2079 = vector.shape_cast %swap3A_2078 : vector<1x16xf32> to vector<16xf32>
    %swap3A_2080 = vector.shape_cast %broadcast_in_dim3A_1606 : vector<16xf32> to vector<1x16xf32>
    tpu.vector_store %arg10[%swap3A_2076, %swap3A_2077], %swap3A_2080 {strides = array<i32>} : memref<16x128xf32, #tpu.memory_space<vmem>>, vector<1x16xf32>,
    %swap3A_2081 = arith.constant 9 : i32
    %swap3A_2082 = arith.index_cast %swap3A_2081 : i32 to index
    %swap3A_2083 = arith.constant 112 : index
    %swap3A_2084 = tpu.vector_load %arg10[%swap3A_2082, %swap3A_2083] {strides = array<i32>} : memref<16x128xf32, #tpu.memory_space<vmem>>, vector<1x16xf32>,
    %swap3A_2085 = vector.shape_cast %swap3A_2084 : vector<1x16xf32> to vector<16xf32>
    %swap3A_2086 = vector.shape_cast %broadcast_in_dim3A_1606 : vector<16xf32> to vector<1x16xf32>
    tpu.vector_store %arg10[%swap3A_2082, %swap3A_2083], %swap3A_2086 {strides = array<i32>} : memref<16x128xf32, #tpu.memory_space<vmem>>, vector<1x16xf32>,
    %swap3A_2087 = arith.constant 10 : i32
    %swap3A_2088 = arith.index_cast %swap3A_2087 : i32 to index
    %swap3A_2089 = arith.constant 0 : index
    %swap3A_2090 = tpu.vector_load %arg10[%swap3A_2088, %swap3A_2089] {strides = array<i32>} : memref<16x128xf32, #tpu.memory_space<vmem>>, vector<1x16xf32>,
    %swap3A_2091 = vector.shape_cast %swap3A_2090 : vector<1x16xf32> to vector<16xf32>
    %swap3A_2092 = vector.shape_cast %broadcast_in_dim3A_1606 : vector<16xf32> to vector<1x16xf32>
    tpu.vector_store %arg10[%swap3A_2088, %swap3A_2089], %swap3A_2092 {strides = array<i32>} : memref<16x128xf32, #tpu.memory_space<vmem>>, vector<1x16xf32>,
    %swap3A_2093 = arith.constant 10 : i32
    %swap3A_2094 = arith.index_cast %swap3A_2093 : i32 to index
    %swap3A_2095 = arith.constant 16 : index
    %swap3A_2096 = tpu.vector_load %arg10[%swap3A_2094, %swap3A_2095] {strides = array<i32>} : memref<16x128xf32, #tpu.memory_space<vmem>>, vector<1x16xf32>,
    %swap3A_2097 = vector.shape_cast %swap3A_2096 : vector<1x16xf32> to vector<16xf32>
    %swap3A_2098 = vector.shape_cast %broadcast_in_dim3A_1606 : vector<16xf32> to vector<1x16xf32>
    tpu.vector_store %arg10[%swap3A_2094, %swap3A_2095], %swap3A_2098 {strides = array<i32>} : memref<16x128xf32, #tpu.memory_space<vmem>>, vector<1x16xf32>,
    %swap3A_2099 = arith.constant 10 : i32
    %swap3A_2100 = arith.index_cast %swap3A_2099 : i32 to index
    %swap3A_2101 = arith.constant 32 : index
    %swap3A_2102 = tpu.vector_load %arg10[%swap3A_2100, %swap3A_2101] {strides = array<i32>} : memref<16x128xf32, #tpu.memory_space<vmem>>, vector<1x16xf32>,
    %swap3A_2103 = vector.shape_cast %swap3A_2102 : vector<1x16xf32> to vector<16xf32>
    %swap3A_2104 = vector.shape_cast %broadcast_in_dim3A_1606 : vector<16xf32> to vector<1x16xf32>
    tpu.vector_store %arg10[%swap3A_2100, %swap3A_2101], %swap3A_2104 {strides = array<i32>} : memref<16x128xf32, #tpu.memory_space<vmem>>, vector<1x16xf32>,
    %swap3A_2105 = arith.constant 10 : i32
    %swap3A_2106 = arith.index_cast %swap3A_2105 : i32 to index
    %swap3A_2107 = arith.constant 48 : index
    %swap3A_2108 = tpu.vector_load %arg10[%swap3A_2106, %swap3A_2107] {strides = array<i32>} : memref<16x128xf32, #tpu.memory_space<vmem>>, vector<1x16xf32>,
    %swap3A_2109 = vector.shape_cast %swap3A_2108 : vector<1x16xf32> to vector<16xf32>
    %swap3A_2110 = vector.shape_cast %broadcast_in_dim3A_1606 : vector<16xf32> to vector<1x16xf32>
    tpu.vector_store %arg10[%swap3A_2106, %swap3A_2107], %swap3A_2110 {strides = array<i32>} : memref<16x128xf32, #tpu.memory_space<vmem>>, vector<1x16xf32>,
    %swap3A_2111 = arith.constant 10 : i32
    %swap3A_2112 = arith.index_cast %swap3A_2111 : i32 to index
    %swap3A_2113 = arith.constant 64 : index
    %swap3A_2114 = tpu.vector_load %arg10[%swap3A_2112, %swap3A_2113] {strides = array<i32>} : memref<16x128xf32, #tpu.memory_space<vmem>>, vector<1x16xf32>,
    %swap3A_2115 = vector.shape_cast %swap3A_2114 : vector<1x16xf32> to vector<16xf32>
    %swap3A_2116 = vector.shape_cast %broadcast_in_dim3A_1606 : vector<16xf32> to vector<1x16xf32>
    tpu.vector_store %arg10[%swap3A_2112, %swap3A_2113], %swap3A_2116 {strides = array<i32>} : memref<16x128xf32, #tpu.memory_space<vmem>>, vector<1x16xf32>,
    %swap3A_2117 = arith.constant 10 : i32
    %swap3A_2118 = arith.index_cast %swap3A_2117 : i32 to index
    %swap3A_2119 = arith.constant 80 : index
    %swap3A_2120 = tpu.vector_load %arg10[%swap3A_2118, %swap3A_2119] {strides = array<i32>} : memref<16x128xf32, #tpu.memory_space<vmem>>, vector<1x16xf32>,
    %swap3A_2121 = vector.shape_cast %swap3A_2120 : vector<1x16xf32> to vector<16xf32>
    %swap3A_2122 = vector.shape_cast %broadcast_in_dim3A_1606 : vector<16xf32> to vector<1x16xf32>
    tpu.vector_store %arg10[%swap3A_2118, %swap3A_2119], %swap3A_2122 {strides = array<i32>} : memref<16x128xf32, #tpu.memory_space<vmem>>, vector<1x16xf32>,
    %swap3A_2123 = arith.constant 10 : i32
    %swap3A_2124 = arith.index_cast %swap3A_2123 : i32 to index
    %swap3A_2125 = arith.constant 96 : index
    %swap3A_2126 = tpu.vector_load %arg10[%swap3A_2124, %swap3A_2125] {strides = array<i32>} : memref<16x128xf32, #tpu.memory_space<vmem>>, vector<1x16xf32>,
    %swap3A_2127 = vector.shape_cast %swap3A_2126 : vector<1x16xf32> to vector<16xf32>
    %swap3A_2128 = vector.shape_cast %broadcast_in_dim3A_1606 : vector<16xf32> to vector<1x16xf32>
    tpu.vector_store %arg10[%swap3A_2124, %swap3A_2125], %swap3A_2128 {strides = array<i32>} : memref<16x128xf32, #tpu.memory_space<vmem>>, vector<1x16xf32>,
    %swap3A_2129 = arith.constant 10 : i32
    %swap3A_2130 = arith.index_cast %swap3A_2129 : i32 to index
    %swap3A_2131 = arith.constant 112 : index
    %swap3A_2132 = tpu.vector_load %arg10[%swap3A_2130, %swap3A_2131] {strides = array<i32>} : memref<16x128xf32, #tpu.memory_space<vmem>>, vector<1x16xf32>,
    %swap3A_2133 = vector.shape_cast %swap3A_2132 : vector<1x16xf32> to vector<16xf32>
    %swap3A_2134 = vector.shape_cast %broadcast_in_dim3A_1606 : vector<16xf32> to vector<1x16xf32>
    tpu.vector_store %arg10[%swap3A_2130, %swap3A_2131], %swap3A_2134 {strides = array<i32>} : memref<16x128xf32, #tpu.memory_space<vmem>>, vector<1x16xf32>,
    %swap3A_2135 = arith.constant 11 : i32
    %swap3A_2136 = arith.index_cast %swap3A_2135 : i32 to index
    %swap3A_2137 = arith.constant 0 : index
    %swap3A_2138 = tpu.vector_load %arg10[%swap3A_2136, %swap3A_2137] {strides = array<i32>} : memref<16x128xf32, #tpu.memory_space<vmem>>, vector<1x16xf32>,
    %swap3A_2139 = vector.shape_cast %swap3A_2138 : vector<1x16xf32> to vector<16xf32>
    %swap3A_2140 = vector.shape_cast %broadcast_in_dim3A_1606 : vector<16xf32> to vector<1x16xf32>
    tpu.vector_store %arg10[%swap3A_2136, %swap3A_2137], %swap3A_2140 {strides = array<i32>} : memref<16x128xf32, #tpu.memory_space<vmem>>, vector<1x16xf32>,
    %swap3A_2141 = arith.constant 11 : i32
    %swap3A_2142 = arith.index_cast %swap3A_2141 : i32 to index
    %swap3A_2143 = arith.constant 16 : index
    %swap3A_2144 = tpu.vector_load %arg10[%swap3A_2142, %swap3A_2143] {strides = array<i32>} : memref<16x128xf32, #tpu.memory_space<vmem>>, vector<1x16xf32>,
    %swap3A_2145 = vector.shape_cast %swap3A_2144 : vector<1x16xf32> to vector<16xf32>
    %swap3A_2146 = vector.shape_cast %broadcast_in_dim3A_1606 : vector<16xf32> to vector<1x16xf32>
    tpu.vector_store %arg10[%swap3A_2142, %swap3A_2143], %swap3A_2146 {strides = array<i32>} : memref<16x128xf32, #tpu.memory_space<vmem>>, vector<1x16xf32>,
    %swap3A_2147 = arith.constant 11 : i32
    %swap3A_2148 = arith.index_cast %swap3A_2147 : i32 to index
    %swap3A_2149 = arith.constant 32 : index
    %swap3A_2150 = tpu.vector_load %arg10[%swap3A_2148, %swap3A_2149] {strides = array<i32>} : memref<16x128xf32, #tpu.memory_space<vmem>>, vector<1x16xf32>,
    %swap3A_2151 = vector.shape_cast %swap3A_2150 : vector<1x16xf32> to vector<16xf32>
    %swap3A_2152 = vector.shape_cast %broadcast_in_dim3A_1606 : vector<16xf32> to vector<1x16xf32>
    tpu.vector_store %arg10[%swap3A_2148, %swap3A_2149], %swap3A_2152 {strides = array<i32>} : memref<16x128xf32, #tpu.memory_space<vmem>>, vector<1x16xf32>,
    %swap3A_2153 = arith.constant 11 : i32
    %swap3A_2154 = arith.index_cast %swap3A_2153 : i32 to index
    %swap3A_2155 = arith.constant 48 : index
    %swap3A_2156 = tpu.vector_load %arg10[%swap3A_2154, %swap3A_2155] {strides = array<i32>} : memref<16x128xf32, #tpu.memory_space<vmem>>, vector<1x16xf32>,
    %swap3A_2157 = vector.shape_cast %swap3A_2156 : vector<1x16xf32> to vector<16xf32>
    %swap3A_2158 = vector.shape_cast %broadcast_in_dim3A_1606 : vector<16xf32> to vector<1x16xf32>
    tpu.vector_store %arg10[%swap3A_2154, %swap3A_2155], %swap3A_2158 {strides = array<i32>} : memref<16x128xf32, #tpu.memory_space<vmem>>, vector<1x16xf32>,
    %swap3A_2159 = arith.constant 11 : i32
    %swap3A_2160 = arith.index_cast %swap3A_2159 : i32 to index
    %swap3A_2161 = arith.constant 64 : index
    %swap3A_2162 = tpu.vector_load %arg10[%swap3A_2160, %swap3A_2161] {strides = array<i32>} : memref<16x128xf32, #tpu.memory_space<vmem>>, vector<1x16xf32>,
    %swap3A_2163 = vector.shape_cast %swap3A_2162 : vector<1x16xf32> to vector<16xf32>
    %swap3A_2164 = vector.shape_cast %broadcast_in_dim3A_1606 : vector<16xf32> to vector<1x16xf32>
    tpu.vector_store %arg10[%swap3A_2160, %swap3A_2161], %swap3A_2164 {strides = array<i32>} : memref<16x128xf32, #tpu.memory_space<vmem>>, vector<1x16xf32>,
    %swap3A_2165 = arith.constant 11 : i32
    %swap3A_2166 = arith.index_cast %swap3A_2165 : i32 to index
    %swap3A_2167 = arith.constant 80 : index
    %swap3A_2168 = tpu.vector_load %arg10[%swap3A_2166, %swap3A_2167] {strides = array<i32>} : memref<16x128xf32, #tpu.memory_space<vmem>>, vector<1x16xf32>,
    %swap3A_2169 = vector.shape_cast %swap3A_2168 : vector<1x16xf32> to vector<16xf32>
    %swap3A_2170 = vector.shape_cast %broadcast_in_dim3A_1606 : vector<16xf32> to vector<1x16xf32>
    tpu.vector_store %arg10[%swap3A_2166, %swap3A_2167], %swap3A_2170 {strides = array<i32>} : memref<16x128xf32, #tpu.memory_space<vmem>>, vector<1x16xf32>,
    %swap3A_2171 = arith.constant 11 : i32
    %swap3A_2172 = arith.index_cast %swap3A_2171 : i32 to index
    %swap3A_2173 = arith.constant 96 : index
    %swap3A_2174 = tpu.vector_load %arg10[%swap3A_2172, %swap3A_2173] {strides = array<i32>} : memref<16x128xf32, #tpu.memory_space<vmem>>, vector<1x16xf32>,
    %swap3A_2175 = vector.shape_cast %swap3A_2174 : vector<1x16xf32> to vector<16xf32>
    %swap3A_2176 = vector.shape_cast %broadcast_in_dim3A_1606 : vector<16xf32> to vector<1x16xf32>
    tpu.vector_store %arg10[%swap3A_2172, %swap3A_2173], %swap3A_2176 {strides = array<i32>} : memref<16x128xf32, #tpu.memory_space<vmem>>, vector<1x16xf32>,
    %swap3A_2177 = arith.constant 11 : i32
    %swap3A_2178 = arith.index_cast %swap3A_2177 : i32 to index
    %swap3A_2179 = arith.constant 112 : index
    %swap3A_2180 = tpu.vector_load %arg10[%swap3A_2178, %swap3A_2179] {strides = array<i32>} : memref<16x128xf32, #tpu.memory_space<vmem>>, vector<1x16xf32>,
    %swap3A_2181 = vector.shape_cast %swap3A_2180 : vector<1x16xf32> to vector<16xf32>
    %swap3A_2182 = vector.shape_cast %broadcast_in_dim3A_1606 : vector<16xf32> to vector<1x16xf32>
    tpu.vector_store %arg10[%swap3A_2178, %swap3A_2179], %swap3A_2182 {strides = array<i32>} : memref<16x128xf32, #tpu.memory_space<vmem>>, vector<1x16xf32>,
    %swap3A_2183 = arith.constant 12 : i32
    %swap3A_2184 = arith.index_cast %swap3A_2183 : i32 to index
    %swap3A_2185 = arith.constant 0 : index
    %swap3A_2186 = tpu.vector_load %arg10[%swap3A_2184, %swap3A_2185] {strides = array<i32>} : memref<16x128xf32, #tpu.memory_space<vmem>>, vector<1x16xf32>,
    %swap3A_2187 = vector.shape_cast %swap3A_2186 : vector<1x16xf32> to vector<16xf32>
    %swap3A_2188 = vector.shape_cast %broadcast_in_dim3A_1606 : vector<16xf32> to vector<1x16xf32>
    tpu.vector_store %arg10[%swap3A_2184, %swap3A_2185], %swap3A_2188 {strides = array<i32>} : memref<16x128xf32, #tpu.memory_space<vmem>>, vector<1x16xf32>,
    %swap3A_2189 = arith.constant 12 : i32
    %swap3A_2190 = arith.index_cast %swap3A_2189 : i32 to index
    %swap3A_2191 = arith.constant 16 : index
    %swap3A_2192 = tpu.vector_load %arg10[%swap3A_2190, %swap3A_2191] {strides = array<i32>} : memref<16x128xf32, #tpu.memory_space<vmem>>, vector<1x16xf32>,
    %swap3A_2193 = vector.shape_cast %swap3A_2192 : vector<1x16xf32> to vector<16xf32>
    %swap3A_2194 = vector.shape_cast %broadcast_in_dim3A_1606 : vector<16xf32> to vector<1x16xf32>
    tpu.vector_store %arg10[%swap3A_2190, %swap3A_2191], %swap3A_2194 {strides = array<i32>} : memref<16x128xf32, #tpu.memory_space<vmem>>, vector<1x16xf32>,
    %swap3A_2195 = arith.constant 12 : i32
    %swap3A_2196 = arith.index_cast %swap3A_2195 : i32 to index
    %swap3A_2197 = arith.constant 32 : index
    %swap3A_2198 = tpu.vector_load %arg10[%swap3A_2196, %swap3A_2197] {strides = array<i32>} : memref<16x128xf32, #tpu.memory_space<vmem>>, vector<1x16xf32>,
    %swap3A_2199 = vector.shape_cast %swap3A_2198 : vector<1x16xf32> to vector<16xf32>
    %swap3A_2200 = vector.shape_cast %broadcast_in_dim3A_1606 : vector<16xf32> to vector<1x16xf32>
    tpu.vector_store %arg10[%swap3A_2196, %swap3A_2197], %swap3A_2200 {strides = array<i32>} : memref<16x128xf32, #tpu.memory_space<vmem>>, vector<1x16xf32>,
    %swap3A_2201 = arith.constant 12 : i32
    %swap3A_2202 = arith.index_cast %swap3A_2201 : i32 to index
    %swap3A_2203 = arith.constant 48 : index
    %swap3A_2204 = tpu.vector_load %arg10[%swap3A_2202, %swap3A_2203] {strides = array<i32>} : memref<16x128xf32, #tpu.memory_space<vmem>>, vector<1x16xf32>,
    %swap3A_2205 = vector.shape_cast %swap3A_2204 : vector<1x16xf32> to vector<16xf32>
    %swap3A_2206 = vector.shape_cast %broadcast_in_dim3A_1606 : vector<16xf32> to vector<1x16xf32>
    tpu.vector_store %arg10[%swap3A_2202, %swap3A_2203], %swap3A_2206 {strides = array<i32>} : memref<16x128xf32, #tpu.memory_space<vmem>>, vector<1x16xf32>,
    %swap3A_2207 = arith.constant 12 : i32
    %swap3A_2208 = arith.index_cast %swap3A_2207 : i32 to index
    %swap3A_2209 = arith.constant 64 : index
    %swap3A_2210 = tpu.vector_load %arg10[%swap3A_2208, %swap3A_2209] {strides = array<i32>} : memref<16x128xf32, #tpu.memory_space<vmem>>, vector<1x16xf32>,
    %swap3A_2211 = vector.shape_cast %swap3A_2210 : vector<1x16xf32> to vector<16xf32>
    %swap3A_2212 = vector.shape_cast %broadcast_in_dim3A_1606 : vector<16xf32> to vector<1x16xf32>
    tpu.vector_store %arg10[%swap3A_2208, %swap3A_2209], %swap3A_2212 {strides = array<i32>} : memref<16x128xf32, #tpu.memory_space<vmem>>, vector<1x16xf32>,
    %swap3A_2213 = arith.constant 12 : i32
    %swap3A_2214 = arith.index_cast %swap3A_2213 : i32 to index
    %swap3A_2215 = arith.constant 80 : index
    %swap3A_2216 = tpu.vector_load %arg10[%swap3A_2214, %swap3A_2215] {strides = array<i32>} : memref<16x128xf32, #tpu.memory_space<vmem>>, vector<1x16xf32>,
    %swap3A_2217 = vector.shape_cast %swap3A_2216 : vector<1x16xf32> to vector<16xf32>
    %swap3A_2218 = vector.shape_cast %broadcast_in_dim3A_1606 : vector<16xf32> to vector<1x16xf32>
    tpu.vector_store %arg10[%swap3A_2214, %swap3A_2215], %swap3A_2218 {strides = array<i32>} : memref<16x128xf32, #tpu.memory_space<vmem>>, vector<1x16xf32>,
    %swap3A_2219 = arith.constant 12 : i32
    %swap3A_2220 = arith.index_cast %swap3A_2219 : i32 to index
    %swap3A_2221 = arith.constant 96 : index
    %swap3A_2222 = tpu.vector_load %arg10[%swap3A_2220, %swap3A_2221] {strides = array<i32>} : memref<16x128xf32, #tpu.memory_space<vmem>>, vector<1x16xf32>,
    %swap3A_2223 = vector.shape_cast %swap3A_2222 : vector<1x16xf32> to vector<16xf32>
    %swap3A_2224 = vector.shape_cast %broadcast_in_dim3A_1606 : vector<16xf32> to vector<1x16xf32>
    tpu.vector_store %arg10[%swap3A_2220, %swap3A_2221], %swap3A_2224 {strides = array<i32>} : memref<16x128xf32, #tpu.memory_space<vmem>>, vector<1x16xf32>,
    %swap3A_2225 = arith.constant 12 : i32
    %swap3A_2226 = arith.index_cast %swap3A_2225 : i32 to index
    %swap3A_2227 = arith.constant 112 : index
    %swap3A_2228 = tpu.vector_load %arg10[%swap3A_2226, %swap3A_2227] {strides = array<i32>} : memref<16x128xf32, #tpu.memory_space<vmem>>, vector<1x16xf32>,
    %swap3A_2229 = vector.shape_cast %swap3A_2228 : vector<1x16xf32> to vector<16xf32>
    %swap3A_2230 = vector.shape_cast %broadcast_in_dim3A_1606 : vector<16xf32> to vector<1x16xf32>
    tpu.vector_store %arg10[%swap3A_2226, %swap3A_2227], %swap3A_2230 {strides = array<i32>} : memref<16x128xf32, #tpu.memory_space<vmem>>, vector<1x16xf32>,
    %swap3A_2231 = arith.constant 13 : i32
    %swap3A_2232 = arith.index_cast %swap3A_2231 : i32 to index
    %swap3A_2233 = arith.constant 0 : index
    %swap3A_2234 = tpu.vector_load %arg10[%swap3A_2232, %swap3A_2233] {strides = array<i32>} : memref<16x128xf32, #tpu.memory_space<vmem>>, vector<1x16xf32>,
    %swap3A_2235 = vector.shape_cast %swap3A_2234 : vector<1x16xf32> to vector<16xf32>
    %swap3A_2236 = vector.shape_cast %broadcast_in_dim3A_1606 : vector<16xf32> to vector<1x16xf32>
    tpu.vector_store %arg10[%swap3A_2232, %swap3A_2233], %swap3A_2236 {strides = array<i32>} : memref<16x128xf32, #tpu.memory_space<vmem>>, vector<1x16xf32>,
    %swap3A_2237 = arith.constant 13 : i32
    %swap3A_2238 = arith.index_cast %swap3A_2237 : i32 to index
    %swap3A_2239 = arith.constant 16 : index
    %swap3A_2240 = tpu.vector_load %arg10[%swap3A_2238, %swap3A_2239] {strides = array<i32>} : memref<16x128xf32, #tpu.memory_space<vmem>>, vector<1x16xf32>,
    %swap3A_2241 = vector.shape_cast %swap3A_2240 : vector<1x16xf32> to vector<16xf32>
    %swap3A_2242 = vector.shape_cast %broadcast_in_dim3A_1606 : vector<16xf32> to vector<1x16xf32>
    tpu.vector_store %arg10[%swap3A_2238, %swap3A_2239], %swap3A_2242 {strides = array<i32>} : memref<16x128xf32, #tpu.memory_space<vmem>>, vector<1x16xf32>,
    %swap3A_2243 = arith.constant 13 : i32
    %swap3A_2244 = arith.index_cast %swap3A_2243 : i32 to index
    %swap3A_2245 = arith.constant 32 : index
    %swap3A_2246 = tpu.vector_load %arg10[%swap3A_2244, %swap3A_2245] {strides = array<i32>} : memref<16x128xf32, #tpu.memory_space<vmem>>, vector<1x16xf32>,
    %swap3A_2247 = vector.shape_cast %swap3A_2246 : vector<1x16xf32> to vector<16xf32>
    %swap3A_2248 = vector.shape_cast %broadcast_in_dim3A_1606 : vector<16xf32> to vector<1x16xf32>
    tpu.vector_store %arg10[%swap3A_2244, %swap3A_2245], %swap3A_2248 {strides = array<i32>} : memref<16x128xf32, #tpu.memory_space<vmem>>, vector<1x16xf32>,
    %swap3A_2249 = arith.constant 13 : i32
    %swap3A_2250 = arith.index_cast %swap3A_2249 : i32 to index
    %swap3A_2251 = arith.constant 48 : index
    %swap3A_2252 = tpu.vector_load %arg10[%swap3A_2250, %swap3A_2251] {strides = array<i32>} : memref<16x128xf32, #tpu.memory_space<vmem>>, vector<1x16xf32>,
    %swap3A_2253 = vector.shape_cast %swap3A_2252 : vector<1x16xf32> to vector<16xf32>
    %swap3A_2254 = vector.shape_cast %broadcast_in_dim3A_1606 : vector<16xf32> to vector<1x16xf32>
    tpu.vector_store %arg10[%swap3A_2250, %swap3A_2251], %swap3A_2254 {strides = array<i32>} : memref<16x128xf32, #tpu.memory_space<vmem>>, vector<1x16xf32>,
    %swap3A_2255 = arith.constant 13 : i32
    %swap3A_2256 = arith.index_cast %swap3A_2255 : i32 to index
    %swap3A_2257 = arith.constant 64 : index
    %swap3A_2258 = tpu.vector_load %arg10[%swap3A_2256, %swap3A_2257] {strides = array<i32>} : memref<16x128xf32, #tpu.memory_space<vmem>>, vector<1x16xf32>,
    %swap3A_2259 = vector.shape_cast %swap3A_2258 : vector<1x16xf32> to vector<16xf32>
    %swap3A_2260 = vector.shape_cast %broadcast_in_dim3A_1606 : vector<16xf32> to vector<1x16xf32>
    tpu.vector_store %arg10[%swap3A_2256, %swap3A_2257], %swap3A_2260 {strides = array<i32>} : memref<16x128xf32, #tpu.memory_space<vmem>>, vector<1x16xf32>,
    %swap3A_2261 = arith.constant 13 : i32
    %swap3A_2262 = arith.index_cast %swap3A_2261 : i32 to index
    %swap3A_2263 = arith.constant 80 : index
    %swap3A_2264 = tpu.vector_load %arg10[%swap3A_2262, %swap3A_2263] {strides = array<i32>} : memref<16x128xf32, #tpu.memory_space<vmem>>, vector<1x16xf32>,
    %swap3A_2265 = vector.shape_cast %swap3A_2264 : vector<1x16xf32> to vector<16xf32>
    %swap3A_2266 = vector.shape_cast %broadcast_in_dim3A_1606 : vector<16xf32> to vector<1x16xf32>
    tpu.vector_store %arg10[%swap3A_2262, %swap3A_2263], %swap3A_2266 {strides = array<i32>} : memref<16x128xf32, #tpu.memory_space<vmem>>, vector<1x16xf32>,
    %swap3A_2267 = arith.constant 13 : i32
    %swap3A_2268 = arith.index_cast %swap3A_2267 : i32 to index
    %swap3A_2269 = arith.constant 96 : index
    %swap3A_2270 = tpu.vector_load %arg10[%swap3A_2268, %swap3A_2269] {strides = array<i32>} : memref<16x128xf32, #tpu.memory_space<vmem>>, vector<1x16xf32>,
    %swap3A_2271 = vector.shape_cast %swap3A_2270 : vector<1x16xf32> to vector<16xf32>
    %swap3A_2272 = vector.shape_cast %broadcast_in_dim3A_1606 : vector<16xf32> to vector<1x16xf32>
    tpu.vector_store %arg10[%swap3A_2268, %swap3A_2269], %swap3A_2272 {strides = array<i32>} : memref<16x128xf32, #tpu.memory_space<vmem>>, vector<1x16xf32>,
    %swap3A_2273 = arith.constant 13 : i32
    %swap3A_2274 = arith.index_cast %swap3A_2273 : i32 to index
    %swap3A_2275 = arith.constant 112 : index
    %swap3A_2276 = tpu.vector_load %arg10[%swap3A_2274, %swap3A_2275] {strides = array<i32>} : memref<16x128xf32, #tpu.memory_space<vmem>>, vector<1x16xf32>,
    %swap3A_2277 = vector.shape_cast %swap3A_2276 : vector<1x16xf32> to vector<16xf32>
    %swap3A_2278 = vector.shape_cast %broadcast_in_dim3A_1606 : vector<16xf32> to vector<1x16xf32>
    tpu.vector_store %arg10[%swap3A_2274, %swap3A_2275], %swap3A_2278 {strides = array<i32>} : memref<16x128xf32, #tpu.memory_space<vmem>>, vector<1x16xf32>,
    %swap3A_2279 = arith.constant 14 : i32
    %swap3A_2280 = arith.index_cast %swap3A_2279 : i32 to index
    %swap3A_2281 = arith.constant 0 : index
    %swap3A_2282 = tpu.vector_load %arg10[%swap3A_2280, %swap3A_2281] {strides = array<i32>} : memref<16x128xf32, #tpu.memory_space<vmem>>, vector<1x16xf32>,
    %swap3A_2283 = vector.shape_cast %swap3A_2282 : vector<1x16xf32> to vector<16xf32>
    %swap3A_2284 = vector.shape_cast %broadcast_in_dim3A_1606 : vector<16xf32> to vector<1x16xf32>
    tpu.vector_store %arg10[%swap3A_2280, %swap3A_2281], %swap3A_2284 {strides = array<i32>} : memref<16x128xf32, #tpu.memory_space<vmem>>, vector<1x16xf32>,
    %swap3A_2285 = arith.constant 14 : i32
    %swap3A_2286 = arith.index_cast %swap3A_2285 : i32 to index
    %swap3A_2287 = arith.constant 16 : index
    %swap3A_2288 = tpu.vector_load %arg10[%swap3A_2286, %swap3A_2287] {strides = array<i32>} : memref<16x128xf32, #tpu.memory_space<vmem>>, vector<1x16xf32>,
    %swap3A_2289 = vector.shape_cast %swap3A_2288 : vector<1x16xf32> to vector<16xf32>
    %swap3A_2290 = vector.shape_cast %broadcast_in_dim3A_1606 : vector<16xf32> to vector<1x16xf32>
    tpu.vector_store %arg10[%swap3A_2286, %swap3A_2287], %swap3A_2290 {strides = array<i32>} : memref<16x128xf32, #tpu.memory_space<vmem>>, vector<1x16xf32>,
    %swap3A_2291 = arith.constant 14 : i32
    %swap3A_2292 = arith.index_cast %swap3A_2291 : i32 to index
    %swap3A_2293 = arith.constant 32 : index
    %swap3A_2294 = tpu.vector_load %arg10[%swap3A_2292, %swap3A_2293] {strides = array<i32>} : memref<16x128xf32, #tpu.memory_space<vmem>>, vector<1x16xf32>,
    %swap3A_2295 = vector.shape_cast %swap3A_2294 : vector<1x16xf32> to vector<16xf32>
    %swap3A_2296 = vector.shape_cast %broadcast_in_dim3A_1606 : vector<16xf32> to vector<1x16xf32>
    tpu.vector_store %arg10[%swap3A_2292, %swap3A_2293], %swap3A_2296 {strides = array<i32>} : memref<16x128xf32, #tpu.memory_space<vmem>>, vector<1x16xf32>,
    %swap3A_2297 = arith.constant 14 : i32
    %swap3A_2298 = arith.index_cast %swap3A_2297 : i32 to index
    %swap3A_2299 = arith.constant 48 : index
    %swap3A_2300 = tpu.vector_load %arg10[%swap3A_2298, %swap3A_2299] {strides = array<i32>} : memref<16x128xf32, #tpu.memory_space<vmem>>, vector<1x16xf32>,
    %swap3A_2301 = vector.shape_cast %swap3A_2300 : vector<1x16xf32> to vector<16xf32>
    %swap3A_2302 = vector.shape_cast %broadcast_in_dim3A_1606 : vector<16xf32> to vector<1x16xf32>
    tpu.vector_store %arg10[%swap3A_2298, %swap3A_2299], %swap3A_2302 {strides = array<i32>} : memref<16x128xf32, #tpu.memory_space<vmem>>, vector<1x16xf32>,
    %swap3A_2303 = arith.constant 14 : i32
    %swap3A_2304 = arith.index_cast %swap3A_2303 : i32 to index
    %swap3A_2305 = arith.constant 64 : index
    %swap3A_2306 = tpu.vector_load %arg10[%swap3A_2304, %swap3A_2305] {strides = array<i32>} : memref<16x128xf32, #tpu.memory_space<vmem>>, vector<1x16xf32>,
    %swap3A_2307 = vector.shape_cast %swap3A_2306 : vector<1x16xf32> to vector<16xf32>
    %swap3A_2308 = vector.shape_cast %broadcast_in_dim3A_1606 : vector<16xf32> to vector<1x16xf32>
    tpu.vector_store %arg10[%swap3A_2304, %swap3A_2305], %swap3A_2308 {strides = array<i32>} : memref<16x128xf32, #tpu.memory_space<vmem>>, vector<1x16xf32>,
    %swap3A_2309 = arith.constant 14 : i32
    %swap3A_2310 = arith.index_cast %swap3A_2309 : i32 to index
    %swap3A_2311 = arith.constant 80 : index
    %swap3A_2312 = tpu.vector_load %arg10[%swap3A_2310, %swap3A_2311] {strides = array<i32>} : memref<16x128xf32, #tpu.memory_space<vmem>>, vector<1x16xf32>,
    %swap3A_2313 = vector.shape_cast %swap3A_2312 : vector<1x16xf32> to vector<16xf32>
    %swap3A_2314 = vector.shape_cast %broadcast_in_dim3A_1606 : vector<16xf32> to vector<1x16xf32>
    tpu.vector_store %arg10[%swap3A_2310, %swap3A_2311], %swap3A_2314 {strides = array<i32>} : memref<16x128xf32, #tpu.memory_space<vmem>>, vector<1x16xf32>,
    %swap3A_2315 = arith.constant 14 : i32
    %swap3A_2316 = arith.index_cast %swap3A_2315 : i32 to index
    %swap3A_2317 = arith.constant 96 : index
    %swap3A_2318 = tpu.vector_load %arg10[%swap3A_2316, %swap3A_2317] {strides = array<i32>} : memref<16x128xf32, #tpu.memory_space<vmem>>, vector<1x16xf32>,
    %swap3A_2319 = vector.shape_cast %swap3A_2318 : vector<1x16xf32> to vector<16xf32>
    %swap3A_2320 = vector.shape_cast %broadcast_in_dim3A_1606 : vector<16xf32> to vector<1x16xf32>
    tpu.vector_store %arg10[%swap3A_2316, %swap3A_2317], %swap3A_2320 {strides = array<i32>} : memref<16x128xf32, #tpu.memory_space<vmem>>, vector<1x16xf32>,
    %swap3A_2321 = arith.constant 14 : i32
    %swap3A_2322 = arith.index_cast %swap3A_2321 : i32 to index
    %swap3A_2323 = arith.constant 112 : index
    %swap3A_2324 = tpu.vector_load %arg10[%swap3A_2322, %swap3A_2323] {strides = array<i32>} : memref<16x128xf32, #tpu.memory_space<vmem>>, vector<1x16xf32>,
    %swap3A_2325 = vector.shape_cast %swap3A_2324 : vector<1x16xf32> to vector<16xf32>
    %swap3A_2326 = vector.shape_cast %broadcast_in_dim3A_1606 : vector<16xf32> to vector<1x16xf32>
    tpu.vector_store %arg10[%swap3A_2322, %swap3A_2323], %swap3A_2326 {strides = array<i32>} : memref<16x128xf32, #tpu.memory_space<vmem>>, vector<1x16xf32>,
    %swap3A_2327 = arith.constant 15 : i32
    %swap3A_2328 = arith.index_cast %swap3A_2327 : i32 to index
    %swap3A_2329 = arith.constant 0 : index
    %swap3A_2330 = tpu.vector_load %arg10[%swap3A_2328, %swap3A_2329] {strides = array<i32>} : memref<16x128xf32, #tpu.memory_space<vmem>>, vector<1x16xf32>,
    %swap3A_2331 = vector.shape_cast %swap3A_2330 : vector<1x16xf32> to vector<16xf32>
    %swap3A_2332 = vector.shape_cast %broadcast_in_dim3A_1606 : vector<16xf32> to vector<1x16xf32>
    tpu.vector_store %arg10[%swap3A_2328, %swap3A_2329], %swap3A_2332 {strides = array<i32>} : memref<16x128xf32, #tpu.memory_space<vmem>>, vector<1x16xf32>,
    %swap3A_2333 = arith.constant 15 : i32
    %swap3A_2334 = arith.index_cast %swap3A_2333 : i32 to index
    %swap3A_2335 = arith.constant 16 : index
    %swap3A_2336 = tpu.vector_load %arg10[%swap3A_2334, %swap3A_2335] {strides = array<i32>} : memref<16x128xf32, #tpu.memory_space<vmem>>, vector<1x16xf32>,
    %swap3A_2337 = vector.shape_cast %swap3A_2336 : vector<1x16xf32> to vector<16xf32>
    %swap3A_2338 = vector.shape_cast %broadcast_in_dim3A_1606 : vector<16xf32> to vector<1x16xf32>
    tpu.vector_store %arg10[%swap3A_2334, %swap3A_2335], %swap3A_2338 {strides = array<i32>} : memref<16x128xf32, #tpu.memory_space<vmem>>, vector<1x16xf32>,
    %swap3A_2339 = arith.constant 15 : i32
    %swap3A_2340 = arith.index_cast %swap3A_2339 : i32 to index
    %swap3A_2341 = arith.constant 32 : index
    %swap3A_2342 = tpu.vector_load %arg10[%swap3A_2340, %swap3A_2341] {strides = array<i32>} : memref<16x128xf32, #tpu.memory_space<vmem>>, vector<1x16xf32>,
    %swap3A_2343 = vector.shape_cast %swap3A_2342 : vector<1x16xf32> to vector<16xf32>
    %swap3A_2344 = vector.shape_cast %broadcast_in_dim3A_1606 : vector<16xf32> to vector<1x16xf32>
    tpu.vector_store %arg10[%swap3A_2340, %swap3A_2341], %swap3A_2344 {strides = array<i32>} : memref<16x128xf32, #tpu.memory_space<vmem>>, vector<1x16xf32>,
    %swap3A_2345 = arith.constant 15 : i32
    %swap3A_2346 = arith.index_cast %swap3A_2345 : i32 to index
    %swap3A_2347 = arith.constant 48 : index
    %swap3A_2348 = tpu.vector_load %arg10[%swap3A_2346, %swap3A_2347] {strides = array<i32>} : memref<16x128xf32, #tpu.memory_space<vmem>>, vector<1x16xf32>,
    %swap3A_2349 = vector.shape_cast %swap3A_2348 : vector<1x16xf32> to vector<16xf32>
    %swap3A_2350 = vector.shape_cast %broadcast_in_dim3A_1606 : vector<16xf32> to vector<1x16xf32>
    tpu.vector_store %arg10[%swap3A_2346, %swap3A_2347], %swap3A_2350 {strides = array<i32>} : memref<16x128xf32, #tpu.memory_space<vmem>>, vector<1x16xf32>,
    %swap3A_2351 = arith.constant 15 : i32
    %swap3A_2352 = arith.index_cast %swap3A_2351 : i32 to index
    %swap3A_2353 = arith.constant 64 : index
    %swap3A_2354 = tpu.vector_load %arg10[%swap3A_2352, %swap3A_2353] {strides = array<i32>} : memref<16x128xf32, #tpu.memory_space<vmem>>, vector<1x16xf32>,
    %swap3A_2355 = vector.shape_cast %swap3A_2354 : vector<1x16xf32> to vector<16xf32>
    %swap3A_2356 = vector.shape_cast %broadcast_in_dim3A_1606 : vector<16xf32> to vector<1x16xf32>
    tpu.vector_store %arg10[%swap3A_2352, %swap3A_2353], %swap3A_2356 {strides = array<i32>} : memref<16x128xf32, #tpu.memory_space<vmem>>, vector<1x16xf32>,
    %swap3A_2357 = arith.constant 15 : i32
    %swap3A_2358 = arith.index_cast %swap3A_2357 : i32 to index
    %swap3A_2359 = arith.constant 80 : index
    %swap3A_2360 = tpu.vector_load %arg10[%swap3A_2358, %swap3A_2359] {strides = array<i32>} : memref<16x128xf32, #tpu.memory_space<vmem>>, vector<1x16xf32>,
    %swap3A_2361 = vector.shape_cast %swap3A_2360 : vector<1x16xf32> to vector<16xf32>
    %swap3A_2362 = vector.shape_cast %broadcast_in_dim3A_1606 : vector<16xf32> to vector<1x16xf32>
    tpu.vector_store %arg10[%swap3A_2358, %swap3A_2359], %swap3A_2362 {strides = array<i32>} : memref<16x128xf32, #tpu.memory_space<vmem>>, vector<1x16xf32>,
    %swap3A_2363 = arith.constant 15 : i32
    %swap3A_2364 = arith.index_cast %swap3A_2363 : i32 to index
    %swap3A_2365 = arith.constant 96 : index
    %swap3A_2366 = tpu.vector_load %arg10[%swap3A_2364, %swap3A_2365] {strides = array<i32>} : memref<16x128xf32, #tpu.memory_space<vmem>>, vector<1x16xf32>,
    %swap3A_2367 = vector.shape_cast %swap3A_2366 : vector<1x16xf32> to vector<16xf32>
    %swap3A_2368 = vector.shape_cast %broadcast_in_dim3A_1606 : vector<16xf32> to vector<1x16xf32>
    tpu.vector_store %arg10[%swap3A_2364, %swap3A_2365], %swap3A_2368 {strides = array<i32>} : memref<16x128xf32, #tpu.memory_space<vmem>>, vector<1x16xf32>,
    %swap3A_2369 = arith.constant 15 : i32
    %swap3A_2370 = arith.index_cast %swap3A_2369 : i32 to index
    %swap3A_2371 = arith.constant 112 : index
    %swap3A_2372 = tpu.vector_load %arg10[%swap3A_2370, %swap3A_2371] {strides = array<i32>} : memref<16x128xf32, #tpu.memory_space<vmem>>, vector<1x16xf32>,
    %swap3A_2373 = vector.shape_cast %swap3A_2372 : vector<1x16xf32> to vector<16xf32>
    %swap3A_2374 = vector.shape_cast %broadcast_in_dim3A_1606 : vector<16xf32> to vector<1x16xf32>
    tpu.vector_store %arg10[%swap3A_2370, %swap3A_2371], %swap3A_2374 {strides = array<i32>} : memref<16x128xf32, #tpu.memory_space<vmem>>, vector<1x16xf32>,
    %mul3A_2375 = arith.constant 208 : i32
    %mul3A_2376 = arith.muli %arg1, %mul3A_2375 : i32
    %add3A_2377 = arith.constant 0 : i32
    %add3A_2378 = arith.addi %mul3A_2376, %add3A_2377 : i32
    "tpu.region"() ({
      %run_scoped3A = tpu.sem_alloc : memref<!tpu.dma_semaphore, #tpu.memory_space<semaphore_mem>>
      %dma_start3A_2584 = arith.constant 0 : i32
      %dma_start3A_2585 = tpu.memref_slice %arg11[%add3A_2378, %dma_start3A_2584] : memref<3328x128xf32, #tpu.memory_space<vmem_shared>> -> memref<16x128xf32, #tpu.memory_space<vmem_shared>>
      %dma_start3A_2586 = arith.constant 0 : i32
      %dma_start3A_2587 = tpu.memref_slice %arg11[%add3A_2378, %dma_start3A_2586] : memref<3328x128xf32, #tpu.memory_space<vmem_shared>> -> memref<16x128xf32, #tpu.memory_space<vmem_shared>>
      tpu.enqueue_dma source(%arg10 : memref<16x128xf32, #tpu.memory_space<vmem>>) target(%dma_start3A_2587 : memref<16x128xf32, #tpu.memory_space<vmem_shared>>) target_semaphore(%run_scoped3A : memref<!tpu.dma_semaphore, #tpu.memory_space<semaphore_mem>>)
      %dma_wait3A_2588 = arith.constant 0 : i32
      %dma_wait3A_2589 = tpu.memref_slice %arg11[%add3A_2378, %dma_wait3A_2588] : memref<3328x128xf32, #tpu.memory_space<vmem_shared>> -> memref<16x128xf32, #tpu.memory_space<vmem_shared>>
      %dma_wait3A_2590 = arith.constant 0 : i32
      %dma_wait3A_2591 = tpu.memref_slice %arg11[%add3A_2378, %dma_wait3A_2590] : memref<3328x128xf32, #tpu.memory_space<vmem_shared>> -> memref<16x128xf32, #tpu.memory_space<vmem_shared>>
      tpu.wait_dma2 semaphore(%run_scoped3A : memref<!tpu.dma_semaphore, #tpu.memory_space<semaphore_mem>>) src(%arg10 : memref<16x128xf32, #tpu.memory_space<vmem>>) dst(%dma_wait3A_2591 : memref<16x128xf32, #tpu.memory_space<vmem_shared>>)
      tpu.yield
    }) : () -> ()
    %mul3A_2379 = arith.constant 208 : i32
    %mul3A_2380 = arith.muli %arg1, %mul3A_2379 : i32
    %add3A_2381 = arith.constant 16 : i32
    %add3A_2382 = arith.addi %mul3A_2380, %add3A_2381 : i32
    "tpu.region"() ({
      %run_scoped3A = tpu.sem_alloc : memref<!tpu.dma_semaphore, #tpu.memory_space<semaphore_mem>>
      %dma_start3A_2584 = arith.constant 0 : i32
      %dma_start3A_2585 = tpu.memref_slice %arg11[%add3A_2382, %dma_start3A_2584] : memref<3328x128xf32, #tpu.memory_space<vmem_shared>> -> memref<16x128xf32, #tpu.memory_space<vmem_shared>>
      %dma_start3A_2586 = arith.constant 0 : i32
      %dma_start3A_2587 = tpu.memref_slice %arg11[%add3A_2382, %dma_start3A_2586] : memref<3328x128xf32, #tpu.memory_space<vmem_shared>> -> memref<16x128xf32, #tpu.memory_space<vmem_shared>>
      tpu.enqueue_dma source(%arg10 : memref<16x128xf32, #tpu.memory_space<vmem>>) target(%dma_start3A_2587 : memref<16x128xf32, #tpu.memory_space<vmem_shared>>) target_semaphore(%run_scoped3A : memref<!tpu.dma_semaphore, #tpu.memory_space<semaphore_mem>>)
      %dma_wait3A_2588 = arith.constant 0 : i32
      %dma_wait3A_2589 = tpu.memref_slice %arg11[%add3A_2382, %dma_wait3A_2588] : memref<3328x128xf32, #tpu.memory_space<vmem_shared>> -> memref<16x128xf32, #tpu.memory_space<vmem_shared>>
      %dma_wait3A_2590 = arith.constant 0 : i32
      %dma_wait3A_2591 = tpu.memref_slice %arg11[%add3A_2382, %dma_wait3A_2590] : memref<3328x128xf32, #tpu.memory_space<vmem_shared>> -> memref<16x128xf32, #tpu.memory_space<vmem_shared>>
      tpu.wait_dma2 semaphore(%run_scoped3A : memref<!tpu.dma_semaphore, #tpu.memory_space<semaphore_mem>>) src(%arg10 : memref<16x128xf32, #tpu.memory_space<vmem>>) dst(%dma_wait3A_2591 : memref<16x128xf32, #tpu.memory_space<vmem_shared>>)
      tpu.yield
    }) : () -> ()
    %mul3A_2383 = arith.constant 208 : i32
    %mul3A_2384 = arith.muli %arg1, %mul3A_2383 : i32
    %add3A_2385 = arith.constant 32 : i32
    %add3A_2386 = arith.addi %mul3A_2384, %add3A_2385 : i32
    "tpu.region"() ({
      %run_scoped3A = tpu.sem_alloc : memref<!tpu.dma_semaphore, #tpu.memory_space<semaphore_mem>>
      %dma_start3A_2584 = arith.constant 0 : i32
      %dma_start3A_2585 = tpu.memref_slice %arg11[%add3A_2386, %dma_start3A_2584] : memref<3328x128xf32, #tpu.memory_space<vmem_shared>> -> memref<16x128xf32, #tpu.memory_space<vmem_shared>>
      %dma_start3A_2586 = arith.constant 0 : i32
      %dma_start3A_2587 = tpu.memref_slice %arg11[%add3A_2386, %dma_start3A_2586] : memref<3328x128xf32, #tpu.memory_space<vmem_shared>> -> memref<16x128xf32, #tpu.memory_space<vmem_shared>>
      tpu.enqueue_dma source(%arg10 : memref<16x128xf32, #tpu.memory_space<vmem>>) target(%dma_start3A_2587 : memref<16x128xf32, #tpu.memory_space<vmem_shared>>) target_semaphore(%run_scoped3A : memref<!tpu.dma_semaphore, #tpu.memory_space<semaphore_mem>>)
      %dma_wait3A_2588 = arith.constant 0 : i32
      %dma_wait3A_2589 = tpu.memref_slice %arg11[%add3A_2386, %dma_wait3A_2588] : memref<3328x128xf32, #tpu.memory_space<vmem_shared>> -> memref<16x128xf32, #tpu.memory_space<vmem_shared>>
      %dma_wait3A_2590 = arith.constant 0 : i32
      %dma_wait3A_2591 = tpu.memref_slice %arg11[%add3A_2386, %dma_wait3A_2590] : memref<3328x128xf32, #tpu.memory_space<vmem_shared>> -> memref<16x128xf32, #tpu.memory_space<vmem_shared>>
      tpu.wait_dma2 semaphore(%run_scoped3A : memref<!tpu.dma_semaphore, #tpu.memory_space<semaphore_mem>>) src(%arg10 : memref<16x128xf32, #tpu.memory_space<vmem>>) dst(%dma_wait3A_2591 : memref<16x128xf32, #tpu.memory_space<vmem_shared>>)
      tpu.yield
    }) : () -> ()
    %mul3A_2387 = arith.constant 208 : i32
    %mul3A_2388 = arith.muli %arg1, %mul3A_2387 : i32
    %add3A_2389 = arith.constant 48 : i32
    %add3A_2390 = arith.addi %mul3A_2388, %add3A_2389 : i32
    "tpu.region"() ({
      %run_scoped3A = tpu.sem_alloc : memref<!tpu.dma_semaphore, #tpu.memory_space<semaphore_mem>>
      %dma_start3A_2584 = arith.constant 0 : i32
      %dma_start3A_2585 = tpu.memref_slice %arg11[%add3A_2390, %dma_start3A_2584] : memref<3328x128xf32, #tpu.memory_space<vmem_shared>> -> memref<16x128xf32, #tpu.memory_space<vmem_shared>>
      %dma_start3A_2586 = arith.constant 0 : i32
      %dma_start3A_2587 = tpu.memref_slice %arg11[%add3A_2390, %dma_start3A_2586] : memref<3328x128xf32, #tpu.memory_space<vmem_shared>> -> memref<16x128xf32, #tpu.memory_space<vmem_shared>>
      tpu.enqueue_dma source(%arg10 : memref<16x128xf32, #tpu.memory_space<vmem>>) target(%dma_start3A_2587 : memref<16x128xf32, #tpu.memory_space<vmem_shared>>) target_semaphore(%run_scoped3A : memref<!tpu.dma_semaphore, #tpu.memory_space<semaphore_mem>>)
      %dma_wait3A_2588 = arith.constant 0 : i32
      %dma_wait3A_2589 = tpu.memref_slice %arg11[%add3A_2390, %dma_wait3A_2588] : memref<3328x128xf32, #tpu.memory_space<vmem_shared>> -> memref<16x128xf32, #tpu.memory_space<vmem_shared>>
      %dma_wait3A_2590 = arith.constant 0 : i32
      %dma_wait3A_2591 = tpu.memref_slice %arg11[%add3A_2390, %dma_wait3A_2590] : memref<3328x128xf32, #tpu.memory_space<vmem_shared>> -> memref<16x128xf32, #tpu.memory_space<vmem_shared>>
      tpu.wait_dma2 semaphore(%run_scoped3A : memref<!tpu.dma_semaphore, #tpu.memory_space<semaphore_mem>>) src(%arg10 : memref<16x128xf32, #tpu.memory_space<vmem>>) dst(%dma_wait3A_2591 : memref<16x128xf32, #tpu.memory_space<vmem_shared>>)
      tpu.yield
    }) : () -> ()
    %mul3A_2391 = arith.constant 208 : i32
    %mul3A_2392 = arith.muli %arg1, %mul3A_2391 : i32
    %add3A_2393 = arith.constant 64 : i32
    %add3A_2394 = arith.addi %mul3A_2392, %add3A_2393 : i32
    "tpu.region"() ({
      %run_scoped3A = tpu.sem_alloc : memref<!tpu.dma_semaphore, #tpu.memory_space<semaphore_mem>>
      %dma_start3A_2584 = arith.constant 0 : i32
      %dma_start3A_2585 = tpu.memref_slice %arg11[%add3A_2394, %dma_start3A_2584] : memref<3328x128xf32, #tpu.memory_space<vmem_shared>> -> memref<16x128xf32, #tpu.memory_space<vmem_shared>>
      %dma_start3A_2586 = arith.constant 0 : i32
      %dma_start3A_2587 = tpu.memref_slice %arg11[%add3A_2394, %dma_start3A_2586] : memref<3328x128xf32, #tpu.memory_space<vmem_shared>> -> memref<16x128xf32, #tpu.memory_space<vmem_shared>>
      tpu.enqueue_dma source(%arg10 : memref<16x128xf32, #tpu.memory_space<vmem>>) target(%dma_start3A_2587 : memref<16x128xf32, #tpu.memory_space<vmem_shared>>) target_semaphore(%run_scoped3A : memref<!tpu.dma_semaphore, #tpu.memory_space<semaphore_mem>>)
      %dma_wait3A_2588 = arith.constant 0 : i32
      %dma_wait3A_2589 = tpu.memref_slice %arg11[%add3A_2394, %dma_wait3A_2588] : memref<3328x128xf32, #tpu.memory_space<vmem_shared>> -> memref<16x128xf32, #tpu.memory_space<vmem_shared>>
      %dma_wait3A_2590 = arith.constant 0 : i32
      %dma_wait3A_2591 = tpu.memref_slice %arg11[%add3A_2394, %dma_wait3A_2590] : memref<3328x128xf32, #tpu.memory_space<vmem_shared>> -> memref<16x128xf32, #tpu.memory_space<vmem_shared>>
      tpu.wait_dma2 semaphore(%run_scoped3A : memref<!tpu.dma_semaphore, #tpu.memory_space<semaphore_mem>>) src(%arg10 : memref<16x128xf32, #tpu.memory_space<vmem>>) dst(%dma_wait3A_2591 : memref<16x128xf32, #tpu.memory_space<vmem_shared>>)
      tpu.yield
    }) : () -> ()
    %mul3A_2395 = arith.constant 208 : i32
    %mul3A_2396 = arith.muli %arg1, %mul3A_2395 : i32
    %add3A_2397 = arith.constant 80 : i32
    %add3A_2398 = arith.addi %mul3A_2396, %add3A_2397 : i32
    "tpu.region"() ({
      %run_scoped3A = tpu.sem_alloc : memref<!tpu.dma_semaphore, #tpu.memory_space<semaphore_mem>>
      %dma_start3A_2584 = arith.constant 0 : i32
      %dma_start3A_2585 = tpu.memref_slice %arg11[%add3A_2398, %dma_start3A_2584] : memref<3328x128xf32, #tpu.memory_space<vmem_shared>> -> memref<16x128xf32, #tpu.memory_space<vmem_shared>>
      %dma_start3A_2586 = arith.constant 0 : i32
      %dma_start3A_2587 = tpu.memref_slice %arg11[%add3A_2398, %dma_start3A_2586] : memref<3328x128xf32, #tpu.memory_space<vmem_shared>> -> memref<16x128xf32, #tpu.memory_space<vmem_shared>>
      tpu.enqueue_dma source(%arg10 : memref<16x128xf32, #tpu.memory_space<vmem>>) target(%dma_start3A_2587 : memref<16x128xf32, #tpu.memory_space<vmem_shared>>) target_semaphore(%run_scoped3A : memref<!tpu.dma_semaphore, #tpu.memory_space<semaphore_mem>>)
      %dma_wait3A_2588 = arith.constant 0 : i32
      %dma_wait3A_2589 = tpu.memref_slice %arg11[%add3A_2398, %dma_wait3A_2588] : memref<3328x128xf32, #tpu.memory_space<vmem_shared>> -> memref<16x128xf32, #tpu.memory_space<vmem_shared>>
      %dma_wait3A_2590 = arith.constant 0 : i32
      %dma_wait3A_2591 = tpu.memref_slice %arg11[%add3A_2398, %dma_wait3A_2590] : memref<3328x128xf32, #tpu.memory_space<vmem_shared>> -> memref<16x128xf32, #tpu.memory_space<vmem_shared>>
      tpu.wait_dma2 semaphore(%run_scoped3A : memref<!tpu.dma_semaphore, #tpu.memory_space<semaphore_mem>>) src(%arg10 : memref<16x128xf32, #tpu.memory_space<vmem>>) dst(%dma_wait3A_2591 : memref<16x128xf32, #tpu.memory_space<vmem_shared>>)
      tpu.yield
    }) : () -> ()
    %mul3A_2399 = arith.constant 208 : i32
    %mul3A_2400 = arith.muli %arg1, %mul3A_2399 : i32
    %add3A_2401 = arith.constant 96 : i32
    %add3A_2402 = arith.addi %mul3A_2400, %add3A_2401 : i32
    "tpu.region"() ({
      %run_scoped3A = tpu.sem_alloc : memref<!tpu.dma_semaphore, #tpu.memory_space<semaphore_mem>>
      %dma_start3A_2584 = arith.constant 0 : i32
      %dma_start3A_2585 = tpu.memref_slice %arg11[%add3A_2402, %dma_start3A_2584] : memref<3328x128xf32, #tpu.memory_space<vmem_shared>> -> memref<16x128xf32, #tpu.memory_space<vmem_shared>>
      %dma_start3A_2586 = arith.constant 0 : i32
      %dma_start3A_2587 = tpu.memref_slice %arg11[%add3A_2402, %dma_start3A_2586] : memref<3328x128xf32, #tpu.memory_space<vmem_shared>> -> memref<16x128xf32, #tpu.memory_space<vmem_shared>>
      tpu.enqueue_dma source(%arg10 : memref<16x128xf32, #tpu.memory_space<vmem>>) target(%dma_start3A_2587 : memref<16x128xf32, #tpu.memory_space<vmem_shared>>) target_semaphore(%run_scoped3A : memref<!tpu.dma_semaphore, #tpu.memory_space<semaphore_mem>>)
      %dma_wait3A_2588 = arith.constant 0 : i32
      %dma_wait3A_2589 = tpu.memref_slice %arg11[%add3A_2402, %dma_wait3A_2588] : memref<3328x128xf32, #tpu.memory_space<vmem_shared>> -> memref<16x128xf32, #tpu.memory_space<vmem_shared>>
      %dma_wait3A_2590 = arith.constant 0 : i32
      %dma_wait3A_2591 = tpu.memref_slice %arg11[%add3A_2402, %dma_wait3A_2590] : memref<3328x128xf32, #tpu.memory_space<vmem_shared>> -> memref<16x128xf32, #tpu.memory_space<vmem_shared>>
      tpu.wait_dma2 semaphore(%run_scoped3A : memref<!tpu.dma_semaphore, #tpu.memory_space<semaphore_mem>>) src(%arg10 : memref<16x128xf32, #tpu.memory_space<vmem>>) dst(%dma_wait3A_2591 : memref<16x128xf32, #tpu.memory_space<vmem_shared>>)
      tpu.yield
    }) : () -> ()
    %mul3A_2403 = arith.constant 208 : i32
    %mul3A_2404 = arith.muli %arg1, %mul3A_2403 : i32
    %add3A_2405 = arith.constant 112 : i32
    %add3A_2406 = arith.addi %mul3A_2404, %add3A_2405 : i32
    "tpu.region"() ({
      %run_scoped3A = tpu.sem_alloc : memref<!tpu.dma_semaphore, #tpu.memory_space<semaphore_mem>>
      %dma_start3A_2584 = arith.constant 0 : i32
      %dma_start3A_2585 = tpu.memref_slice %arg11[%add3A_2406, %dma_start3A_2584] : memref<3328x128xf32, #tpu.memory_space<vmem_shared>> -> memref<16x128xf32, #tpu.memory_space<vmem_shared>>
      %dma_start3A_2586 = arith.constant 0 : i32
      %dma_start3A_2587 = tpu.memref_slice %arg11[%add3A_2406, %dma_start3A_2586] : memref<3328x128xf32, #tpu.memory_space<vmem_shared>> -> memref<16x128xf32, #tpu.memory_space<vmem_shared>>
      tpu.enqueue_dma source(%arg10 : memref<16x128xf32, #tpu.memory_space<vmem>>) target(%dma_start3A_2587 : memref<16x128xf32, #tpu.memory_space<vmem_shared>>) target_semaphore(%run_scoped3A : memref<!tpu.dma_semaphore, #tpu.memory_space<semaphore_mem>>)
      %dma_wait3A_2588 = arith.constant 0 : i32
      %dma_wait3A_2589 = tpu.memref_slice %arg11[%add3A_2406, %dma_wait3A_2588] : memref<3328x128xf32, #tpu.memory_space<vmem_shared>> -> memref<16x128xf32, #tpu.memory_space<vmem_shared>>
      %dma_wait3A_2590 = arith.constant 0 : i32
      %dma_wait3A_2591 = tpu.memref_slice %arg11[%add3A_2406, %dma_wait3A_2590] : memref<3328x128xf32, #tpu.memory_space<vmem_shared>> -> memref<16x128xf32, #tpu.memory_space<vmem_shared>>
      tpu.wait_dma2 semaphore(%run_scoped3A : memref<!tpu.dma_semaphore, #tpu.memory_space<semaphore_mem>>) src(%arg10 : memref<16x128xf32, #tpu.memory_space<vmem>>) dst(%dma_wait3A_2591 : memref<16x128xf32, #tpu.memory_space<vmem_shared>>)
      tpu.yield
    }) : () -> ()
    %mul3A_2407 = arith.constant 208 : i32
    %mul3A_2408 = arith.muli %arg1, %mul3A_2407 : i32
    %add3A_2409 = arith.constant 128 : i32
    %add3A_2410 = arith.addi %mul3A_2408, %add3A_2409 : i32
    "tpu.region"() ({
      %run_scoped3A = tpu.sem_alloc : memref<!tpu.dma_semaphore, #tpu.memory_space<semaphore_mem>>
      %dma_start3A_2584 = arith.constant 0 : i32
      %dma_start3A_2585 = tpu.memref_slice %arg11[%add3A_2410, %dma_start3A_2584] : memref<3328x128xf32, #tpu.memory_space<vmem_shared>> -> memref<16x128xf32, #tpu.memory_space<vmem_shared>>
      %dma_start3A_2586 = arith.constant 0 : i32
      %dma_start3A_2587 = tpu.memref_slice %arg11[%add3A_2410, %dma_start3A_2586] : memref<3328x128xf32, #tpu.memory_space<vmem_shared>> -> memref<16x128xf32, #tpu.memory_space<vmem_shared>>
      tpu.enqueue_dma source(%arg10 : memref<16x128xf32, #tpu.memory_space<vmem>>) target(%dma_start3A_2587 : memref<16x128xf32, #tpu.memory_space<vmem_shared>>) target_semaphore(%run_scoped3A : memref<!tpu.dma_semaphore, #tpu.memory_space<semaphore_mem>>)
      %dma_wait3A_2588 = arith.constant 0 : i32
      %dma_wait3A_2589 = tpu.memref_slice %arg11[%add3A_2410, %dma_wait3A_2588] : memref<3328x128xf32, #tpu.memory_space<vmem_shared>> -> memref<16x128xf32, #tpu.memory_space<vmem_shared>>
      %dma_wait3A_2590 = arith.constant 0 : i32
      %dma_wait3A_2591 = tpu.memref_slice %arg11[%add3A_2410, %dma_wait3A_2590] : memref<3328x128xf32, #tpu.memory_space<vmem_shared>> -> memref<16x128xf32, #tpu.memory_space<vmem_shared>>
      tpu.wait_dma2 semaphore(%run_scoped3A : memref<!tpu.dma_semaphore, #tpu.memory_space<semaphore_mem>>) src(%arg10 : memref<16x128xf32, #tpu.memory_space<vmem>>) dst(%dma_wait3A_2591 : memref<16x128xf32, #tpu.memory_space<vmem_shared>>)
      tpu.yield
    }) : () -> ()
    %mul3A_2411 = arith.constant 208 : i32
    %mul3A_2412 = arith.muli %arg1, %mul3A_2411 : i32
    %add3A_2413 = arith.constant 144 : i32
    %add3A_2414 = arith.addi %mul3A_2412, %add3A_2413 : i32
    "tpu.region"() ({
      %run_scoped3A = tpu.sem_alloc : memref<!tpu.dma_semaphore, #tpu.memory_space<semaphore_mem>>
      %dma_start3A_2584 = arith.constant 0 : i32
      %dma_start3A_2585 = tpu.memref_slice %arg11[%add3A_2414, %dma_start3A_2584] : memref<3328x128xf32, #tpu.memory_space<vmem_shared>> -> memref<16x128xf32, #tpu.memory_space<vmem_shared>>
      %dma_start3A_2586 = arith.constant 0 : i32
      %dma_start3A_2587 = tpu.memref_slice %arg11[%add3A_2414, %dma_start3A_2586] : memref<3328x128xf32, #tpu.memory_space<vmem_shared>> -> memref<16x128xf32, #tpu.memory_space<vmem_shared>>
      tpu.enqueue_dma source(%arg10 : memref<16x128xf32, #tpu.memory_space<vmem>>) target(%dma_start3A_2587 : memref<16x128xf32, #tpu.memory_space<vmem_shared>>) target_semaphore(%run_scoped3A : memref<!tpu.dma_semaphore, #tpu.memory_space<semaphore_mem>>)
      %dma_wait3A_2588 = arith.constant 0 : i32
      %dma_wait3A_2589 = tpu.memref_slice %arg11[%add3A_2414, %dma_wait3A_2588] : memref<3328x128xf32, #tpu.memory_space<vmem_shared>> -> memref<16x128xf32, #tpu.memory_space<vmem_shared>>
      %dma_wait3A_2590 = arith.constant 0 : i32
      %dma_wait3A_2591 = tpu.memref_slice %arg11[%add3A_2414, %dma_wait3A_2590] : memref<3328x128xf32, #tpu.memory_space<vmem_shared>> -> memref<16x128xf32, #tpu.memory_space<vmem_shared>>
      tpu.wait_dma2 semaphore(%run_scoped3A : memref<!tpu.dma_semaphore, #tpu.memory_space<semaphore_mem>>) src(%arg10 : memref<16x128xf32, #tpu.memory_space<vmem>>) dst(%dma_wait3A_2591 : memref<16x128xf32, #tpu.memory_space<vmem_shared>>)
      tpu.yield
    }) : () -> ()
    %mul3A_2415 = arith.constant 208 : i32
    %mul3A_2416 = arith.muli %arg1, %mul3A_2415 : i32
    %add3A_2417 = arith.constant 160 : i32
    %add3A_2418 = arith.addi %mul3A_2416, %add3A_2417 : i32
    "tpu.region"() ({
      %run_scoped3A = tpu.sem_alloc : memref<!tpu.dma_semaphore, #tpu.memory_space<semaphore_mem>>
      %dma_start3A_2584 = arith.constant 0 : i32
      %dma_start3A_2585 = tpu.memref_slice %arg11[%add3A_2418, %dma_start3A_2584] : memref<3328x128xf32, #tpu.memory_space<vmem_shared>> -> memref<16x128xf32, #tpu.memory_space<vmem_shared>>
      %dma_start3A_2586 = arith.constant 0 : i32
      %dma_start3A_2587 = tpu.memref_slice %arg11[%add3A_2418, %dma_start3A_2586] : memref<3328x128xf32, #tpu.memory_space<vmem_shared>> -> memref<16x128xf32, #tpu.memory_space<vmem_shared>>
      tpu.enqueue_dma source(%arg10 : memref<16x128xf32, #tpu.memory_space<vmem>>) target(%dma_start3A_2587 : memref<16x128xf32, #tpu.memory_space<vmem_shared>>) target_semaphore(%run_scoped3A : memref<!tpu.dma_semaphore, #tpu.memory_space<semaphore_mem>>)
      %dma_wait3A_2588 = arith.constant 0 : i32
      %dma_wait3A_2589 = tpu.memref_slice %arg11[%add3A_2418, %dma_wait3A_2588] : memref<3328x128xf32, #tpu.memory_space<vmem_shared>> -> memref<16x128xf32, #tpu.memory_space<vmem_shared>>
      %dma_wait3A_2590 = arith.constant 0 : i32
      %dma_wait3A_2591 = tpu.memref_slice %arg11[%add3A_2418, %dma_wait3A_2590] : memref<3328x128xf32, #tpu.memory_space<vmem_shared>> -> memref<16x128xf32, #tpu.memory_space<vmem_shared>>
      tpu.wait_dma2 semaphore(%run_scoped3A : memref<!tpu.dma_semaphore, #tpu.memory_space<semaphore_mem>>) src(%arg10 : memref<16x128xf32, #tpu.memory_space<vmem>>) dst(%dma_wait3A_2591 : memref<16x128xf32, #tpu.memory_space<vmem_shared>>)
      tpu.yield
    }) : () -> ()
    %mul3A_2419 = arith.constant 208 : i32
    %mul3A_2420 = arith.muli %arg1, %mul3A_2419 : i32
    %add3A_2421 = arith.constant 176 : i32
    %add3A_2422 = arith.addi %mul3A_2420, %add3A_2421 : i32
    "tpu.region"() ({
      %run_scoped3A = tpu.sem_alloc : memref<!tpu.dma_semaphore, #tpu.memory_space<semaphore_mem>>
      %dma_start3A_2584 = arith.constant 0 : i32
      %dma_start3A_2585 = tpu.memref_slice %arg11[%add3A_2422, %dma_start3A_2584] : memref<3328x128xf32, #tpu.memory_space<vmem_shared>> -> memref<16x128xf32, #tpu.memory_space<vmem_shared>>
      %dma_start3A_2586 = arith.constant 0 : i32
      %dma_start3A_2587 = tpu.memref_slice %arg11[%add3A_2422, %dma_start3A_2586] : memref<3328x128xf32, #tpu.memory_space<vmem_shared>> -> memref<16x128xf32, #tpu.memory_space<vmem_shared>>
      tpu.enqueue_dma source(%arg10 : memref<16x128xf32, #tpu.memory_space<vmem>>) target(%dma_start3A_2587 : memref<16x128xf32, #tpu.memory_space<vmem_shared>>) target_semaphore(%run_scoped3A : memref<!tpu.dma_semaphore, #tpu.memory_space<semaphore_mem>>)
      %dma_wait3A_2588 = arith.constant 0 : i32
      %dma_wait3A_2589 = tpu.memref_slice %arg11[%add3A_2422, %dma_wait3A_2588] : memref<3328x128xf32, #tpu.memory_space<vmem_shared>> -> memref<16x128xf32, #tpu.memory_space<vmem_shared>>
      %dma_wait3A_2590 = arith.constant 0 : i32
      %dma_wait3A_2591 = tpu.memref_slice %arg11[%add3A_2422, %dma_wait3A_2590] : memref<3328x128xf32, #tpu.memory_space<vmem_shared>> -> memref<16x128xf32, #tpu.memory_space<vmem_shared>>
      tpu.wait_dma2 semaphore(%run_scoped3A : memref<!tpu.dma_semaphore, #tpu.memory_space<semaphore_mem>>) src(%arg10 : memref<16x128xf32, #tpu.memory_space<vmem>>) dst(%dma_wait3A_2591 : memref<16x128xf32, #tpu.memory_space<vmem_shared>>)
      tpu.yield
    }) : () -> ()
    %mul3A_2423 = arith.constant 208 : i32
    %mul3A_2424 = arith.muli %arg1, %mul3A_2423 : i32
    %add3A_2425 = arith.constant 192 : i32
    %add3A_2426 = arith.addi %mul3A_2424, %add3A_2425 : i32
    "tpu.region"() ({
      %run_scoped3A = tpu.sem_alloc : memref<!tpu.dma_semaphore, #tpu.memory_space<semaphore_mem>>
      %dma_start3A_2584 = arith.constant 0 : i32
      %dma_start3A_2585 = tpu.memref_slice %arg11[%add3A_2426, %dma_start3A_2584] : memref<3328x128xf32, #tpu.memory_space<vmem_shared>> -> memref<16x128xf32, #tpu.memory_space<vmem_shared>>
      %dma_start3A_2586 = arith.constant 0 : i32
      %dma_start3A_2587 = tpu.memref_slice %arg11[%add3A_2426, %dma_start3A_2586] : memref<3328x128xf32, #tpu.memory_space<vmem_shared>> -> memref<16x128xf32, #tpu.memory_space<vmem_shared>>
      tpu.enqueue_dma source(%arg10 : memref<16x128xf32, #tpu.memory_space<vmem>>) target(%dma_start3A_2587 : memref<16x128xf32, #tpu.memory_space<vmem_shared>>) target_semaphore(%run_scoped3A : memref<!tpu.dma_semaphore, #tpu.memory_space<semaphore_mem>>)
      %dma_wait3A_2588 = arith.constant 0 : i32
      %dma_wait3A_2589 = tpu.memref_slice %arg11[%add3A_2426, %dma_wait3A_2588] : memref<3328x128xf32, #tpu.memory_space<vmem_shared>> -> memref<16x128xf32, #tpu.memory_space<vmem_shared>>
      %dma_wait3A_2590 = arith.constant 0 : i32
      %dma_wait3A_2591 = tpu.memref_slice %arg11[%add3A_2426, %dma_wait3A_2590] : memref<3328x128xf32, #tpu.memory_space<vmem_shared>> -> memref<16x128xf32, #tpu.memory_space<vmem_shared>>
      tpu.wait_dma2 semaphore(%run_scoped3A : memref<!tpu.dma_semaphore, #tpu.memory_space<semaphore_mem>>) src(%arg10 : memref<16x128xf32, #tpu.memory_space<vmem>>) dst(%dma_wait3A_2591 : memref<16x128xf32, #tpu.memory_space<vmem_shared>>)
      tpu.yield
    }) : () -> ()
    %dma_wait3A = arith.constant 0 : i32
    %dma_wait3A_2427 = arith.constant 0 : i32
    %dma_wait3A_2428 = tpu.memref_slice %arg6[%dma_wait3A, %dma_wait3A_2427] : memref<640x128xf32, #tpu.memory_space<vmem>> -> memref<128x128xf32, #tpu.memory_space<vmem>>
    %dma_wait3A_2429 = arith.constant 0 : i32
    %dma_wait3A_2430 = tpu.memref_slice %arg2[%add3A_1547, %dma_wait3A_2429] : memref<10000x128xf32, #tpu.memory_space<hbm>> -> memref<128x128xf32, #tpu.memory_space<hbm>>
    %dma_wait3A_2431 = arith.constant 0 : i32
    %dma_wait3A_2432 = arith.constant 0 : i32
    %dma_wait3A_2433 = tpu.memref_slice %arg6[%dma_wait3A_2431, %dma_wait3A_2432] : memref<640x128xf32, #tpu.memory_space<vmem>> -> memref<128x128xf32, #tpu.memory_space<vmem>>
    %dma_wait3A_2434 = arith.constant 0 : i32
    %dma_wait3A_2435 = tpu.memref_slice %arg2[%add3A_1547, %dma_wait3A_2434] : memref<10000x128xf32, #tpu.memory_space<hbm>> -> memref<128x128xf32, #tpu.memory_space<hbm>>
    tpu.wait_dma2 semaphore(%arg12 : memref<!tpu.dma_semaphore, #tpu.memory_space<semaphore_mem>>) src(%dma_wait3A_2435 : memref<128x128xf32, #tpu.memory_space<hbm>>) dst(%dma_wait3A_2433 : memref<128x128xf32, #tpu.memory_space<vmem>>)
    %dma_wait3A_2436 = arith.constant 128 : i32
    %dma_wait3A_2437 = arith.constant 0 : i32
    %dma_wait3A_2438 = tpu.memref_slice %arg6[%dma_wait3A_2436, %dma_wait3A_2437] : memref<640x128xf32, #tpu.memory_space<vmem>> -> memref<128x128xf32, #tpu.memory_space<vmem>>
    %dma_wait3A_2439 = arith.constant 0 : i32
    %dma_wait3A_2440 = tpu.memref_slice %arg2[%add3A_1549, %dma_wait3A_2439] : memref<10000x128xf32, #tpu.memory_space<hbm>> -> memref<128x128xf32, #tpu.memory_space<hbm>>
    %dma_wait3A_2441 = arith.constant 128 : i32
    %dma_wait3A_2442 = arith.constant 0 : i32
    %dma_wait3A_2443 = tpu.memref_slice %arg6[%dma_wait3A_2441, %dma_wait3A_2442] : memref<640x128xf32, #tpu.memory_space<vmem>> -> memref<128x128xf32, #tpu.memory_space<vmem>>
    %dma_wait3A_2444 = arith.constant 0 : i32
    %dma_wait3A_2445 = tpu.memref_slice %arg2[%add3A_1549, %dma_wait3A_2444] : memref<10000x128xf32, #tpu.memory_space<hbm>> -> memref<128x128xf32, #tpu.memory_space<hbm>>
    tpu.wait_dma2 semaphore(%arg12 : memref<!tpu.dma_semaphore, #tpu.memory_space<semaphore_mem>>) src(%dma_wait3A_2445 : memref<128x128xf32, #tpu.memory_space<hbm>>) dst(%dma_wait3A_2443 : memref<128x128xf32, #tpu.memory_space<vmem>>)
    %dma_wait3A_2446 = arith.constant 256 : i32
    %dma_wait3A_2447 = arith.constant 0 : i32
    %dma_wait3A_2448 = tpu.memref_slice %arg6[%dma_wait3A_2446, %dma_wait3A_2447] : memref<640x128xf32, #tpu.memory_space<vmem>> -> memref<128x128xf32, #tpu.memory_space<vmem>>
    %dma_wait3A_2449 = arith.constant 0 : i32
    %dma_wait3A_2450 = tpu.memref_slice %arg2[%add3A_1551, %dma_wait3A_2449] : memref<10000x128xf32, #tpu.memory_space<hbm>> -> memref<128x128xf32, #tpu.memory_space<hbm>>
    %dma_wait3A_2451 = arith.constant 256 : i32
    %dma_wait3A_2452 = arith.constant 0 : i32
    %dma_wait3A_2453 = tpu.memref_slice %arg6[%dma_wait3A_2451, %dma_wait3A_2452] : memref<640x128xf32, #tpu.memory_space<vmem>> -> memref<128x128xf32, #tpu.memory_space<vmem>>
    %dma_wait3A_2454 = arith.constant 0 : i32
    %dma_wait3A_2455 = tpu.memref_slice %arg2[%add3A_1551, %dma_wait3A_2454] : memref<10000x128xf32, #tpu.memory_space<hbm>> -> memref<128x128xf32, #tpu.memory_space<hbm>>
    tpu.wait_dma2 semaphore(%arg12 : memref<!tpu.dma_semaphore, #tpu.memory_space<semaphore_mem>>) src(%dma_wait3A_2455 : memref<128x128xf32, #tpu.memory_space<hbm>>) dst(%dma_wait3A_2453 : memref<128x128xf32, #tpu.memory_space<vmem>>)
    %dma_wait3A_2456 = arith.constant 384 : i32
    %dma_wait3A_2457 = arith.constant 0 : i32
    %dma_wait3A_2458 = tpu.memref_slice %arg6[%dma_wait3A_2456, %dma_wait3A_2457] : memref<640x128xf32, #tpu.memory_space<vmem>> -> memref<128x128xf32, #tpu.memory_space<vmem>>
    %dma_wait3A_2459 = arith.constant 0 : i32
    %dma_wait3A_2460 = tpu.memref_slice %arg2[%add3A_1553, %dma_wait3A_2459] : memref<10000x128xf32, #tpu.memory_space<hbm>> -> memref<128x128xf32, #tpu.memory_space<hbm>>
    %dma_wait3A_2461 = arith.constant 384 : i32
    %dma_wait3A_2462 = arith.constant 0 : i32
    %dma_wait3A_2463 = tpu.memref_slice %arg6[%dma_wait3A_2461, %dma_wait3A_2462] : memref<640x128xf32, #tpu.memory_space<vmem>> -> memref<128x128xf32, #tpu.memory_space<vmem>>
    %dma_wait3A_2464 = arith.constant 0 : i32
    %dma_wait3A_2465 = tpu.memref_slice %arg2[%add3A_1553, %dma_wait3A_2464] : memref<10000x128xf32, #tpu.memory_space<hbm>> -> memref<128x128xf32, #tpu.memory_space<hbm>>
    tpu.wait_dma2 semaphore(%arg12 : memref<!tpu.dma_semaphore, #tpu.memory_space<semaphore_mem>>) src(%dma_wait3A_2465 : memref<128x128xf32, #tpu.memory_space<hbm>>) dst(%dma_wait3A_2463 : memref<128x128xf32, #tpu.memory_space<vmem>>)
    %dma_wait3A_2466 = arith.constant 512 : i32
    %dma_wait3A_2467 = arith.constant 0 : i32
    %dma_wait3A_2468 = tpu.memref_slice %arg6[%dma_wait3A_2466, %dma_wait3A_2467] : memref<640x128xf32, #tpu.memory_space<vmem>> -> memref<128x128xf32, #tpu.memory_space<vmem>>
    %dma_wait3A_2469 = arith.constant 0 : i32
    %dma_wait3A_2470 = tpu.memref_slice %arg2[%add3A_1555, %dma_wait3A_2469] : memref<10000x128xf32, #tpu.memory_space<hbm>> -> memref<128x128xf32, #tpu.memory_space<hbm>>
    %dma_wait3A_2471 = arith.constant 512 : i32
    %dma_wait3A_2472 = arith.constant 0 : i32
    %dma_wait3A_2473 = tpu.memref_slice %arg6[%dma_wait3A_2471, %dma_wait3A_2472] : memref<640x128xf32, #tpu.memory_space<vmem>> -> memref<128x128xf32, #tpu.memory_space<vmem>>
    %dma_wait3A_2474 = arith.constant 0 : i32
    %dma_wait3A_2475 = tpu.memref_slice %arg2[%add3A_1555, %dma_wait3A_2474] : memref<10000x128xf32, #tpu.memory_space<hbm>> -> memref<128x128xf32, #tpu.memory_space<hbm>>
    tpu.wait_dma2 semaphore(%arg12 : memref<!tpu.dma_semaphore, #tpu.memory_space<semaphore_mem>>) src(%dma_wait3A_2475 : memref<128x128xf32, #tpu.memory_space<hbm>>) dst(%dma_wait3A_2473 : memref<128x128xf32, #tpu.memory_space<vmem>>)
    %barrier3A = arith.constant 0 : index
    tpu.barrier barrier_id(%barrier3A)
    %dma_start3A_2476 = arith.constant 0 : i32
    %dma_start3A_2477 = arith.constant 0 : i32
    %dma_start3A_2478 = arith.constant 0 : i32
    %dma_start3A_2479 = tpu.memref_slice %arg6[%dma_start3A_2477, %dma_start3A_2478] : memref<640x128xf32, #tpu.memory_space<vmem>> -> memref<128x128xf32, #tpu.memory_space<vmem>>
    %dma_start3A_2480 = arith.constant 0 : i32
    %dma_start3A_2481 = tpu.memref_slice %arg9[%dma_start3A_2476, %dma_start3A_2480] : memref<5x128xi32, #tpu.memory_space<vmem>> -> memref<1x128xi32, #tpu.memory_space<vmem>>
    %dma_start3A_2482 = tpu.memref_squeeze %dma_start3A_2481 : memref<1x128xi32, #tpu.memory_space<vmem>> -> memref<128xi32, #tpu.memory_space<vmem>>
    %dma_start3A_2483 = arith.constant 0 : i32
    %dma_start3A_2484 = arith.constant 0 : i32
    %dma_start3A_2485 = tpu.memref_slice %arg11[%dma_start3A_2483, %dma_start3A_2484] : memref<3328x128xf32, #tpu.memory_space<vmem_shared>> -> memref<3328x128xf32, #tpu.memory_space<vmem_shared>>
    tpu.enqueue_indirect_dma source(%dma_start3A_2479 : memref<128x128xf32, #tpu.memory_space<vmem>>) target(%dma_start3A_2485 : memref<3328x128xf32, #tpu.memory_space<vmem_shared>>) offsets(%dma_start3A_2482 : memref<128xi32, #tpu.memory_space<vmem>>) semaphore(%arg13 : memref<!tpu.dma_semaphore, #tpu.memory_space<semaphore_mem>>) {add = true}
    %dma_start3A_2486 = arith.constant 1 : i32
    %dma_start3A_2487 = arith.constant 128 : i32
    %dma_start3A_2488 = arith.constant 0 : i32
    %dma_start3A_2489 = tpu.memref_slice %arg6[%dma_start3A_2487, %dma_start3A_2488] : memref<640x128xf32, #tpu.memory_space<vmem>> -> memref<128x128xf32, #tpu.memory_space<vmem>>
    %dma_start3A_2490 = arith.constant 0 : i32
    %dma_start3A_2491 = tpu.memref_slice %arg9[%dma_start3A_2486, %dma_start3A_2490] : memref<5x128xi32, #tpu.memory_space<vmem>> -> memref<1x128xi32, #tpu.memory_space<vmem>>
    %dma_start3A_2492 = tpu.memref_squeeze %dma_start3A_2491 : memref<1x128xi32, #tpu.memory_space<vmem>> -> memref<128xi32, #tpu.memory_space<vmem>>
    %dma_start3A_2493 = arith.constant 0 : i32
    %dma_start3A_2494 = arith.constant 0 : i32
    %dma_start3A_2495 = tpu.memref_slice %arg11[%dma_start3A_2493, %dma_start3A_2494] : memref<3328x128xf32, #tpu.memory_space<vmem_shared>> -> memref<3328x128xf32, #tpu.memory_space<vmem_shared>>
    tpu.enqueue_indirect_dma source(%dma_start3A_2489 : memref<128x128xf32, #tpu.memory_space<vmem>>) target(%dma_start3A_2495 : memref<3328x128xf32, #tpu.memory_space<vmem_shared>>) offsets(%dma_start3A_2492 : memref<128xi32, #tpu.memory_space<vmem>>) semaphore(%arg13 : memref<!tpu.dma_semaphore, #tpu.memory_space<semaphore_mem>>) {add = true}
    %dma_start3A_2496 = arith.constant 2 : i32
    %dma_start3A_2497 = arith.constant 256 : i32
    %dma_start3A_2498 = arith.constant 0 : i32
    %dma_start3A_2499 = tpu.memref_slice %arg6[%dma_start3A_2497, %dma_start3A_2498] : memref<640x128xf32, #tpu.memory_space<vmem>> -> memref<128x128xf32, #tpu.memory_space<vmem>>
    %dma_start3A_2500 = arith.constant 0 : i32
    %dma_start3A_2501 = tpu.memref_slice %arg9[%dma_start3A_2496, %dma_start3A_2500] : memref<5x128xi32, #tpu.memory_space<vmem>> -> memref<1x128xi32, #tpu.memory_space<vmem>>
    %dma_start3A_2502 = tpu.memref_squeeze %dma_start3A_2501 : memref<1x128xi32, #tpu.memory_space<vmem>> -> memref<128xi32, #tpu.memory_space<vmem>>
    %dma_start3A_2503 = arith.constant 0 : i32
    %dma_start3A_2504 = arith.constant 0 : i32
    %dma_start3A_2505 = tpu.memref_slice %arg11[%dma_start3A_2503, %dma_start3A_2504] : memref<3328x128xf32, #tpu.memory_space<vmem_shared>> -> memref<3328x128xf32, #tpu.memory_space<vmem_shared>>
    tpu.enqueue_indirect_dma source(%dma_start3A_2499 : memref<128x128xf32, #tpu.memory_space<vmem>>) target(%dma_start3A_2505 : memref<3328x128xf32, #tpu.memory_space<vmem_shared>>) offsets(%dma_start3A_2502 : memref<128xi32, #tpu.memory_space<vmem>>) semaphore(%arg13 : memref<!tpu.dma_semaphore, #tpu.memory_space<semaphore_mem>>) {add = true}
    %dma_start3A_2506 = arith.constant 3 : i32
    %dma_start3A_2507 = arith.constant 384 : i32
    %dma_start3A_2508 = arith.constant 0 : i32
    %dma_start3A_2509 = tpu.memref_slice %arg6[%dma_start3A_2507, %dma_start3A_2508] : memref<640x128xf32, #tpu.memory_space<vmem>> -> memref<128x128xf32, #tpu.memory_space<vmem>>
    %dma_start3A_2510 = arith.constant 0 : i32
    %dma_start3A_2511 = tpu.memref_slice %arg9[%dma_start3A_2506, %dma_start3A_2510] : memref<5x128xi32, #tpu.memory_space<vmem>> -> memref<1x128xi32, #tpu.memory_space<vmem>>
    %dma_start3A_2512 = tpu.memref_squeeze %dma_start3A_2511 : memref<1x128xi32, #tpu.memory_space<vmem>> -> memref<128xi32, #tpu.memory_space<vmem>>
    %dma_start3A_2513 = arith.constant 0 : i32
    %dma_start3A_2514 = arith.constant 0 : i32
    %dma_start3A_2515 = tpu.memref_slice %arg11[%dma_start3A_2513, %dma_start3A_2514] : memref<3328x128xf32, #tpu.memory_space<vmem_shared>> -> memref<3328x128xf32, #tpu.memory_space<vmem_shared>>
    tpu.enqueue_indirect_dma source(%dma_start3A_2509 : memref<128x128xf32, #tpu.memory_space<vmem>>) target(%dma_start3A_2515 : memref<3328x128xf32, #tpu.memory_space<vmem_shared>>) offsets(%dma_start3A_2512 : memref<128xi32, #tpu.memory_space<vmem>>) semaphore(%arg13 : memref<!tpu.dma_semaphore, #tpu.memory_space<semaphore_mem>>) {add = true}
    %dma_start3A_2516 = arith.constant 4 : i32
    %dma_start3A_2517 = arith.constant 512 : i32
    %dma_start3A_2518 = arith.constant 0 : i32
    %dma_start3A_2519 = tpu.memref_slice %arg6[%dma_start3A_2517, %dma_start3A_2518] : memref<640x128xf32, #tpu.memory_space<vmem>> -> memref<128x128xf32, #tpu.memory_space<vmem>>
    %dma_start3A_2520 = arith.constant 0 : i32
    %dma_start3A_2521 = tpu.memref_slice %arg9[%dma_start3A_2516, %dma_start3A_2520] : memref<5x128xi32, #tpu.memory_space<vmem>> -> memref<1x128xi32, #tpu.memory_space<vmem>>
    %dma_start3A_2522 = tpu.memref_squeeze %dma_start3A_2521 : memref<1x128xi32, #tpu.memory_space<vmem>> -> memref<128xi32, #tpu.memory_space<vmem>>
    %dma_start3A_2523 = arith.constant 0 : i32
    %dma_start3A_2524 = arith.constant 0 : i32
    %dma_start3A_2525 = tpu.memref_slice %arg11[%dma_start3A_2523, %dma_start3A_2524] : memref<3328x128xf32, #tpu.memory_space<vmem_shared>> -> memref<3328x128xf32, #tpu.memory_space<vmem_shared>>
    tpu.enqueue_indirect_dma source(%dma_start3A_2519 : memref<128x128xf32, #tpu.memory_space<vmem>>) target(%dma_start3A_2525 : memref<3328x128xf32, #tpu.memory_space<vmem_shared>>) offsets(%dma_start3A_2522 : memref<128xi32, #tpu.memory_space<vmem>>) semaphore(%arg13 : memref<!tpu.dma_semaphore, #tpu.memory_space<semaphore_mem>>) {add = true}
    %dma_wait3A_2526 = arith.constant 0 : i32
    %dma_wait3A_2527 = arith.constant 0 : i32
    %dma_wait3A_2528 = arith.constant 0 : i32
    %dma_wait3A_2529 = tpu.memref_slice %arg6[%dma_wait3A_2527, %dma_wait3A_2528] : memref<640x128xf32, #tpu.memory_space<vmem>> -> memref<128x128xf32, #tpu.memory_space<vmem>>
    %dma_wait3A_2530 = arith.constant 0 : i32
    %dma_wait3A_2531 = tpu.memref_slice %arg9[%dma_wait3A_2526, %dma_wait3A_2530] : memref<5x128xi32, #tpu.memory_space<vmem>> -> memref<1x128xi32, #tpu.memory_space<vmem>>
    %dma_wait3A_2532 = tpu.memref_squeeze %dma_wait3A_2531 : memref<1x128xi32, #tpu.memory_space<vmem>> -> memref<128xi32, #tpu.memory_space<vmem>>
    %dma_wait3A_2533 = arith.constant 0 : i32
    %dma_wait3A_2534 = arith.constant 0 : i32
    %dma_wait3A_2535 = tpu.memref_slice %arg11[%dma_wait3A_2533, %dma_wait3A_2534] : memref<3328x128xf32, #tpu.memory_space<vmem_shared>> -> memref<3328x128xf32, #tpu.memory_space<vmem_shared>>
    tpu.wait_indirect_dma semaphore(%arg13 : memref<!tpu.dma_semaphore, #tpu.memory_space<semaphore_mem>>) src(%dma_wait3A_2529 : memref<128x128xf32, #tpu.memory_space<vmem>>) dst(%dma_wait3A_2535 : memref<3328x128xf32, #tpu.memory_space<vmem_shared>>)
    %dma_wait3A_2536 = arith.constant 1 : i32
    %dma_wait3A_2537 = arith.constant 128 : i32
    %dma_wait3A_2538 = arith.constant 0 : i32
    %dma_wait3A_2539 = tpu.memref_slice %arg6[%dma_wait3A_2537, %dma_wait3A_2538] : memref<640x128xf32, #tpu.memory_space<vmem>> -> memref<128x128xf32, #tpu.memory_space<vmem>>
    %dma_wait3A_2540 = arith.constant 0 : i32
    %dma_wait3A_2541 = tpu.memref_slice %arg9[%dma_wait3A_2536, %dma_wait3A_2540] : memref<5x128xi32, #tpu.memory_space<vmem>> -> memref<1x128xi32, #tpu.memory_space<vmem>>
    %dma_wait3A_2542 = tpu.memref_squeeze %dma_wait3A_2541 : memref<1x128xi32, #tpu.memory_space<vmem>> -> memref<128xi32, #tpu.memory_space<vmem>>
    %dma_wait3A_2543 = arith.constant 0 : i32
    %dma_wait3A_2544 = arith.constant 0 : i32
    %dma_wait3A_2545 = tpu.memref_slice %arg11[%dma_wait3A_2543, %dma_wait3A_2544] : memref<3328x128xf32, #tpu.memory_space<vmem_shared>> -> memref<3328x128xf32, #tpu.memory_space<vmem_shared>>
    tpu.wait_indirect_dma semaphore(%arg13 : memref<!tpu.dma_semaphore, #tpu.memory_space<semaphore_mem>>) src(%dma_wait3A_2539 : memref<128x128xf32, #tpu.memory_space<vmem>>) dst(%dma_wait3A_2545 : memref<3328x128xf32, #tpu.memory_space<vmem_shared>>)
    %dma_wait3A_2546 = arith.constant 2 : i32
    %dma_wait3A_2547 = arith.constant 256 : i32
    %dma_wait3A_2548 = arith.constant 0 : i32
    %dma_wait3A_2549 = tpu.memref_slice %arg6[%dma_wait3A_2547, %dma_wait3A_2548] : memref<640x128xf32, #tpu.memory_space<vmem>> -> memref<128x128xf32, #tpu.memory_space<vmem>>
    %dma_wait3A_2550 = arith.constant 0 : i32
    %dma_wait3A_2551 = tpu.memref_slice %arg9[%dma_wait3A_2546, %dma_wait3A_2550] : memref<5x128xi32, #tpu.memory_space<vmem>> -> memref<1x128xi32, #tpu.memory_space<vmem>>
    %dma_wait3A_2552 = tpu.memref_squeeze %dma_wait3A_2551 : memref<1x128xi32, #tpu.memory_space<vmem>> -> memref<128xi32, #tpu.memory_space<vmem>>
    %dma_wait3A_2553 = arith.constant 0 : i32
    %dma_wait3A_2554 = arith.constant 0 : i32
    %dma_wait3A_2555 = tpu.memref_slice %arg11[%dma_wait3A_2553, %dma_wait3A_2554] : memref<3328x128xf32, #tpu.memory_space<vmem_shared>> -> memref<3328x128xf32, #tpu.memory_space<vmem_shared>>
    tpu.wait_indirect_dma semaphore(%arg13 : memref<!tpu.dma_semaphore, #tpu.memory_space<semaphore_mem>>) src(%dma_wait3A_2549 : memref<128x128xf32, #tpu.memory_space<vmem>>) dst(%dma_wait3A_2555 : memref<3328x128xf32, #tpu.memory_space<vmem_shared>>)
    %dma_wait3A_2556 = arith.constant 3 : i32
    %dma_wait3A_2557 = arith.constant 384 : i32
    %dma_wait3A_2558 = arith.constant 0 : i32
    %dma_wait3A_2559 = tpu.memref_slice %arg6[%dma_wait3A_2557, %dma_wait3A_2558] : memref<640x128xf32, #tpu.memory_space<vmem>> -> memref<128x128xf32, #tpu.memory_space<vmem>>
    %dma_wait3A_2560 = arith.constant 0 : i32
    %dma_wait3A_2561 = tpu.memref_slice %arg9[%dma_wait3A_2556, %dma_wait3A_2560] : memref<5x128xi32, #tpu.memory_space<vmem>> -> memref<1x128xi32, #tpu.memory_space<vmem>>
    %dma_wait3A_2562 = tpu.memref_squeeze %dma_wait3A_2561 : memref<1x128xi32, #tpu.memory_space<vmem>> -> memref<128xi32, #tpu.memory_space<vmem>>
    %dma_wait3A_2563 = arith.constant 0 : i32
    %dma_wait3A_2564 = arith.constant 0 : i32
    %dma_wait3A_2565 = tpu.memref_slice %arg11[%dma_wait3A_2563, %dma_wait3A_2564] : memref<3328x128xf32, #tpu.memory_space<vmem_shared>> -> memref<3328x128xf32, #tpu.memory_space<vmem_shared>>
    tpu.wait_indirect_dma semaphore(%arg13 : memref<!tpu.dma_semaphore, #tpu.memory_space<semaphore_mem>>) src(%dma_wait3A_2559 : memref<128x128xf32, #tpu.memory_space<vmem>>) dst(%dma_wait3A_2565 : memref<3328x128xf32, #tpu.memory_space<vmem_shared>>)
    %dma_wait3A_2566 = arith.constant 4 : i32
    %dma_wait3A_2567 = arith.constant 512 : i32
    %dma_wait3A_2568 = arith.constant 0 : i32
    %dma_wait3A_2569 = tpu.memref_slice %arg6[%dma_wait3A_2567, %dma_wait3A_2568] : memref<640x128xf32, #tpu.memory_space<vmem>> -> memref<128x128xf32, #tpu.memory_space<vmem>>
    %dma_wait3A_2570 = arith.constant 0 : i32
    %dma_wait3A_2571 = tpu.memref_slice %arg9[%dma_wait3A_2566, %dma_wait3A_2570] : memref<5x128xi32, #tpu.memory_space<vmem>> -> memref<1x128xi32, #tpu.memory_space<vmem>>
    %dma_wait3A_2572 = tpu.memref_squeeze %dma_wait3A_2571 : memref<1x128xi32, #tpu.memory_space<vmem>> -> memref<128xi32, #tpu.memory_space<vmem>>
    %dma_wait3A_2573 = arith.constant 0 : i32
    %dma_wait3A_2574 = arith.constant 0 : i32
    %dma_wait3A_2575 = tpu.memref_slice %arg11[%dma_wait3A_2573, %dma_wait3A_2574] : memref<3328x128xf32, #tpu.memory_space<vmem_shared>> -> memref<3328x128xf32, #tpu.memory_space<vmem_shared>>
    tpu.wait_indirect_dma semaphore(%arg13 : memref<!tpu.dma_semaphore, #tpu.memory_space<semaphore_mem>>) src(%dma_wait3A_2569 : memref<128x128xf32, #tpu.memory_space<vmem>>) dst(%dma_wait3A_2575 : memref<3328x128xf32, #tpu.memory_space<vmem_shared>>)
    %barrier3A_2576 = arith.constant 0 : index
    tpu.barrier barrier_id(%barrier3A_2576)
    %mul3A_2577 = arith.constant 200 : i32
    %mul3A_2578 = arith.muli %arg1, %mul3A_2577 : i32
    %mul3A_2579 = arith.constant 3200 : i32
    %mul3A_2580 = arith.muli %arg0, %mul3A_2579 : i32
    %mul3A_2581 = arith.constant 200 : i32
    %mul3A_2582 = arith.muli %arg1, %mul3A_2581 : i32
    %add3A_2583 = arith.addi %mul3A_2580, %mul3A_2582 : i32
    "tpu.region"() ({
      %run_scoped3A = tpu.sem_alloc : memref<!tpu.dma_semaphore, #tpu.memory_space<semaphore_mem>>
      %dma_start3A_2584 = arith.constant 0 : i32
      %dma_start3A_2585 = tpu.memref_slice %arg5[%add3A_2583, %dma_start3A_2584] : memref<6400x128xf32, #tpu.memory_space<hbm>> -> memref<200x128xf32, #tpu.memory_space<hbm>>
      %dma_start3A_2586 = arith.constant 0 : i32
      %dma_start3A_2587 = tpu.memref_slice %arg11[%mul3A_2578, %dma_start3A_2586] : memref<3328x128xf32, #tpu.memory_space<vmem_shared>> -> memref<200x128xf32, #tpu.memory_space<vmem_shared>>
      tpu.enqueue_dma source(%dma_start3A_2587 : memref<200x128xf32, #tpu.memory_space<vmem_shared>>) target(%dma_start3A_2585 : memref<200x128xf32, #tpu.memory_space<hbm>>) target_semaphore(%run_scoped3A : memref<!tpu.dma_semaphore, #tpu.memory_space<semaphore_mem>>)
      %dma_wait3A_2588 = arith.constant 0 : i32
      %dma_wait3A_2589 = tpu.memref_slice %arg5[%add3A_2583, %dma_wait3A_2588] : memref<6400x128xf32, #tpu.memory_space<hbm>> -> memref<200x128xf32, #tpu.memory_space<hbm>>
      %dma_wait3A_2590 = arith.constant 0 : i32
      %dma_wait3A_2591 = tpu.memref_slice %arg11[%mul3A_2578, %dma_wait3A_2590] : memref<3328x128xf32, #tpu.memory_space<vmem_shared>> -> memref<200x128xf32, #tpu.memory_space<vmem_shared>>
      tpu.wait_dma2 semaphore(%run_scoped3A : memref<!tpu.dma_semaphore, #tpu.memory_space<semaphore_mem>>) src(%dma_wait3A_2591 : memref<200x128xf32, #tpu.memory_space<vmem_shared>>) dst(%dma_wait3A_2589 : memref<200x128xf32, #tpu.memory_space<hbm>>)
      tpu.yield
    }) : () -> ()
    return
  }
}

</mosaic_0001>

<sc_bundles>
// kernel: _pooled.3.cloned.1.call-start
scs
__scs_entry_jumppad:
0x0: {  	(pc) =	sbr.rel $0x88, $3  }
0x1: {  	(tag) =	ssettag $0x0;
	lr =	simm.s32 $0x1  }
0x2: {  	[smem:$0x3F9E] =	sst lr;
	_ =	strace $0xD0000000  }
0x3: {  	_ = 	snop  }
0x4: {  	_ = 	snop  }
0x5: {  	_ = 	snop  }
0x6: {  	_ = 	snop  }
0x7: {  	_ = 	snop  }
__scs_overlays_trampoline_lowered:
0x8: {  	[smem:$0x3FAD] =	sst s0  }
0x9: {  	[smem:$0x3FAE] =	sst s1  }
0xa: {  	[smem:$0x3FAF] =	sst s2  }
0xb: {  	[smem:$0x3FB0] =	sst s3  }
0xc: {  	[smem:$0x3FB1] =	sst s4  }
0xd: {  	[smem:$0x3FB2] =	sst s5  }
0xe: {  	[smem:$0x3FB3] =	sst s6  }
0xf: {  	[smem:$0x3FB4] =	sst s7  }
0x10: {  	[smem:$0x3FB5] =	sst s8  }
0x11: {  	[smem:$0x3FB6] =	sst s9;
	s0 =	simm.s32 @!p0 $0x0  }
0x12: {  	s1 =	sld [smem:$0x3F9C];
	s0 =	simm.s32 @p0 $0x1  }
0x13: {  	[smem:$0x3FB7] =	sst s0;
	s0 =	simm.s32 @!p1 $0x0  }
0x14: {  	s2 =	sld [smem:$0x3F9B];
	s0 =	simm.s32 @p1 $0x1  }
0x15: {  	[smem:$0x3FB8] =	sst s0;
	s0 =	simm.s32 @!p2 $0x0  }
0x16: {  	s3 =	sld [smem:$0x3FDB];
	s0 =	simm.s32 @p2 $0x1  }
0x17: {  	s4 =	simm.s32 $0x1BF5;
	[smem:$0x3FBA] =	sst s0  }
0x18: {  	s0 =	sld [smem:$0x3F9D];
	_ =	swait.ge [sflag:s4], $0x0  }
0x19: {  	s7 =	sld [smem:$0x3F9E]  }
0x1a: {  	s8 =	sadd.s32 $0xFFFFE003, lr  }
0x1b: {  	s9 =	sadd.s32 $0xFFFFFEF7, lr;
	s5 =	simm.s32 $0xFFFFFFFF;
	p2 =	slt.u32 s8, $0xFFFFF086  }
0x1c: {  	p1 =	slt.u32 s9, $0xF7A;
	s5 =	simm.s32 @!p2 $0x0  }
0x1d: {  	s5 =	simm.s32 @p1 $0x1;
	p0 =	seq.s32 s7, s2  }
0x1e: {  	s7 =	smul.u32 @!p0 $0xF7A, s2;
	p2 =	seq.s32 @!p0 s5, $0x0  }
0x1f: {  	s9 =	smul.u32 $0xF7A, s1;
	s8 =	simm.s32 @!p0 $0x1BF5;
	p2 =	por !p2, p0  }
0x20: {  	[sflag:s8] =	ssyncset.s32 @!p0 $0xFFFFF086;
	s6 =	sadd.s32 @!p0 s3, s7;
	s7 =	simm.s32 @!p0 $0x108  }
0x21: {  	s3 =	sadd.s32 s3, s9;
	s6 =	sadd.s32 @!p0 $0x88, s6;
	s7 =	simm.s32 @p2 $0x1082  }
0x22: {  	[simem:s7], [sflag:s8] =	dma.local @!p0 [hbm:s6], $0xF7A  }
0x23: {  	s9 =	sor.u32 $0xD0000000, s2;
	s6 =	simm.s32 $0x108;
	_ =	swait.ge @!p0 [sflag:s8], $0x0  }
0x24: {  	s3 =	sadd.s32 $0x88, s3;
	s6 =	simm.s32 @!p1 $0x1082;
	[sflag:s4] =	ssyncset.s32 $0xFFFFF086  }
0x25: {  	[simem:s6], [sflag:s4] =	dma.local [hbm:s3], $0xF7A  }
0x26: {  	[smem:$0x3F9E] =	sst s1;
	(tag) =	ssettag s2;
	_ =	strace s9  }
0x27: {  	s1 =	sld [smem:$0x3FAE]  }
0x28: {  	s2 =	sld [smem:$0x3FAF]  }
0x29: {  	s4 =	sld [smem:$0x3FB1]  }
0x2a: {  	p0 =	seq.s32 s5, $0x0;
	s5 =	sld [smem:$0x3FB2]  }
0x2b: {  	s6 =	sld [smem:$0x3FB3]  }
0x2c: {  	s7 =	sld [smem:$0x3FB4]  }
0x2d: {  	s3 =	simm.s32 $0x108;
	s8 =	sld [smem:$0x3FB5]  }
0x2e: {  	s3 =	simm.s32 @!p0 $0x1082;
	s9 =	sld [smem:$0x3FB6]  }
0x2f: {  	lr =	sadd.s32 s0, s3;
	s0 =	sld [smem:$0x3FAD]  }
0x30: {  	s3 =	sld [smem:$0x3FB0]  }
0x31: {  	[smem:$0x3FB9] =	sst s10  }
0x32: {  	s10 =	sld [smem:$0x3FB7];
	_ =	sdelay $0x3  }
0x33: {  	p0 =	seq.s32 s10, $0x1;
	s10 =	sld [smem:$0x3FB9];
	_ =	sdelay $0x3  }
0x34: {  	[smem:$0x3FB9] =	sst s10  }
0x35: {  	s10 =	sld [smem:$0x3FB8];
	_ =	sdelay $0x3  }
0x36: {  	p1 =	seq.s32 s10, $0x1;
	s10 =	sld [smem:$0x3FB9];
	_ =	sdelay $0x3  }
0x37: {  	[smem:$0x3FB9] =	sst s10  }
0x38: {  	s10 =	sld [smem:$0x3FBA]  }
0x39: {  	_ = 	snop;
	(pc) =	sbr.ind lr, $3  }
0x3a: {  	_ = 	snop  }
0x3b: {  	_ = 	snop  }
0x3c: {  	p2 =	seq.s32 s10, $0x1;
	s10 =	sld [smem:$0x3FB9]  }
0x3d: {  	_ =	shalt  }
0x3e: {  	_ =	shalt  }
0x3f: {  	_ =	shalt  }
0x40: {  	_ =	shalt  }
0x41: {  	_ =	shalt  }
0x42: {  	_ =	shalt  }
0x43: {  	_ =	shalt  }
0x44: {  	_ =	shalt  }
0x45: {  	_ =	shalt  }
0x46: {  	_ =	shalt  }
0x47: {  	_ =	shalt  }
0x48: {  	_ =	shalt  }
0x49: {  	_ =	shalt  }
0x4a: {  	_ =	shalt  }
0x4b: {  	_ =	shalt  }
0x4c: {  	_ =	shalt  }
0x4d: {  	_ =	shalt  }
0x4e: {  	_ =	shalt  }
0x4f: {  	_ =	shalt  }
0x50: {  	_ =	shalt  }
0x51: {  	_ =	shalt  }
0x52: {  	_ =	shalt  }
0x53: {  	_ =	shalt  }
0x54: {  	_ =	shalt  }
0x55: {  	_ =	shalt  }
0x56: {  	_ =	shalt  }
0x57: {  	_ =	shalt  }
0x58: {  	_ =	shalt  }
0x59: {  	_ =	shalt  }
0x5a: {  	_ =	shalt  }
0x5b: {  	_ =	shalt  }
0x5c: {  	_ =	shalt  }
0x5d: {  	_ =	shalt  }
0x5e: {  	_ =	shalt  }
0x5f: {  	_ =	shalt  }
0x60: {  	_ =	shalt  }
0x61: {  	_ =	shalt  }
0x62: {  	_ =	shalt  }
0x63: {  	_ =	shalt  }
0x64: {  	_ =	shalt  }
0x65: {  	_ =	shalt  }
0x66: {  	_ =	shalt  }
0x67: {  	_ =	shalt  }
0x68: {  	_ =	shalt  }
0x69: {  	_ =	shalt  }
0x6a: {  	_ =	shalt  }
0x6b: {  	_ =	shalt  }
0x6c: {  	_ =	shalt  }
0x6d: {  	_ =	shalt  }
0x6e: {  	_ =	shalt  }
0x6f: {  	_ =	shalt  }
0x70: {  	_ =	shalt  }
0x71: {  	_ =	shalt  }
0x72: {  	_ =	shalt  }
0x73: {  	_ =	shalt  }
0x74: {  	_ =	shalt  }
0x75: {  	_ =	shalt  }
0x76: {  	_ =	shalt  }
0x77: {  	_ =	shalt  }
0x78: {  	_ =	shalt  }
0x79: {  	_ =	shalt  }
0x7a: {  	_ =	shalt  }
0x7b: {  	_ =	shalt  }
0x7c: {  	_ =	shalt  }
0x7d: {  	_ =	shalt  }
0x7e: {  	_ =	shalt  }
0x7f: {  	_ =	shalt  }
0x80: {  	_ =	shalt  }
0x81: {  	_ =	shalt  }
0x82: {  	_ =	shalt  }
0x83: {  	_ =	shalt  }
0x84: {  	_ =	shalt  }
0x85: {  	_ =	shalt  }
0x86: {  	_ =	shalt  }
0x87: {  	_ =	shalt  }
.Lfunc_end0:
.L_simem_size_0:
called_computation_lowered:
.L_overlay_start_0:
0x88: {  	s2 =	sld [smem:$0x3FD9]  }
0x89: {  	s3 =	sld [smem:$0x3FFE];
	_ =	sdelay $0x1  }
0x8a: {  	s1 =	srdreg.scid  }
0x8b: {  	s0 =	sand.u32 $0x1, s1  }
0x8c: {  	s18 =	sshll.u32 s0, $0xA;
	s2 =	sadd.s32 s3, s2  }
0x8d: {  	s2 =	sadd.s32 s2, s18  }
0x8e: {  	[smem:$0x3FC5] =	sst s2  }
0x8f: {  	_ = 	snop  }
0x90: {  	s2 =	sld [smem:$0x3FC9]  }
0x91: {  	s19 =	sld [smem:$0x3FC8]  }
0x92: {  	s4 =	sld [smem:$0x3FC7]  }
0x93: {  	s5 =	sld [smem:$0x3FD0];
	(tm) =	ssettm $0x1  }
0x94: {  	s6 =	sld [smem:$0x3FFB];
	_ =	sdelay $0x3  }
0x95: {  	_ =	strace s6  }
0x96: {  	s6 =	sld [smem:$0x3FFC];
	_ =	sdelay $0x3  }
0x97: {  	_ =	strace s6  }
0x98: {  	s6 =	sld [smem:$0x3FFD];
	_ =	sdelay $0x3  }
0x99: {  	_ =	strace s6  }
0x9a: {  	_ =	strace $0x8FFFFFFF  }
0x9b: {  	s20 =	sld [smem:$0x3FDB];
	_ =	sdelay $0x1  }
0x9c: {  	s7 =	simm.s32 $_scs_section_size  }
0x9d: {  	s8 =	simm.s32 $_size__tile_overlayer_lowered;
	s9 =	simm.s32 $_tile_overlayer_lowered  }
0x9e: {  	s23 =	simm.s32 $0x1BFF;
	s22 =	sshll.u32 s9, $0x1;
	s6 =	sadd.s32 s7, s20  }
0x9f: {  	s10 =	simm.s32 $0x0;
	s21 =	sshll.u32 s8, $0x1;
	s8 =	sadd.s32 s22, s6  }
0xa0: {  	[timem:s10], [sflag:s23] =	dma.local [hbm:s8], s21  }
0xa1: {  	_ =	swait.ge [sflag:s23], s21  }
0xa2: {  	s7 =	ssub.s32 $0x0, s21;
	[sflag:s23] =	ssyncset.done $0x0  }
0xa3: {  	[sflag:s23] =	ssyncadd.s32 s7;
	_ =	sdelay $0x1  }
0xa4: {  	s24 =	simm.s32 $0x1B8B  }
0xa5: {  	_ =	swait.ge [sflag:s24], $0x1  }
0xa6: {  	[sflag:s24] =	ssyncset.done $0x0  }
0xa7: {  	s25 =	simm.s32 $0x1B8E;
	[sflag:s24] =	ssyncadd.s32 $0xFFFFFFFF  }
0xa8: {  	s26 =	simm.s32 $execute0_lowered;
	[smem:$0x3FD2] =	sst s25  }
0xa9: {  	s7 =	sshll.u32 s26, $0x1;
	_ =	strace $0x80000046;
	[dreg:$0x1] =	wrdreg $0xFFFFFFFF  }
0xaa: {  	s28 =	simm.s32 $_size_execute0_lowered;
	s6 =	sadd.s32 s6, s7;
	[dreg:$0x0] =	wrdreg $0x0  }
0xab: {  	s7 =	sshll.u32 s28, $0x1;
	[dreg:$0x2] =	wrdreg s6  }
0xac: {  	[dreg:$0x3] =	wrdreg s7  }
0xad: {  	[dreg:$0x4] =	wrdreg $0xC0  }
0xae: {  	_ =	task [dreg:s10], $0x5FFFF  }
0xaf: {  	[dreg:$0x1] =	wrdreg $0xFFFFFFFF  }
0xb0: {  	[dreg:$0x0] =	wrdreg $0x60  }
0xb1: {  	[dreg:$0x2] =	wrdreg s2  }
0xb2: {  	[dreg:$0x3] =	wrdreg s19  }
0xb3: {  	[dreg:$0x4] =	wrdreg s4  }
0xb4: {  	[dreg:$0x5] =	wrdreg s5  }
0xb5: {  	[dreg:$0x6] =	wrdreg $0x151000  }
0xb6: {  	[dreg:$0x7] =	wrdreg $0x9  }
0xb7: {  	_ =	task.clear_ibuf [dreg:s10], $0x8FFFF;
	_ =	strace $0x90000046  }
0xb8: {  	s29 =	simm.s32 $0x9;
	_ =	strace $0x80000048  }
0xb9: {  	_ =	swait.ge [sflag:s29], $0x1  }
0xba: {  	[sflag:s29] =	ssyncadd.s32 $0xFFFFFFFF  }
0xbb: {  	_ =	strace $0x90000048  }
0xbc: {  	_ =	sfence  }
0xbd: {  	s30 =	sld [smem:$0x0];
	_ =	sdelay $0x2  }
0xbe: {  	s31 =	sshll.u32 s1, $0xD;
	s1 =	sshrl.u32 s1, $0x2  }
0xbf: {  	s3 =	sand.u32 $0x4000, s31;
	s1 =	sadd.s32 s1, s30  }
0xc0: {  	s0 =	sor.u32 s3, s0;
	s1 =	sshll.u32 s1, $0x11  }
0xc1: {  	s0 =	sor.u32 s1, s0  }
0xc2: {  	s0 =	sadd.s32 $0x8F2B, s0  }
0xc3: {  	[sflag:s0] =	ssyncadd.remote.s32 $0x1  }
0xc4: {  	_ =	sfence.sel $0xFFFF  }
0xc5: {  	[dreg:$0x0] =	wrdreg $0xFFFFFFFF;
	(pc) =	sbr.abs _section_cstart, $3  }
0xc6: {  	[dreg:$0x1] =	wrdreg $0xFFFFFFFF  }
0xc7: {  	_ =	task.clear_ibuf [dreg:s10], $0x2FFFF;
	_ =	strace $0x9FFFFFFF  }
0xc8: {  	(tm) =	ssettm $0x7FFFFFFF  }
0xc9: {  	_ =	shalt  }
tec
execute0_lowered:
.L_overlay_start_1:
0x0: {  	(tag) =	ssettag $0x1  }
0x1: {  	s4 =	rddreg [dreg:$0x0]  }
0x2: {  	s7 =	rddreg [dreg:$0x1]  }
0x3: {  	s8 =	rddreg [dreg:$0x2]  }
0x4: {  	s10 =	rddreg [dreg:$0x3]  }
0x5: {  	s0 =	stileid.u32;
	s2 =	rddreg [dreg:$0x4]  }
0x6: {  	s3 =	simm.s32 $0x0;
	s6 =	srdreg.scid;
	s12 =	smul.u32 $0x280, s0  }
0x7: {  	[smem:$0x7FF] =	sst s3;
	s9 =	sand.u32 $0x1, s6;
	s13 =	smul.u32 $0x5, s0  }
0x8: {  	s1 =	rddreg [dreg:$0x5];
	_ =	strace $0x80000047;
	s6 =	ssub.s32 $0x2, s9  }
0x9: {  	s5 =	smin.u32 s12, $0x2490;
	s14 =	sor.u32 $0xC80, s13;
	s22 =	sadd.s32 $0xC81, s13  }
0xa: {  	s24 =	sadd.s32 $0xC82, s13;
	s11 =	sshrl.u32 s5, $0x3;
	s15 =	sadd.s32 $0x10, s5  }
0xb: {  	s16 =	sor.u32 $0x20, s5;
	s17 =	sadd.s32 $0x30, s5;
	s18 =	sor.u32 $0x40, s5  }
0xc: {  	s19 =	sadd.s32 $0x50, s5;
	s20 =	sor.u32 $0x60, s5;
	s23 =	sadd.s32 $0x80, s5  }
0xd: {  	v0 =	vmov s12;
	s26 =	sshll.u32 s5, $0x4;
	s25 =	sadd.s32 $0x100, s5;
	s12 =	sadd.s32 $0xA0, s5  }
0xe: {  	s28 =	sadd.s32 $0xB0, s5;
	s29 =	sadd.s32 $0xC0, s5;
	v1 =	vmov s14;
	s14 =	sadd.s32 $0xD0, s5  }
0xf: {  	v9 =	vmov s22;
	s22 =	sadd.s32 $0x180, s5;
	v10 =	vmov s24;
	s24 =	smul.u32 $0x1A000, s0;
	s7 =	sadd.s32 s7, s11  }
0x10: {  	v15 =	vlaneseq.u32;
	s8 =	sadd.s32 s8, s11;
	s30 =	sshll.u32 s23, $0x4;
	s11 =	sadd.s32 $0xC83, s13  }
0x11: {  	v2 =	vor.u32 s15, v15;
	s15 =	sadd.s32 $0xE0, s5;
	v16 =	vor.u32 s23, v15;
	s23 =	sadd.s32 $0x150, s5;
	v18 =	vor.u32 s12, v15;
	s12 =	sadd.s32 $0x170, s5  }
0x12: {  	v19 =	vor.u32 s28, v15;
	v20 =	vor.u32 s29, v15;
	v21 =	vor.u32 s14, v15;
	s14 =	sadd.s32 $0x1A0, s5;
	s28 =	sadd.s32 $0x1B0, s5;
	s29 =	sadd.s32 $0x1C0, s5  }
0x13: {  	v24 =	vor.u32 s25, v15;
	[dreg:$0x7] =	wrdreg s8;
	s8 =	smul.u32 $0xC80, s9;
	s9 =	sadd.s32 s4, s26  }
0x14: {  	v32 =	vor.u32 s22, v15;
	s31 =	sadd.s32 s4, s30;
	s26 =	sshll.u32 s25, $0x4;
	[tilespmem:$0x1FE50] =	vst v2;
	v2 =	vor.u32 s16, v15;
	s16 =	sadd.s32 $0xF0, s5;
	v22 =	vor.u32 s15, v15  }
0x15: {  	s30 =	sadd.s32 $0x130, s5;
	s15 =	sadd.s32 $0x1D0, s5;
	v29 =	vor.u32 s23, v15;
	v31 =	vor.u32 s12, v15;
	v34 =	vor.u32 s14, v15;
	[dreg:$0x8] =	wrdreg s9  }
0x16: {  	s25 =	sadd.s32 $0x1F0, s5;
	v35 =	vor.u32 s28, v15;
	v36 =	vor.u32 s29, v15;
	[dreg:$0x9] =	wrdreg s31;
	s9 =	sadd.s32 $0xC84, s13;
	[tilespmem:$0x1FE60] =	vst v2;
	v2 =	vor.u32 s17, v15  }
0x17: {  	s13 =	sadd.s32 s4, s26;
	s26 =	sadd.s32 $0x90, s5;
	s31 =	sadd.s32 $0x160, s5;
	v23 =	vor.u32 s16, v15;
	v27 =	vor.u32 s30, v15;
	v37 =	vor.u32 s15, v15  }
0x18: {  	s16 =	sadd.s32 $0x1E0, s5;
	s17 =	sshrl.u32 s24, $0x2;
	s24 =	sadd.s32 $0x230, s5;
	v39 =	vor.u32 s25, v15;
	[tilespmem:$0x1FE70] =	vst v2;
	v2 =	vor.u32 s18, v15;
	v17 =	vor.u32 s26, v15  }
0x19: {  	s21 =	sadd.s32 $0x70, s5;
	s18 =	sadd.s32 $0x110, s5;
	s26 =	sadd.s32 $0x190, s5;
	v30 =	vor.u32 s31, v15;
	v38 =	vor.u32 s16, v15;
	v43 =	vor.u32 s24, v15  }
0x1a: {  	[dreg:$0xa] =	wrdreg s13;
	s13 =	sadd.s32 $0x200, s5;
	s16 =	sadd.s32 $0x250, s5;
	[tilespmem:$0x1FE80] =	vst v2;
	v2 =	vor.u32 s19, v15;
	v25 =	vor.u32 s18, v15;
	v33 =	vor.u32 s26, v15  }
0x1b: {  	s30 =	sshll.u32 s22, $0x4;
	s19 =	sadd.s32 $0x120, s5;
	s18 =	sadd.s32 $0x210, s5;
	v40 =	vor.u32 s13, v15;
	v45 =	vor.u32 s16, v15;
	[tilespmem:$0x1FE90] =	vst v2;
	v2 =	vor.u32 s20, v15  }
0x1c: {  	v26 =	vor.u32 s19, v15;
	s19 =	sadd.s32 $0x220, s5;
	s20 =	sadd.s32 s4, s30;
	s30 =	sadd.s32 $0x240, s5;
	v41 =	vor.u32 s18, v15;
	[tilespmem:$0x1FEA0] =	vst v2;
	v2 =	vor.u32 s21, v15  }
0x1d: {  	s18 =	sadd.s32 $0x260, s5;
	s21 =	sadd.s32 $0x140, s5;
	v42 =	vor.u32 s19, v15;
	v44 =	vor.u32 s30, v15;
	[tilespmem:$0x1FEB0] =	vst v2;
	v2 =	vor.u32 s5, v15;
	s5 =	sadd.s32 $0x270, s5  }
0x1e: {  	v46 =	vor.u32 s18, v15;
	v28 =	vor.u32 s21, v15;
	v15 =	vor.u32 s5, v15  }
0x1f: {  	[tilespmem:$0x1FEC0] =	vst v2;
	v2 =	vimm.s32 $0x0;
	vm0 =	vge.u32 v15, v0  }
0x20: {  	v2 =	vsel vm0, $0xFFFFFFFF, v2  }
0x21: {  	vm0 =	vge.u32 v46, v0;
	[tilespmem:$0x1FED0] =	vst v2;
	v2 =	vimm.s32 $0x0  }
0x22: {  	v2 =	vsel vm0, $0xFFFFFFFF, v2  }
0x23: {  	vm0 =	vge.u32 v45, v0;
	[tilespmem:$0x1FEE0] =	vst v2;
	v2 =	vimm.s32 $0x0  }
0x24: {  	v2 =	vsel vm0, $0xFFFFFFFF, v2  }
0x25: {  	vm0 =	vge.u32 v44, v0;
	[tilespmem:$0x1FEF0] =	vst v2;
	v2 =	vimm.s32 $0x0  }
0x26: {  	v2 =	vsel vm0, $0xFFFFFFFF, v2  }
0x27: {  	vm0 =	vge.u32 v43, v0;
	[tilespmem:$0x1FF00] =	vst v2;
	v2 =	vimm.s32 $0x0  }
0x28: {  	v2 =	vsel vm0, $0xFFFFFFFF, v2  }
0x29: {  	vm0 =	vge.u32 v42, v0;
	[tilespmem:$0x1FF10] =	vst v2;
	v2 =	vimm.s32 $0x0  }
0x2a: {  	v2 =	vsel vm0, $0xFFFFFFFF, v2  }
0x2b: {  	vm0 =	vge.u32 v41, v0;
	[tilespmem:$0x1FF20] =	vst v2;
	v2 =	vimm.s32 $0x0  }
0x2c: {  	v2 =	vsel vm0, $0xFFFFFFFF, v2  }
0x2d: {  	vm0 =	vge.u32 v40, v0;
	[tilespmem:$0x1FF30] =	vst v2;
	v2 =	vimm.s32 $0x0  }
0x2e: {  	v2 =	vsel vm0, $0xFFFFFFFF, v2  }
0x2f: {  	vm0 =	vge.u32 v39, v0;
	[tilespmem:$0x1FF40] =	vst v2;
	v2 =	vimm.s32 $0x0  }
0x30: {  	v2 =	vsel vm0, $0xFFFFFFFF, v2  }
0x31: {  	vm0 =	vge.u32 v38, v0;
	[tilespmem:$0x1FF50] =	vst v2;
	v2 =	vimm.s32 $0x0  }
0x32: {  	v2 =	vsel vm0, $0xFFFFFFFF, v2  }
0x33: {  	vm0 =	vge.u32 v37, v0;
	[tilespmem:$0x1FF60] =	vst v2;
	v2 =	vimm.s32 $0x0  }
0x34: {  	[dreg:$0x6] =	wrdreg s7;
	v2 =	vsel vm0, $0xFFFFFFFF, v2  }
0x35: {  	s7 =	sshrl.u32 s6, $0x1;
	s12 =	simm.s32 $0x14000;
	s14 =	simm.s32 $0x14280;
	vm0 =	vge.u32 v36, v0;
	[tilespmem:$0x1FF70] =	vst v2;
	v2 =	vimm.s32 $0x0  }
0x36: {  	s28 =	simm.s32 $0x14700;
	s29 =	simm.s32 $0x2;
	s25 =	smul.u32 $0xC8, s0;
	v2 =	vsel vm0, $0xFFFFFFFF, v2  }
0x37: {  	s22 =	ssub.s32 s6, s7;
	s15 =	simm.s32 $0x4000;
	s31 =	sshll.u32 s13, $0x4;
	vm0 =	vge.u32 v35, v0;
	[tilespmem:$0x1FF80] =	vst v2;
	v2 =	vimm.s32 $0x0  }
0x38: {  	v14 =	vmov s9;
	s9 =	sadd.s32 s25, s8;
	s13 =	simm.s32 $0x3;
	s16 =	simm.s32 $0x8000;
	v2 =	vsel vm0, $0xFFFFFFFF, v2  }
0x39: {  	s23 =	sadd.s32 s4, s31;
	s4 =	sadd.s32 s17, s2;
	[dreg:$0xb] =	wrdreg s20;
	vm0 =	vge.u32 v34, v0;
	[tilespmem:$0x1FF90] =	vst v2;
	v2 =	vimm.s32 $0x0  }
0x3a: {  	[dreg:$0xc] =	wrdreg s23;
	s26 =	sadd.s32 $0x800, s4;
	s31 =	sadd.s32 $0x1000, s4;
	v2 =	vsel vm0, $0xFFFFFFFF, v2  }
0x3b: {  	v13 =	vmov s11;
	s17 =	sadd.s32 $0x1800, s4;
	s20 =	sadd.s32 $0x2000, s4;
	[dreg:$0xd] =	wrdreg s26;
	vm0 =	vge.u32 v33, v0;
	[tilespmem:$0x1FFA0] =	vst v2;
	v2 =	vimm.s32 $0x0  }
0x3c: {  	vm7 =	vge.u32 v24, v0;
	vm10 =	vge.u32 v21, v0;
	s23 =	sadd.s32 $0x3000, s4;
	s24 =	sadd.s32 $0x3800, s4;
	[dreg:$0xe] =	wrdreg s31;
	v2 =	vsel vm0, $0xFFFFFFFF, v2  }
0x3d: {  	vm11 =	vge.u32 v20, v0;
	s6 =	sadd.s32 $0x4800, s4;
	s7 =	sadd.s32 $0x5000, s4;
	[dreg:$0xf] =	wrdreg s17;
	vm0 =	vge.u32 v32, v0;
	[tilespmem:$0x1FFB0] =	vst v2;
	v2 =	vimm.s32 $0x0  }
0x3e: {  	vm12 =	vge.u32 v19, v0;
	v11 =	vmov s8;
	s8 =	sadd.s32 $0x5800, s4;
	s30 =	sshll.u32 s9, $0x4;
	[dreg:$0x10] =	wrdreg s20;
	v2 =	vsel vm0, $0xFFFFFFFF, v2  }
0x3f: {  	vm13 =	vge.u32 v18, v0;
	s9 =	sadd.s32 $0x6000, s4;
	s18 =	simm.s32 $0x10000;
	[dreg:$0x12] =	wrdreg s23;
	vm0 =	vge.u32 v31, v0;
	[tilespmem:$0x1FFC0] =	vst v2;
	v2 =	vimm.s32 $0x0  }
0x40: {  	vm15 =	vge.u32 v16, v0;
	vm9 =	vge.u32 v22, v0;
	s19 =	simm.s32 $0x14900;
	s21 =	sadd.s32 $0x2800, s4;
	[dreg:$0x13] =	wrdreg s24;
	v2 =	vsel vm0, $0xFFFFFFFF, v2  }
0x41: {  	vm4 =	vge.u32 v27, v0;
	s26 =	smul.u32 $0x19000, s0;
	s10 =	sadd.s32 s10, s30;
	s17 =	simm.s32 $0xC000;
	vm0 =	vge.u32 v30, v0;
	[tilespmem:$0x1FFD0] =	vst v2;
	v2 =	vimm.s32 $0x0  }
0x42: {  	vm8 =	vge.u32 v23, v0;
	v12 =	vxor.u32 $0xFFFFFFFF, v11;
	s20 =	simm.s32 $0x1;
	s23 =	simm.s32 $0x14580;
	s24 =	simm.s32 $0x14600;
	v2 =	vsel vm0, $0xFFFFFFFF, v2  }
0x43: {  	vm14 =	vge.u32 v17, v0;
	[dreg:$0x11] =	wrdreg s21;
	s5 =	sadd.s32 $0x4000, s4;
	s11 =	sshrl.u32 s26, $0x2;
	vm0 =	vge.u32 v29, v0;
	[tilespmem:$0x1FFE0] =	vst v2;
	v2 =	vimm.s32 $0x0  }
0x44: {  	v12 =	vbroadcast v12, $0x0;
	vm6 =	vge.u32 v25, v0;
	s21 =	simm.s32 $0x80;
	s26 =	simm.s32 $0x14680;
	s31 =	sadd.s32 s11, s2;
	v2 =	vsel vm0, $0xFFFFFFFF, v2  }
0x45: {  	vm5 =	vge.u32 v26, v0;
	vm3 =	vge.u32 v28, v0;
	v15 =	vimm.f32 $0.0e+00;
	s11 =	smax.u32 s22, $0x1;
	s22 =	simm.s32 $0x14500;
	s25 =	sshrl.u32 s31, $0x3;
	[tilespmem:$0x1FFF0] =	vst v2  }
.LBB2_1:
0x46: {  	s30 =	rddreg [dreg:$0x6]  }
0x47: {  	[tilespmem:s12], [sflag:$0x3] =	stream.linear.gather [hbm4b:s30+s3], $0x280, $0x38;
	[tilespmem:$0x1B900] =	vst v63  }
0x48: {  	_ =	swait.ge [sflag:s13], $0x280  }
0x49: {  	[sflag:s13] =	ssyncset.done $0x0  }
0x4a: {  	s31 =	rddreg [dreg:$0x7];
	[sflag:s13] =	ssyncadd.s32 $0xFFFFFD80  }
0x4b: {  	[tilespmem:s14], [sflag:$0x3] =	stream.linear.gather [hbm4b:s31+s3], $0x280, $0x38;
	[tilespmem:$0x1B900] =	vst v63  }
0x4c: {  	_ =	swait.ge [sflag:s13], $0x280  }
0x4d: {  	[sflag:s13] =	ssyncset.done $0x0  }
0x4e: {  	v2 =	vld [tilespmem:$0x1FEC0];
	[sflag:s13] =	ssyncadd.s32 $0xFFFFFD80  }
0x4f: {  	v16 =	vld [tilespmem:$0x14000]  }
0x50: {  	v17 =	vld [tilespmem:$0x14280]  }
0x51: {  	v18 =	vld [tilespmem:$0x14010]  }
0x52: {  	v19 =	vld [tilespmem:$0x14290]  }
0x53: {  	v20 =	vld [tilespmem:$0x14020]  }
0x54: {  	v21 =	vld [tilespmem:$0x142A0]  }
0x55: {  	v22 =	vld [tilespmem:$0x14030]  }
0x56: {  	v23 =	vld [tilespmem:$0x142B0]  }
0x57: {  	v24 =	vld [tilespmem:$0x14040]  }
0x58: {  	v25 =	vld [tilespmem:$0x142C0]  }
0x59: {  	v26 =	vld [tilespmem:$0x14050]  }
0x5a: {  	v27 =	vld [tilespmem:$0x142D0]  }
0x5b: {  	v28 =	vld [tilespmem:$0x14060]  }
0x5c: {  	v29 =	vld [tilespmem:$0x142E0]  }
0x5d: {  	v30 =	vld [tilespmem:$0x14070]  }
0x5e: {  	v31 =	vld [tilespmem:$0x142F0]  }
0x5f: {  	v32 =	vld [tilespmem:$0x14080]  }
0x60: {  	v33 =	vld [tilespmem:$0x14300]  }
0x61: {  	v34 =	vld [tilespmem:$0x14090]  }
0x62: {  	v35 =	vld [tilespmem:$0x14310]  }
0x63: {  	v36 =	vld [tilespmem:$0x140A0]  }
0x64: {  	v37 =	vld [tilespmem:$0x14320]  }
0x65: {  	v38 =	vld [tilespmem:$0x140B0]  }
0x66: {  	v39 =	vld [tilespmem:$0x14330]  }
0x67: {  	v40 =	vld [tilespmem:$0x140C0]  }
0x68: {  	v41 =	vld [tilespmem:$0x14340]  }
0x69: {  	v42 =	vld [tilespmem:$0x140D0]  }
0x6a: {  	v43 =	vld [tilespmem:$0x14350]  }
0x6b: {  	v44 =	vld [tilespmem:$0x140E0]  }
0x6c: {  	v45 =	vld [tilespmem:$0x14360]  }
0x6d: {  	v46 =	vld [tilespmem:$0x140F0]  }
0x6e: {  	v47 =	vld [tilespmem:$0x14370]  }
0x6f: {  	v48 =	vld [tilespmem:$0x14100]  }
0x70: {  	v49 =	vld [tilespmem:$0x14380]  }
0x71: {  	v52 =	vld [tilespmem:$0x14110]  }
0x72: {  	v53 =	vld [tilespmem:$0x14390]  }
0x73: {  	v54 =	vld [tilespmem:$0x14120]  }
0x74: {  	v55 =	vld [tilespmem:$0x143A0]  }
0x75: {  	v56 =	vld [tilespmem:$0x14130]  }
0x76: {  	v57 =	vld [tilespmem:$0x143B0]  }
0x77: {  	v58 =	vld [tilespmem:$0x14140]  }
0x78: {  	v3 =	vld [tilespmem:$0x143F0];
	vm0 =	vge.u32 v2, v0;
	v17 =	vmul.u32 $0x64, v17;
	v16 =	vadd.s32 v12, v16  }
0x79: {  	v59 =	vld [tilespmem:$0x143C0];
	v18 =	vadd.s32 v12, v18;
	v63 =	vmul.u32 $0x64, v21;
	v4 =	vadd.s32 v12, v20  }
0x7a: {  	v60 =	vld [tilespmem:$0x14150];
	v5 =	vmul.u32 $0x64, v23;
	v6 =	vadd.s32 v12, v22;
	v7 =	vmul.u32 $0x64, v25  }
0x7b: {  	v2 =	vld [tilespmem:$0x1FE60];
	v24 =	vadd.s32 v12, v24;
	v25 =	vmul.u32 $0x64, v27;
	v27 =	vadd.s32 v12, v26  }
0x7c: {  	v61 =	vld [tilespmem:$0x143D0];
	v29 =	vmul.u32 $0x64, v29;
	v26 =	vadd.s32 v12, v30;
	v30 =	vadd.s32 v12, v34  }
0x7d: {  	v62 =	vld [tilespmem:$0x14160];
	v34 =	vadd.s32 v12, v38;
	v38 =	vadd.s32 v12, v42;
	v3 =	vmul.u32 $0x64, v3  }
0x7e: {  	v8 =	vld [tilespmem:$0x14410];
	v16 =	vadd.s32 v17, v16;
	v17 =	vmul.u32 $0x64, v19;
	v19 =	vadd.s32 v5, v6  }
0x7f: {  	v11 =	vld [tilespmem:$0x141A0];
	v51 =	vadd.s32 v25, v27;
	v25 =	vmul.u32 $0x64, v31;
	v27 =	vmul.u32 $0x64, v33  }
0x80: {  	v31 =	vmul.u32 $0x64, v37;
	vm1 =	vlt.u32 v16, $0xC80;
	vm2 =	vge.u32 v2, v0;
	v2 =	vld [tilespmem:$0x1FE50]  }
0x81: {  	v42 =	vld [tilespmem:$0x141C0];
	v33 =	vmul.u32 $0x64, v39;
	v37 =	vmul.u32 $0x64, v43;
	vm0 =	vmand vm0, vm1  }
0x82: {  	v5 =	vld [tilespmem:$0x14180];
	v17 =	vadd.s32 v17, v18;
	v18 =	vadd.s32 v63, v4;
	v4 =	vadd.s32 v7, v24  }
0x83: {  	v6 =	vld [tilespmem:$0x14400];
	v24 =	vadd.s32 v12, v28;
	v20 =	vadd.s32 v25, v26;
	v28 =	vadd.s32 v12, v32  }
0x84: {  	v39 =	vld [tilespmem:$0x14420];
	v32 =	vadd.s32 v12, v36;
	v36 =	vadd.s32 v12, v40;
	v26 =	vadd.s32 v37, v38  }
0x85: {  	v37 =	vadd.s32 v12, v48;
	v38 =	vmul.u32 $0x64, v53;
	vm1 =	vge.u32 v2, v0;
	v2 =	vld [tilespmem:$0x1FE70]  }
0x86: {  	v43 =	vld [tilespmem:$0x14440];
	v48 =	vadd.s32 v12, v52;
	v52 =	vadd.s32 v12, v54;
	v53 =	vmul.u32 $0x64, v57  }
0x87: {  	v63 =	vld [tilespmem:$0x143E0];
	v54 =	vadd.s32 v12, v56;
	v56 =	vadd.s32 v12, v58;
	v57 =	vmul.u32 $0x64, v61  }
0x88: {  	v7 =	vld [tilespmem:$0x14190];
	v58 =	vadd.s32 v12, v60;
	v16 =	vsel vm0, v16, v1;
	vm0 =	vlt.u32 v17, $0xC80  }
0x89: {  	v40 =	vld [tilespmem:$0x14430];
	v60 =	vadd.s32 v12, v62;
	vm0 =	vmand vm1, vm0;
	vm1 =	vlt.u32 v18, $0xC80  }
0x8a: {  	v17 =	vsel vm0, v17, v1;
	vm0 =	vmand vm2, vm1;
	vm1 =	vge.u32 v2, v0;
	v2 =	vld [tilespmem:$0x1FE80]  }
0x8b: {  	v61 =	vld [tilespmem:$0x14480];
	v50 =	vadd.s32 v29, v24;
	v29 =	vmul.u32 $0x64, v35;
	v21 =	vadd.s32 v27, v28  }
0x8c: {  	v23 =	vadd.s32 v31, v32;
	v35 =	vmul.u32 $0x64, v41;
	v41 =	vld [tilespmem:$0x141B0];
	v24 =	vadd.s32 v33, v34  }
0x8d: {  	v32 =	vmul.u32 $0x64, v45;
	v33 =	vadd.s32 v12, v44;
	v34 =	vmul.u32 $0x64, v47;
	v44 =	vld [tilespmem:$0x141D0]  }
0x8e: {  	v45 =	vld [tilespmem:$0x14450];
	v22 =	vadd.s32 v29, v30;
	v18 =	vsel vm0, v18, v1;
	vm0 =	vlt.u32 v19, $0xC80  }
0x8f: {  	v25 =	vadd.s32 v35, v36;
	vm1 =	vmand vm1, vm0;
	vm0 =	vge.u32 v2, v0;
	v2 =	vld [tilespmem:$0x14170]  }
0x90: {  	v47 =	vld [tilespmem:$0x14460];
	v27 =	vadd.s32 v32, v33;
	v35 =	vadd.s32 v12, v46;
	v36 =	vmul.u32 $0x64, v49  }
0x91: {  	v49 =	vmul.u32 $0x64, v55;
	v46 =	vld [tilespmem:$0x141E0];
	v30 =	vadd.s32 v38, v48;
	v55 =	vmul.u32 $0x64, v59  }
0x92: {  	v48 =	vld [tilespmem:$0x141F0];
	v32 =	vadd.s32 v53, v54;
	v6 =	vmul.u32 $0x64, v6;
	v62 =	vmul.u32 $0x64, v39  }
0x93: {  	v54 =	vld [tilespmem:$0x14210];
	v28 =	vadd.s32 v34, v35;
	v29 =	vadd.s32 v36, v37;
	v31 =	vadd.s32 v49, v52  }
0x94: {  	v49 =	vld [tilespmem:$0x14470];
	v33 =	vadd.s32 v55, v56;
	v59 =	vmul.u32 $0x64, v63;
	v2 =	vadd.s32 v12, v2  }
0x95: {  	v52 =	vld [tilespmem:$0x14200];
	v36 =	vadd.s32 v3, v2;
	v2 =	vadd.s32 v12, v5;
	v3 =	vmul.u32 $0x64, v8  }
0x96: {  	v63 =	vmul.u32 $0x64, v43;
	v55 =	vld [tilespmem:$0x144B0];
	v37 =	vadd.s32 v6, v2;
	v2 =	vadd.s32 v12, v7  }
0x97: {  	v56 =	vld [tilespmem:$0x14240];
	v38 =	vadd.s32 v3, v2;
	v2 =	vadd.s32 v12, v11;
	v3 =	vmul.u32 $0x64, v40  }
0x98: {  	v47 =	vmul.u32 $0x64, v47;
	v5 =	vld [tilespmem:$0x14490];
	v39 =	vadd.s32 v62, v2;
	v2 =	vadd.s32 v12, v41  }
0x99: {  	v8 =	vld [tilespmem:$0x144A0];
	v40 =	vadd.s32 v3, v2;
	v2 =	vadd.s32 v12, v42;
	v3 =	vmul.u32 $0x64, v45  }
0x9a: {  	v35 =	vadd.s32 v59, v60;
	v7 =	vld [tilespmem:$0x14220];
	v41 =	vadd.s32 v63, v2;
	v2 =	vadd.s32 v12, v44  }
0x9b: {  	v60 =	vld [tilespmem:$0x144C0];
	v42 =	vadd.s32 v3, v2;
	v2 =	vadd.s32 v12, v46;
	v3 =	vmul.u32 $0x64, v49  }
0x9c: {  	v61 =	vmul.u32 $0x64, v61;
	v11 =	vld [tilespmem:$0x14230];
	v43 =	vadd.s32 v47, v2;
	v2 =	vadd.s32 v12, v48  }
0x9d: {  	v62 =	vld [tilespmem:$0x14250];
	v44 =	vadd.s32 v3, v2;
	v2 =	vadd.s32 v12, v52;
	v3 =	vmul.u32 $0x64, v5  }
0x9e: {  	v63 =	vld [tilespmem:$0x144D0];
	v48 =	vmul.u32 $0x64, v8;
	v45 =	vadd.s32 v61, v2;
	v2 =	vadd.s32 v12, v54  }
0x9f: {  	v8 =	vld [tilespmem:$0x144E0];
	v47 =	vadd.s32 v3, v2;
	v2 =	vadd.s32 v12, v7  }
0xa0: {  	v3 =	vld [tilespmem:$0x14260];
	v46 =	vadd.s32 v48, v2;
	v2 =	vmul.u32 $0x64, v55  }
0xa1: {  	v52 =	vadd.s32 v12, v11;
	v54 =	vmul.u32 $0x64, v60  }
0xa2: {  	v55 =	vadd.s32 v2, v52;
	v2 =	vadd.s32 v12, v56  }
0xa3: {  	v34 =	vadd.s32 v57, v58;
	v11 =	vld [tilespmem:$0x1FE90];
	v58 =	vadd.s32 v54, v2;
	v2 =	vmul.u32 $0x64, v63  }
0xa4: {  	v57 =	vld [tilespmem:$0x144F0];
	v59 =	vmul.u32 $0x64, v8;
	v8 =	vadd.s32 v12, v62  }
0xa5: {  	[tilespmem:$0x14510] =	vst v17;
	v3 =	vadd.s32 v12, v3;
	v17 =	vadd.s32 v2, v8;
	v2 =	vld [tilespmem:$0x1FEA0]  }
0xa6: {  	[tilespmem:$0x14500] =	vst v16;
	v19 =	vsel vm1, v19, v1;
	vm1 =	vlt.u32 v4, $0xC80;
	v16 =	vadd.s32 v59, v3;
	v3 =	vld [tilespmem:$0x1FEB0]  }
0xa7: {  	vm0 =	vmand vm0, vm1;
	v60 =	vld [tilespmem:$0x14270]  }
0xa8: {  	vm1 =	vlt.u32 v51, $0xC80;
	v4 =	vsel vm0, v4, v1;
	vm0 =	vge.u32 v11, v0  }
0xa9: {  	vm0 =	vmand vm0, vm1  }
0xaa: {  	vm1 =	vge.u32 v2, v0;
	v2 =	vsel vm0, v51, v1;
	vm0 =	vlt.u32 v50, $0xC80  }
0xab: {  	vm0 =	vmand vm1, vm0;
	vm1 =	vge.u32 v3, v0;
	v3 =	vmul.u32 $0x64, v57  }
0xac: {  	v62 =	vadd.s32 v12, v60;
	v61 =	vsel vm0, v50, v1;
	vm0 =	vlt.u32 v20, $0xC80  }
0xad: {  	v63 =	vadd.s32 v3, v62;
	vm0 =	vmand vm1, vm0;
	vm1 =	vlt.u32 v21, $0xC80  }
0xae: {  	[tilespmem:$0x14550] =	vst v2;
	v2 =	vsel vm0, v20, v1;
	vm0 =	vmand vm15, vm1;
	vm1 =	vlt.u32 v22, $0xC80  }
0xaf: {  	[tilespmem:$0x14570] =	vst v2;
	v2 =	vsel vm0, v21, v9;
	vm0 =	vmand vm14, vm1;
	vm1 =	vlt.u32 v23, $0xC80  }
0xb0: {  	[tilespmem:$0x14580] =	vst v2;
	v2 =	vsel vm0, v22, v9;
	vm0 =	vmand vm13, vm1;
	vm1 =	vlt.u32 v24, $0xC80  }
0xb1: {  	[tilespmem:$0x14590] =	vst v2;
	v2 =	vsel vm0, v23, v9;
	vm0 =	vmand vm12, vm1;
	vm1 =	vlt.u32 v25, $0xC80  }
0xb2: {  	[tilespmem:$0x145A0] =	vst v2;
	v2 =	vsel vm0, v24, v9;
	vm0 =	vmand vm11, vm1;
	vm1 =	vlt.u32 v26, $0xC80  }
0xb3: {  	[tilespmem:$0x145B0] =	vst v2;
	v2 =	vsel vm0, v25, v9;
	vm0 =	vmand vm10, vm1;
	vm1 =	vlt.u32 v27, $0xC80  }
0xb4: {  	[tilespmem:$0x145C0] =	vst v2;
	v2 =	vsel vm0, v26, v9;
	vm0 =	vmand vm9, vm1;
	vm1 =	vlt.u32 v28, $0xC80  }
0xb5: {  	[tilespmem:$0x145D0] =	vst v2;
	v2 =	vsel vm0, v27, v9;
	vm0 =	vmand vm8, vm1;
	vm1 =	vlt.u32 v29, $0xC80  }
0xb6: {  	v3 =	vld [tilespmem:$0x1FFF0];
	[tilespmem:$0x145E0] =	vst v2;
	v2 =	vsel vm0, v28, v9;
	vm0 =	vmand vm7, vm1;
	vm1 =	vlt.u32 v30, $0xC80  }
0xb7: {  	[tilespmem:$0x145F0] =	vst v2;
	v2 =	vsel vm0, v29, v10;
	vm0 =	vmand vm6, vm1;
	vm1 =	vlt.u32 v31, $0xC80  }
0xb8: {  	[tilespmem:$0x14600] =	vst v2;
	v2 =	vsel vm0, v30, v10;
	vm0 =	vmand vm5, vm1;
	vm1 =	vlt.u32 v32, $0xC80  }
0xb9: {  	[tilespmem:$0x14610] =	vst v2;
	v2 =	vsel vm0, v31, v10;
	vm0 =	vmand vm4, vm1;
	vm1 =	vlt.u32 v33, $0xC80  }
0xba: {  	[tilespmem:$0x14620] =	vst v2;
	v2 =	vsel vm0, v32, v10;
	vm0 =	vmand vm3, vm1  }
0xbb: {  	[tilespmem:$0x14630] =	vst v2;
	v2 =	vsel vm0, v33, v10;
	vm0 =	vnez.u8 v3;
	v3 =	vld [tilespmem:$0x1FFE0];
	_ =	sdelay $0x2  }
0xbc: {  	vm1 =	vlt.u32 v34, $0xC80  }
0xbd: {  	vm0 =	vmand vm0, vm1  }
0xbe: {  	[tilespmem:$0x14640] =	vst v2;
	v2 =	vsel vm0, v34, v10;
	vm0 =	vnez.u8 v3;
	v3 =	vld [tilespmem:$0x1FFD0];
	_ =	sdelay $0x2  }
0xbf: {  	vm1 =	vlt.u32 v35, $0xC80  }
0xc0: {  	vm0 =	vmand vm0, vm1  }
0xc1: {  	[tilespmem:$0x14650] =	vst v2;
	v2 =	vsel vm0, v35, v10;
	vm0 =	vnez.u8 v3;
	v3 =	vld [tilespmem:$0x1FFC0];
	_ =	sdelay $0x2  }
0xc2: {  	vm1 =	vlt.u32 v36, $0xC80  }
0xc3: {  	vm0 =	vmand vm0, vm1  }
0xc4: {  	[tilespmem:$0x14660] =	vst v2;
	v2 =	vsel vm0, v36, v10;
	vm0 =	vnez.u8 v3;
	v3 =	vld [tilespmem:$0x1FFB0];
	_ =	sdelay $0x2  }
0xc5: {  	vm1 =	vlt.u32 v37, $0xC80  }
0xc6: {  	vm0 =	vmand vm0, vm1  }
0xc7: {  	[tilespmem:$0x14670] =	vst v2;
	v2 =	vsel vm0, v37, v13;
	vm0 =	vnez.u8 v3;
	v3 =	vld [tilespmem:$0x1FFA0];
	_ =	sdelay $0x2  }
0xc8: {  	vm1 =	vlt.u32 v38, $0xC80  }
0xc9: {  	vm0 =	vmand vm0, vm1  }
0xca: {  	[tilespmem:$0x14680] =	vst v2;
	v2 =	vsel vm0, v38, v13;
	vm0 =	vnez.u8 v3;
	v3 =	vld [tilespmem:$0x1FF90];
	_ =	sdelay $0x2  }
0xcb: {  	vm1 =	vlt.u32 v39, $0xC80  }
0xcc: {  	vm0 =	vmand vm0, vm1  }
0xcd: {  	[tilespmem:$0x14690] =	vst v2;
	v2 =	vsel vm0, v39, v13;
	vm0 =	vnez.u8 v3;
	v3 =	vld [tilespmem:$0x1FF80];
	_ =	sdelay $0x2  }
0xce: {  	vm1 =	vlt.u32 v40, $0xC80  }
0xcf: {  	vm0 =	vmand vm0, vm1  }
0xd0: {  	[tilespmem:$0x146A0] =	vst v2;
	v2 =	vsel vm0, v40, v13;
	vm0 =	vnez.u8 v3;
	v3 =	vld [tilespmem:$0x1FF70];
	_ =	sdelay $0x2  }
0xd1: {  	vm1 =	vlt.u32 v41, $0xC80  }
0xd2: {  	vm0 =	vmand vm0, vm1  }
0xd3: {  	[tilespmem:$0x146B0] =	vst v2;
	v2 =	vsel vm0, v41, v13;
	vm0 =	vnez.u8 v3;
	v3 =	vld [tilespmem:$0x1FF60];
	_ =	sdelay $0x2  }
0xd4: {  	vm1 =	vlt.u32 v42, $0xC80  }
0xd5: {  	vm0 =	vmand vm0, vm1  }
0xd6: {  	[tilespmem:$0x146C0] =	vst v2;
	v2 =	vsel vm0, v42, v13;
	vm0 =	vnez.u8 v3;
	v3 =	vld [tilespmem:$0x1FF50];
	_ =	sdelay $0x2  }
0xd7: {  	vm1 =	vlt.u32 v43, $0xC80  }
0xd8: {  	vm0 =	vmand vm0, vm1  }
0xd9: {  	[tilespmem:$0x146D0] =	vst v2;
	v2 =	vsel vm0, v43, v13;
	vm0 =	vnez.u8 v3;
	v3 =	vld [tilespmem:$0x1FF40];
	_ =	sdelay $0x2  }
0xda: {  	vm1 =	vlt.u32 v44, $0xC80  }
0xdb: {  	vm0 =	vmand vm0, vm1  }
0xdc: {  	[tilespmem:$0x146E0] =	vst v2;
	v2 =	vsel vm0, v44, v13;
	vm0 =	vnez.u8 v3;
	v3 =	vld [tilespmem:$0x1FF30];
	_ =	sdelay $0x2  }
0xdd: {  	vm1 =	vlt.u32 v45, $0xC80  }
0xde: {  	vm0 =	vmand vm0, vm1  }
0xdf: {  	[tilespmem:$0x146F0] =	vst v2;
	v2 =	vsel vm0, v45, v14;
	vm0 =	vnez.u8 v3;
	v3 =	vld [tilespmem:$0x1FF20];
	_ =	sdelay $0x2  }
0xe0: {  	vm1 =	vlt.u32 v47, $0xC80  }
0xe1: {  	vm0 =	vmand vm0, vm1  }
0xe2: {  	[tilespmem:$0x14700] =	vst v2;
	v2 =	vsel vm0, v47, v14;
	vm0 =	vnez.u8 v3;
	v3 =	vld [tilespmem:$0x1FF10];
	_ =	sdelay $0x2  }
0xe3: {  	vm1 =	vlt.u32 v46, $0xC80  }
0xe4: {  	vm0 =	vmand vm0, vm1  }
0xe5: {  	[tilespmem:$0x14710] =	vst v2;
	v2 =	vsel vm0, v46, v14;
	vm0 =	vnez.u8 v3;
	v3 =	vld [tilespmem:$0x1FF00];
	_ =	sdelay $0x2  }
0xe6: {  	vm1 =	vlt.u32 v55, $0xC80  }
0xe7: {  	vm0 =	vmand vm0, vm1  }
0xe8: {  	[tilespmem:$0x14720] =	vst v2;
	v2 =	vsel vm0, v55, v14;
	vm0 =	vnez.u8 v3;
	v3 =	vld [tilespmem:$0x1FEF0];
	_ =	sdelay $0x2  }
0xe9: {  	vm1 =	vlt.u32 v58, $0xC80  }
0xea: {  	vm0 =	vmand vm0, vm1  }
0xeb: {  	[tilespmem:$0x14730] =	vst v2;
	vm1 =	vlt.u32 v17, $0xC80;
	v2 =	vsel vm0, v58, v14;
	vm0 =	vnez.u8 v3  }
0xec: {  	v3 =	vld [tilespmem:$0x1FEE0];
	vm0 =	vmand vm0, vm1  }
0xed: {  	[tilespmem:$0x14740] =	vst v2;
	v2 =	vsel vm0, v17, v14  }
0xee: {  	[tilespmem:$0x14750] =	vst v2;
	v2 =	vld [tilespmem:$0x1FED0];
	_ =	sdelay $0x2  }
0xef: {  	[tilespmem:$0x14520] =	vst v18;
	vm1 =	vlt.u32 v16, $0xC80;
	vm0 =	vnez.u8 v3  }
0xf0: {  	[tilespmem:$0x14530] =	vst v19;
	vm0 =	vmand vm0, vm1  }
0xf1: {  	[tilespmem:$0x14540] =	vst v4;
	vm1 =	vlt.u32 v63, $0xC80;
	v3 =	vsel vm0, v16, v14;
	vm0 =	vnez.u8 v2  }
0xf2: {  	[tilespmem:$0x14560] =	vst v61;
	vm0 =	vmand vm0, vm1  }
0xf3: {  	[tilespmem:$0x14760] =	vst v3;
	v2 =	vsel vm0, v63, v14  }
0xf4: {  	s30 =	rddreg [dreg:$0x8];
	[tilespmem:$0x14770] =	vst v2  }
0xf5: {  	[tilespmem:s3], [sflag:$0x1] =	stream.linear.gather [hbm4b:s30+s3], $0x4000, $0x38;
	[tilespmem:$0x1B900] =	vst v63  }
0xf6: {  	s31 =	rddreg [dreg:$0x9]  }
0xf7: {  	[tilespmem:s15], [sflag:$0x1] =	stream.linear.gather [hbm4b:s31+s3], $0x4000, $0x38;
	[tilespmem:$0x1B900] =	vst v63  }
0xf8: {  	s30 =	rddreg [dreg:$0xa]  }
0xf9: {  	[tilespmem:s16], [sflag:$0x1] =	stream.linear.gather [hbm4b:s30+s3], $0x4000, $0x38;
	[tilespmem:$0x1B900] =	vst v63  }
0xfa: {  	s31 =	rddreg [dreg:$0xb]  }
0xfb: {  	[tilespmem:s17], [sflag:$0x1] =	stream.linear.gather [hbm4b:s31+s3], $0x4000, $0x38;
	[tilespmem:$0x1B900] =	vst v63  }
0xfc: {  	s30 =	rddreg [dreg:$0xc]  }
0xfd: {  	[tilespmem:s18], [sflag:$0x1] =	stream.linear.gather [hbm4b:s30+s3], $0x4000, $0x38;
	[tilespmem:$0x1B900] =	vst v63  }
0xfe: {  	[tilespmem:$0x14900] =	vst v15  }
0xff: {  	[tilespmem:$0x14910] =	vst v15  }
0x100: {  	[tilespmem:$0x14920] =	vst v15  }
0x101: {  	[tilespmem:$0x14930] =	vst v15  }
0x102: {  	[tilespmem:$0x14940] =	vst v15  }
0x103: {  	[tilespmem:$0x14950] =	vst v15  }
0x104: {  	[tilespmem:$0x14960] =	vst v15  }
0x105: {  	[tilespmem:$0x14970] =	vst v15  }
0x106: {  	[tilespmem:$0x14980] =	vst v15  }
0x107: {  	[tilespmem:$0x14990] =	vst v15  }
0x108: {  	[tilespmem:$0x149A0] =	vst v15  }
0x109: {  	[tilespmem:$0x149B0] =	vst v15  }
0x10a: {  	[tilespmem:$0x149C0] =	vst v15  }
0x10b: {  	[tilespmem:$0x149D0] =	vst v15  }
0x10c: {  	[tilespmem:$0x149E0] =	vst v15  }
0x10d: {  	[tilespmem:$0x149F0] =	vst v15  }
0x10e: {  	[tilespmem:$0x14A00] =	vst v15  }
0x10f: {  	[tilespmem:$0x14A10] =	vst v15  }
0x110: {  	[tilespmem:$0x14A20] =	vst v15  }
0x111: {  	[tilespmem:$0x14A30] =	vst v15  }
0x112: {  	[tilespmem:$0x14A40] =	vst v15  }
0x113: {  	[tilespmem:$0x14A50] =	vst v15  }
0x114: {  	[tilespmem:$0x14A60] =	vst v15  }
0x115: {  	[tilespmem:$0x14A70] =	vst v15  }
0x116: {  	[tilespmem:$0x14A80] =	vst v15  }
0x117: {  	[tilespmem:$0x14A90] =	vst v15  }
0x118: {  	[tilespmem:$0x14AA0] =	vst v15  }
0x119: {  	[tilespmem:$0x14AB0] =	vst v15  }
0x11a: {  	[tilespmem:$0x14AC0] =	vst v15  }
0x11b: {  	[tilespmem:$0x14AD0] =	vst v15  }
0x11c: {  	[tilespmem:$0x14AE0] =	vst v15  }
0x11d: {  	[tilespmem:$0x14AF0] =	vst v15  }
0x11e: {  	[tilespmem:$0x14B00] =	vst v15  }
0x11f: {  	[tilespmem:$0x14B10] =	vst v15  }
0x120: {  	[tilespmem:$0x14B20] =	vst v15  }
0x121: {  	[tilespmem:$0x14B30] =	vst v15  }
0x122: {  	[tilespmem:$0x14B40] =	vst v15  }
0x123: {  	[tilespmem:$0x14B50] =	vst v15  }
0x124: {  	[tilespmem:$0x14B60] =	vst v15  }
0x125: {  	[tilespmem:$0x14B70] =	vst v15  }
0x126: {  	[tilespmem:$0x14B80] =	vst v15  }
0x127: {  	[tilespmem:$0x14B90] =	vst v15  }
0x128: {  	[tilespmem:$0x14BA0] =	vst v15  }
0x129: {  	[tilespmem:$0x14BB0] =	vst v15  }
0x12a: {  	[tilespmem:$0x14BC0] =	vst v15  }
0x12b: {  	[tilespmem:$0x14BD0] =	vst v15  }
0x12c: {  	[tilespmem:$0x14BE0] =	vst v15  }
0x12d: {  	[tilespmem:$0x14BF0] =	vst v15  }
0x12e: {  	[tilespmem:$0x14C00] =	vst v15  }
0x12f: {  	[tilespmem:$0x14C10] =	vst v15  }
0x130: {  	[tilespmem:$0x14C20] =	vst v15  }
0x131: {  	[tilespmem:$0x14C30] =	vst v15  }
0x132: {  	[tilespmem:$0x14C40] =	vst v15  }
0x133: {  	[tilespmem:$0x14C50] =	vst v15  }
0x134: {  	[tilespmem:$0x14C60] =	vst v15  }
0x135: {  	[tilespmem:$0x14C70] =	vst v15  }
0x136: {  	[tilespmem:$0x14C80] =	vst v15  }
0x137: {  	[tilespmem:$0x14C90] =	vst v15  }
0x138: {  	[tilespmem:$0x14CA0] =	vst v15  }
0x139: {  	[tilespmem:$0x14CB0] =	vst v15  }
0x13a: {  	[tilespmem:$0x14CC0] =	vst v15  }
0x13b: {  	[tilespmem:$0x14CD0] =	vst v15  }
0x13c: {  	[tilespmem:$0x14CE0] =	vst v15  }
0x13d: {  	[tilespmem:$0x14CF0] =	vst v15  }
0x13e: {  	[tilespmem:$0x14D00] =	vst v15  }
0x13f: {  	[tilespmem:$0x14D10] =	vst v15  }
0x140: {  	[tilespmem:$0x14D20] =	vst v15  }
0x141: {  	[tilespmem:$0x14D30] =	vst v15  }
0x142: {  	[tilespmem:$0x14D40] =	vst v15  }
0x143: {  	[tilespmem:$0x14D50] =	vst v15  }
0x144: {  	[tilespmem:$0x14D60] =	vst v15  }
0x145: {  	[tilespmem:$0x14D70] =	vst v15  }
0x146: {  	[tilespmem:$0x14D80] =	vst v15  }
0x147: {  	[tilespmem:$0x14D90] =	vst v15  }
0x148: {  	[tilespmem:$0x14DA0] =	vst v15  }
0x149: {  	[tilespmem:$0x14DB0] =	vst v15  }
0x14a: {  	[tilespmem:$0x14DC0] =	vst v15  }
0x14b: {  	[tilespmem:$0x14DD0] =	vst v15  }
0x14c: {  	[tilespmem:$0x14DE0] =	vst v15  }
0x14d: {  	[tilespmem:$0x14DF0] =	vst v15  }
0x14e: {  	[tilespmem:$0x14E00] =	vst v15  }
0x14f: {  	[tilespmem:$0x14E10] =	vst v15  }
0x150: {  	[tilespmem:$0x14E20] =	vst v15  }
0x151: {  	[tilespmem:$0x14E30] =	vst v15  }
0x152: {  	[tilespmem:$0x14E40] =	vst v15  }
0x153: {  	[tilespmem:$0x14E50] =	vst v15  }
0x154: {  	[tilespmem:$0x14E60] =	vst v15  }
0x155: {  	[tilespmem:$0x14E70] =	vst v15  }
0x156: {  	[tilespmem:$0x14E80] =	vst v15  }
0x157: {  	[tilespmem:$0x14E90] =	vst v15  }
0x158: {  	[tilespmem:$0x14EA0] =	vst v15  }
0x159: {  	[tilespmem:$0x14EB0] =	vst v15  }
0x15a: {  	[tilespmem:$0x14EC0] =	vst v15  }
0x15b: {  	[tilespmem:$0x14ED0] =	vst v15  }
0x15c: {  	[tilespmem:$0x14EE0] =	vst v15  }
0x15d: {  	[tilespmem:$0x14EF0] =	vst v15  }
0x15e: {  	[tilespmem:$0x14F00] =	vst v15  }
0x15f: {  	[tilespmem:$0x14F10] =	vst v15  }
0x160: {  	[tilespmem:$0x14F20] =	vst v15  }
0x161: {  	[tilespmem:$0x14F30] =	vst v15  }
0x162: {  	[tilespmem:$0x14F40] =	vst v15  }
0x163: {  	[tilespmem:$0x14F50] =	vst v15  }
0x164: {  	[tilespmem:$0x14F60] =	vst v15  }
0x165: {  	[tilespmem:$0x14F70] =	vst v15  }
0x166: {  	[tilespmem:$0x14F80] =	vst v15  }
0x167: {  	[tilespmem:$0x14F90] =	vst v15  }
0x168: {  	[tilespmem:$0x14FA0] =	vst v15  }
0x169: {  	[tilespmem:$0x14FB0] =	vst v15  }
0x16a: {  	[tilespmem:$0x14FC0] =	vst v15  }
0x16b: {  	[tilespmem:$0x14FD0] =	vst v15  }
0x16c: {  	[tilespmem:$0x14FE0] =	vst v15  }
0x16d: {  	[tilespmem:$0x14FF0] =	vst v15  }
0x16e: {  	[tilespmem:$0x15000] =	vst v15  }
0x16f: {  	[tilespmem:$0x15010] =	vst v15  }
0x170: {  	[tilespmem:$0x15020] =	vst v15  }
0x171: {  	[tilespmem:$0x15030] =	vst v15  }
0x172: {  	[tilespmem:$0x15040] =	vst v15  }
0x173: {  	[tilespmem:$0x15050] =	vst v15  }
0x174: {  	[tilespmem:$0x15060] =	vst v15  }
0x175: {  	[tilespmem:$0x15070] =	vst v15  }
0x176: {  	[tilespmem:$0x15080] =	vst v15  }
0x177: {  	[tilespmem:$0x15090] =	vst v15  }
0x178: {  	[tilespmem:$0x150A0] =	vst v15  }
0x179: {  	[tilespmem:$0x150B0] =	vst v15  }
0x17a: {  	[tilespmem:$0x150C0] =	vst v15  }
0x17b: {  	[tilespmem:$0x150D0] =	vst v15  }
0x17c: {  	[tilespmem:$0x150E0] =	vst v15  }
0x17d: {  	[tilespmem:$0x150F0] =	vst v15  }
0x17e: {  	[spmem:s4] =	stream.linear.scatter [tilespmem:s19], [sflag:$0x3], $0x800, $0x38;
	[tilespmem:$0x1B900] =	vst v63  }
0x17f: {  	_ =	swait.ge [sflag:s13], $0x800  }
0x180: {  	[sflag:s13] =	ssyncset.done $0x0  }
0x181: {  	s31 =	rddreg [dreg:$0xd];
	[sflag:s13] =	ssyncadd.s32 $0xFFFFF800  }
0x182: {  	[spmem:s31] =	stream.linear.scatter [tilespmem:s19], [sflag:$0x3], $0x800, $0x38;
	[tilespmem:$0x1B900] =	vst v63  }
0x183: {  	_ =	swait.ge [sflag:s13], $0x800  }
0x184: {  	[sflag:s13] =	ssyncset.done $0x0  }
0x185: {  	s31 =	rddreg [dreg:$0xe];
	[sflag:s13] =	ssyncadd.s32 $0xFFFFF800  }
0x186: {  	[spmem:s31] =	stream.linear.scatter [tilespmem:s19], [sflag:$0x3], $0x800, $0x38;
	[tilespmem:$0x1B900] =	vst v63  }
0x187: {  	_ =	swait.ge [sflag:s13], $0x800  }
0x188: {  	[sflag:s13] =	ssyncset.done $0x0  }
0x189: {  	s31 =	rddreg [dreg:$0xf];
	[sflag:s13] =	ssyncadd.s32 $0xFFFFF800  }
0x18a: {  	[spmem:s31] =	stream.linear.scatter [tilespmem:s19], [sflag:$0x3], $0x800, $0x38;
	[tilespmem:$0x1B900] =	vst v63  }
0x18b: {  	_ =	swait.ge [sflag:s13], $0x800  }
0x18c: {  	[sflag:s13] =	ssyncset.done $0x0  }
0x18d: {  	s31 =	rddreg [dreg:$0x10];
	[sflag:s13] =	ssyncadd.s32 $0xFFFFF800  }
0x18e: {  	[spmem:s31] =	stream.linear.scatter [tilespmem:s19], [sflag:$0x3], $0x800, $0x38;
	[tilespmem:$0x1B900] =	vst v63  }
0x18f: {  	_ =	swait.ge [sflag:s13], $0x800  }
0x190: {  	[sflag:s13] =	ssyncset.done $0x0  }
0x191: {  	s31 =	rddreg [dreg:$0x11];
	[sflag:s13] =	ssyncadd.s32 $0xFFFFF800  }
0x192: {  	[spmem:s31] =	stream.linear.scatter [tilespmem:s19], [sflag:$0x3], $0x800, $0x38;
	[tilespmem:$0x1B900] =	vst v63  }
0x193: {  	_ =	swait.ge [sflag:s13], $0x800  }
0x194: {  	[sflag:s13] =	ssyncset.done $0x0  }
0x195: {  	s31 =	rddreg [dreg:$0x12];
	[sflag:s13] =	ssyncadd.s32 $0xFFFFF800  }
0x196: {  	[spmem:s31] =	stream.linear.scatter [tilespmem:s19], [sflag:$0x3], $0x800, $0x38;
	[tilespmem:$0x1B900] =	vst v63  }
0x197: {  	_ =	swait.ge [sflag:s13], $0x800  }
0x198: {  	[sflag:s13] =	ssyncset.done $0x0  }
0x199: {  	s31 =	rddreg [dreg:$0x13];
	[sflag:s13] =	ssyncadd.s32 $0xFFFFF800  }
0x19a: {  	[spmem:s31] =	stream.linear.scatter [tilespmem:s19], [sflag:$0x3], $0x800, $0x38;
	[tilespmem:$0x1B900] =	vst v63  }
0x19b: {  	_ =	swait.ge [sflag:s13], $0x800  }
0x19c: {  	[sflag:s13] =	ssyncset.done $0x0  }
0x19d: {  	[sflag:s13] =	ssyncadd.s32 $0xFFFFF800  }
0x19e: {  	[spmem:s5] =	stream.linear.scatter [tilespmem:s19], [sflag:$0x3], $0x800, $0x38;
	[tilespmem:$0x1B900] =	vst v63  }
0x19f: {  	_ =	swait.ge [sflag:s13], $0x800  }
0x1a0: {  	[sflag:s13] =	ssyncset.done $0x0  }
0x1a1: {  	[sflag:s13] =	ssyncadd.s32 $0xFFFFF800  }
0x1a2: {  	[spmem:s6] =	stream.linear.scatter [tilespmem:s19], [sflag:$0x3], $0x800, $0x38;
	[tilespmem:$0x1B900] =	vst v63  }
0x1a3: {  	_ =	swait.ge [sflag:s13], $0x800  }
0x1a4: {  	[sflag:s13] =	ssyncset.done $0x0  }
0x1a5: {  	[sflag:s13] =	ssyncadd.s32 $0xFFFFF800  }
0x1a6: {  	[spmem:s7] =	stream.linear.scatter [tilespmem:s19], [sflag:$0x3], $0x800, $0x38;
	[tilespmem:$0x1B900] =	vst v63  }
0x1a7: {  	_ =	swait.ge [sflag:s13], $0x800  }
0x1a8: {  	[sflag:s13] =	ssyncset.done $0x0  }
0x1a9: {  	[sflag:s13] =	ssyncadd.s32 $0xFFFFF800  }
0x1aa: {  	[spmem:s8] =	stream.linear.scatter [tilespmem:s19], [sflag:$0x3], $0x800, $0x38;
	[tilespmem:$0x1B900] =	vst v63  }
0x1ab: {  	_ =	swait.ge [sflag:s13], $0x800  }
0x1ac: {  	[sflag:s13] =	ssyncset.done $0x0  }
0x1ad: {  	[sflag:s13] =	ssyncadd.s32 $0xFFFFF800  }
0x1ae: {  	[spmem:s9] =	stream.linear.scatter [tilespmem:s19], [sflag:$0x3], $0x800, $0x38;
	[tilespmem:$0x1B900] =	vst v63  }
0x1af: {  	_ =	swait.ge [sflag:s13], $0x800  }
0x1b0: {  	[sflag:s13] =	ssyncset.done $0x0  }
0x1b1: {  	[sflag:s13] =	ssyncadd.s32 $0xFFFFF800  }
0x1b2: {  	_ =	swait.ge [sflag:s20], $0x4000  }
0x1b3: {  	[sflag:s20] =	ssyncset.done $0x0  }
0x1b4: {  	[sflag:s20] =	ssyncadd.s32 $0xFFFFC000  }
0x1b5: {  	_ =	swait.ge [sflag:s20], $0x4000  }
0x1b6: {  	[sflag:s20] =	ssyncset.done $0x0  }
0x1b7: {  	[sflag:s20] =	ssyncadd.s32 $0xFFFFC000  }
0x1b8: {  	_ =	swait.ge [sflag:s20], $0x4000  }
0x1b9: {  	[sflag:s20] =	ssyncset.done $0x0  }
0x1ba: {  	[sflag:s20] =	ssyncadd.s32 $0xFFFFC000  }
0x1bb: {  	_ =	swait.ge [sflag:s20], $0x4000  }
0x1bc: {  	[sflag:s20] =	ssyncset.done $0x0  }
0x1bd: {  	[sflag:s20] =	ssyncadd.s32 $0xFFFFC000  }
0x1be: {  	_ =	swait.ge [sflag:s20], $0x4000  }
0x1bf: {  	[sflag:s20] =	ssyncset.done $0x0  }
0x1c0: {  	[sflag:s20] =	ssyncadd.s32 $0xFFFFC000  }
0x1c1: {  	[bflag:$0x0] =	sbarrier.arrive $0xFFFF  }
0x1c2: {  	[spmem:s2] =	stream.indirect.scatter.add.f32 [tilespmem:s3], [sflag:$0x2], $0x80, s22, s21, $0xb8;
	[tilespmem:$0x1B900] =	vst v63  }
0x1c3: {  	_ = 	snop  }
0x1c4: {  	[spmem:s2] =	stream.indirect.scatter.add.f32 [tilespmem:s15], [sflag:$0x2], $0x80, s23, s21, $0xb8;
	[tilespmem:$0x1B900] =	vst v63  }
0x1c5: {  	_ = 	snop  }
0x1c6: {  	[spmem:s2] =	stream.indirect.scatter.add.f32 [tilespmem:s16], [sflag:$0x2], $0x80, s24, s21, $0xb8;
	[tilespmem:$0x1B900] =	vst v63  }
0x1c7: {  	_ = 	snop  }
0x1c8: {  	[spmem:s2] =	stream.indirect.scatter.add.f32 [tilespmem:s17], [sflag:$0x2], $0x80, s26, s21, $0xb8;
	[tilespmem:$0x1B900] =	vst v63  }
0x1c9: {  	_ = 	snop  }
0x1ca: {  	[spmem:s2] =	stream.indirect.scatter.add.f32 [tilespmem:s18], [sflag:$0x2], $0x80, s28, s21, $0xb8;
	[tilespmem:$0x1B900] =	vst v63  }
0x1cb: {  	_ =	swait.ge [sflag:s29], $0x4000  }
0x1cc: {  	[sflag:s29] =	ssyncset.done $0x0  }
0x1cd: {  	[sflag:s29] =	ssyncadd.s32 $0xFFFFC000  }
0x1ce: {  	_ =	swait.ge [sflag:s29], $0x4000  }
0x1cf: {  	[sflag:s29] =	ssyncset.done $0x0  }
0x1d0: {  	[sflag:s29] =	ssyncadd.s32 $0xFFFFC000  }
0x1d1: {  	_ =	swait.ge [sflag:s29], $0x4000  }
0x1d2: {  	[sflag:s29] =	ssyncset.done $0x0  }
0x1d3: {  	[sflag:s29] =	ssyncadd.s32 $0xFFFFC000  }
0x1d4: {  	_ =	swait.ge [sflag:s29], $0x4000  }
0x1d5: {  	[sflag:s29] =	ssyncset.done $0x0  }
0x1d6: {  	[sflag:s29] =	ssyncadd.s32 $0xFFFFC000  }
0x1d7: {  	_ =	swait.ge [sflag:s29], $0x4000  }
0x1d8: {  	[sflag:s29] =	ssyncset.done $0x0  }
0x1d9: {  	p0 =	sne.s32 s11, $0x1;
	s31 =	sshll.u32 s0, $0x6;
	[sflag:s29] =	ssyncadd.s32 $0xFFFFC000  }
.Ltmp0:
0x1da: {  	s30 =	sor.u32 $0x1C03, s31;
	[bflag:$0x0] =	sbarrier.arrive $0xFFFF;
	(pc) =	sbr.rel @p0 .LBB2_1-.Ltmp0, $4  }
0x1db: {  	[hbm:s10], [sflag:s30] =	dma.local [spmem:s25], $0xC80  }
0x1dc: {  	_ =	swait.ge [sflag:s13], $0xC80  }
0x1dd: {  	[sflag:s13] =	ssyncset.done $0x0  }
0x1de: {  	s11 =	sadd.s32 $0xFFFFFFFF, s11;
	[sflag:s13] =	ssyncadd.s32 $0xFFFFF380  }
0x1df: {  	_ =	sfence.sel $0x180000  }
0x1e0: {  	[bflag:$0x0] =	sbarrier.arrive $0xFFFF  }
0x1e1: {  	p0 =	sne.s32 s0, $0x0;
	_ =	strace $0x90000047  }
0x1e2: {  	s0 =	sadd.s32 @!p0 $0x100000, s1;
	[bflag:$0x2] =	sbarrier.arrive $0xFFFF  }
0x1e3: {  	[sflag:s0] =	ssyncadd.tile.s32 @!p0 $0x1;
	_ =	shalt  }
.Lfunc_end2:
_tile_overlayer_lowered:
.L_overlay_start_2:
0x1e4: {  	(tag) =	ssettag $0x2  }
0x1e5: {  	s0 =	rddreg [dreg:$0x0];
	s2 =	stileid.u32  }
0x1e6: {  	s1 =	rddreg [dreg:$0x1];
	p0 =	sne.s32 s2, $0x0  }
0x1e7: {  	s3 =	rddreg [dreg:$0x2];
	[bflag:$0x3] =	sbarrier.arrive $0xFFFF;
	s2 =	simm.s32 @!p0 $0x1C03  }
0x1e8: {  	[timem:s3], [sflag:s2] =	dma.local @!p0 [hbm:s0], s1  }
0x1e9: {  	s0 =	simm.s32 @!p0 $0x3  }
0x1ea: {  	_ =	swait.ge @!p0 [sflag:s0], s1  }
0x1eb: {  	s1 =	ssub.s32 @!p0 $0x0, s1;
	[sflag:s0] =	ssyncset.done @!p0 $0x0  }
0x1ec: {  	[sflag:s0] =	ssyncadd.s32 @!p0 s1  }
0x1ed: {  	[bflag:$0x3] =	sbarrier.arrive $0xFFFF  }
0x1ee: {  	_ =	shalt  }

</sc_bundles>
